<compile_context>
chip_gen: v7x
topology: tpu7x:2x2x1
jax: 0.10.2.dev20260603
libtpu: 0.0.44.dev20260713+nightly
codegen_flags: <defaults>
</compile_context>

<pallas_src>
import functools
import math

import jax
import jax.numpy as jnp
from jax import lax
from jax.experimental import pallas as pl
from jax.experimental.pallas import tpu as pltpu
from jax.experimental.pallas import tpu_sc as plsc

_EMB = 64
_SCALE = math.sqrt(_EMB)
_LANES = 16


@functools.lru_cache(maxsize=None)
def _build(B0, T, V, D):
    NC, NS = 2, 16
    NW = NC * NS
    B = B0 * T
    b_per_w = B // NW
    C = 256
    CB = C // 128
    assert B0 % C == 0 and b_per_w % C == 0
    n_chunks = b_per_w // C
    chunks_per_t = B0 // C
    half = n_chunks // 2
    assert n_chunks % 2 == 0
    DT = D // 8

    mesh = plsc.VectorSubcoreMesh(core_axis_name="c", subcore_axis_name="s")

    @functools.partial(
        pl.kernel,
        mesh=mesh,
        out_type=jax.ShapeDtypeStruct((T, DT, B0 // 128, 8 * 128), jnp.float32),
        scratch_types=[
            pltpu.VMEM((b_per_w,), jnp.int32),
            pltpu.VMEM((C, D), jnp.float32),
            pltpu.VMEM((C, D), jnp.float32),
            pltpu.VMEM((DT, CB, 8 * 128), jnp.float32),
            pltpu.VMEM((DT, CB, 8 * 128), jnp.float32),
            pltpu.VMEM((16, 16), jnp.int32),
            pltpu.VMEM((16, 16), jnp.int32),
            pltpu.VMEM((16, 16), jnp.int32),
            pltpu.SemaphoreType.DMA,
            pltpu.SemaphoreType.DMA,
            pltpu.SemaphoreType.DMA,
            pltpu.SemaphoreType.DMA,
        ],
        compiler_params=pltpu.CompilerParams(
            use_tc_tiling_on_sc=False, needs_layout_passes=False),
    )
    def emb_kernel(table_hbm, tok_hbm, out_hbm, idx_v, g0, g1, s0, s1,
                   ptab, itab, etab, sg0, sg1, ss0, ss1):
        wid = lax.axis_index("s") * NC + lax.axis_index("c")
        base = wid * n_chunks
        gb, sb = (g0, g1), (s0, s1)
        sems_g, sems_s = (sg0, sg1), (ss0, ss1)
        iota16 = lax.iota(jnp.int32, 16)

        def tab_body(sh, carry):
            p = (iota16 + sh) & 15
            ptab[sh, :] = p
            itab[sh, :] = p >> 3
            etab[sh, :] = (p & 7) * 128 + iota16
            return carry

        lax.fori_loop(0, 16, tab_body, 0)

        pltpu.sync_copy(tok_hbm.at[pl.ds(base * C, b_per_w)], idx_v)

        def gather(k, b):
            return pltpu.make_async_copy(
                table_hbm.at[idx_v.at[pl.ds(k * C, C)]], gb[b], sems_g[b])

        def scatter(k, b):
            cid = base + k
            t = cid // chunks_per_t
            bb = (cid % chunks_per_t) * CB
            return pltpu.make_async_copy(
                sb[b], out_hbm.at[t, :, pl.ds(bb, CB), :], sems_s[b])

        jvecs = [jnp.full((16,), j, jnp.int32) for j in range(CB)]

        def transpose_scale(b):
            g, s = gb[b], sb[b]

            def sh_body(sh, carry):
                p = ptab[sh, :]
                iad = itab[sh, :]
                eb = etab[sh, :]
                iads = [iad + i for i in range(DT)]
                for kk2 in range(128 // _LANES // 2):
                    vals, sidx = [], []
                    for kk in (2 * kk2, 2 * kk2 + 1):
                        eb_k = eb + kk * _LANES
                        for j in range(CB):
                            rows = iota16 + (j * 128 + kk * _LANES)
                            for d0 in range(0, D, 16):
                                v = plsc.load_gather(g, [rows, p + d0])
                                vals.append(v * _SCALE)
                                sidx.append((iads[d0 >> 3], jvecs[j], eb_k))
                    for v, (ii, jj, ee) in zip(vals, sidx):
                        plsc.store_scatter(s, [ii, jj, ee], v)
                return carry

            lax.fori_loop(0, 16, sh_body, 0)

        gather(0, 0).start()
        gather(1, 1).start()

        def ring(tt, carry):
            for b in range(2):
                k = 2 * tt + b
                gather(k, b).wait()

                @pl.when(tt > 0)
                def _():
                    scatter(k - 2, b).wait()

                transpose_scale(b)
                scatter(k, b).start()

                @pl.when(tt < half - 1)
                def _():
                    gather(k + 2, b).start()

            return carry

        lax.fori_loop(0, half, ring, 0)

        for b in range(2):
            scatter(n_chunks - 2 + b, b).wait()

    return emb_kernel


def kernel(tokens, table):
    B0, T = tokens.shape
    V, D = table.shape
    flat = tokens.T.reshape(B0 * T).astype(jnp.int32)
    out4 = _build(B0, T, V, D)(table, flat)
    out = (
        out4.reshape(T, D // 8, B0 // 128, 8, 128)
        .transpose(2, 4, 0, 1, 3)
        .reshape(B0, T, D)
    )
    return out

# --- scband reference (transcript-rebuilt; emitter-appended) ---
"""Pipeline reference for scband-token-embedding-68779606278816 (READ-ONLY COPY).

The authoritative reference and input builder live on the scoring server;
editing this copy changes nothing except your own understanding.
"""

import jax, jax.numpy as jnp
import numpy as np
import math

VOCAB = 100000
EMB = 64

def setup_inputs(seed: int = 0) -> dict:
    key = jax.random.key(seed)
    k1, k2 = jax.random.split(key)
    tokens = jax.random.randint(k1, (4096, 200), 0, VOCAB, dtype=jnp.int64 if jax.config.jax_enable_x64 else jnp.int32)
    table = jax.random.normal(k2, (VOCAB, EMB), dtype=jnp.float32)
    return {"tokens": tokens, "table": table}

def reference(tokens, table):
    # TokenEmbedding.forward: embedding lookup scaled by sqrt(emb_size)
    emb = jnp.take(table, tokens, axis=0)
    return emb * math.sqrt(EMB)

if __name__ == "__main__":
    import jax
    _d = setup_inputs()
    print(jax.jit(kernel)(*tuple(_d.values())))

</pallas_src>

<mosaic_0001>
#map = affine_map<(d0, d1) -> (0, 0)>
#map1 = affine_map<(d0, d1) -> (0)>
#map2 = affine_map<(d0, d1) -> (0, 0, 0, 0)>
module attributes {stable_mosaic.version = 14 : i64} {
  func.func @emb_kernel(%arg0: i32, %arg1: i32, %arg2: memref<100000x64xf32, #tpu.memory_space<hbm>>, %arg3: memref<819200xi32, #tpu.memory_space<hbm>>, %arg4: memref<200x8x32x1024xf32, #tpu.memory_space<hbm>>, %arg5: memref<25600xi32, #tpu.memory_space<vmem>>, %arg6: memref<256x64xf32, #tpu.memory_space<vmem>>, %arg7: memref<256x64xf32, #tpu.memory_space<vmem>>, %arg8: memref<8x2x1024xf32, #tpu.memory_space<vmem>>, %arg9: memref<8x2x1024xf32, #tpu.memory_space<vmem>>, %arg10: memref<16x16xi32, #tpu.memory_space<vmem>>, %arg11: memref<16x16xi32, #tpu.memory_space<vmem>>, %arg12: memref<16x16xi32, #tpu.memory_space<vmem>>, %arg13: memref<!tpu.dma_semaphore, #tpu.memory_space<semaphore_mem>>, %arg14: memref<!tpu.dma_semaphore, #tpu.memory_space<semaphore_mem>>, %arg15: memref<!tpu.dma_semaphore, #tpu.memory_space<semaphore_mem>>, %arg16: memref<!tpu.dma_semaphore, #tpu.memory_space<semaphore_mem>>) attributes {dimension_semantics = [#tpu.dimension_semantics<core_parallel>, #tpu.dimension_semantics<subcore_parallel>], iteration_bounds = array<i64: 2, 16>, scalar_prefetch = 0 : i64, scratch_operands = 12 : i64, tpu.core_type = #tpu.core_type<sc_vector_subcore>, window_params = [{transform_indices = #map}, {transform_indices = #map1}, {transform_indices = #map2}]} {
    %mul3A = arith.constant 2 : i32
    %mul3A_0 = arith.muli %arg1, %mul3A : i32
    %add3A = arith.addi %mul3A_0, %arg0 : i32
    %mul3A_1 = arith.constant 100 : i32
    %mul3A_2 = arith.muli %add3A, %mul3A_1 : i32
    %iota3A = tpu.iota {dimensions = array<i32: 0>} : vector<16xi32>
    %scan3A = arith.constant 0 : i32
    %scan3A_3 = arith.constant 0 : i32
    %scan3A_4 = arith.constant 16 : i32
    %scan3A_5 = arith.addi %scan3A_3, %scan3A_4 : i32
    %scan3A_6 = arith.constant 1 : i32
    scf.for %scan3A_121 = %scan3A_3 to %scan3A_5 step %scan3A_6  : i32 {
      %add3A_122 = vector.broadcast %scan3A_121 : i32 to vector<16xi32>
      %add3A_123 = arith.addi %iota3A, %add3A_122 : vector<16xi32>
      %and3A_124 = arith.constant 15 : i32
      %and3A_125 = vector.broadcast %and3A_124 : i32 to vector<16xi32>
      %and3A_126 = arith.andi %add3A_123, %and3A_125 : vector<16xi32>
      %swap3A = arith.index_cast %scan3A_121 : i32 to index
      %swap3A_127 = arith.constant 0 : index
      %swap3A_128 = tpu.vector_load %arg10[%swap3A, %swap3A_127] {strides = array<i32>} : memref<16x16xi32, #tpu.memory_space<vmem>>, vector<16xi32>,
      tpu.vector_store %arg10[%swap3A, %swap3A_127], %and3A_126 {strides = array<i32>} : memref<16x16xi32, #tpu.memory_space<vmem>>, vector<16xi32>,
      %shift_right_arithmetic3A = arith.constant 3 : i32
      %shift_right_arithmetic3A_129 = vector.broadcast %shift_right_arithmetic3A : i32 to vector<16xi32>
      %shift_right_arithmetic3A_130 = arith.shrsi %and3A_126, %shift_right_arithmetic3A_129 : vector<16xi32>
      %swap3A_131 = arith.index_cast %scan3A_121 : i32 to index
      %swap3A_132 = arith.constant 0 : index
      %swap3A_133 = tpu.vector_load %arg11[%swap3A_131, %swap3A_132] {strides = array<i32>} : memref<16x16xi32, #tpu.memory_space<vmem>>, vector<16xi32>,
      tpu.vector_store %arg11[%swap3A_131, %swap3A_132], %shift_right_arithmetic3A_130 {strides = array<i32>} : memref<16x16xi32, #tpu.memory_space<vmem>>, vector<16xi32>,
      %and3A_134 = arith.constant 7 : i32
      %and3A_135 = vector.broadcast %and3A_134 : i32 to vector<16xi32>
      %and3A_136 = arith.andi %and3A_126, %and3A_135 : vector<16xi32>
      %mul3A_137 = arith.constant 128 : i32
      %mul3A_138 = vector.broadcast %mul3A_137 : i32 to vector<16xi32>
      %mul3A_139 = arith.muli %and3A_136, %mul3A_138 : vector<16xi32>
      %add3A_140 = arith.addi %mul3A_139, %iota3A : vector<16xi32>
      %swap3A_141 = arith.index_cast %scan3A_121 : i32 to index
      %swap3A_142 = arith.constant 0 : index
      %swap3A_143 = tpu.vector_load %arg12[%swap3A_141, %swap3A_142] {strides = array<i32>} : memref<16x16xi32, #tpu.memory_space<vmem>>, vector<16xi32>,
      tpu.vector_store %arg12[%swap3A_141, %swap3A_142], %add3A_140 {strides = array<i32>} : memref<16x16xi32, #tpu.memory_space<vmem>>, vector<16xi32>,
    }
    %scan3A_7 = arith.constant 16 : i32
    %mul3A_8 = arith.constant 256 : i32
    %mul3A_9 = arith.muli %mul3A_2, %mul3A_8 : i32
    "tpu.region"() ({
      %run_scoped3A = tpu.sem_alloc : memref<!tpu.dma_semaphore, #tpu.memory_space<semaphore_mem>>
      %dma_start3A_121 = tpu.memref_slice %arg3[%mul3A_9] : memref<819200xi32, #tpu.memory_space<hbm>> -> memref<25600xi32, #tpu.memory_space<hbm>>
      %dma_start3A_122 = tpu.memref_slice %arg3[%mul3A_9] : memref<819200xi32, #tpu.memory_space<hbm>> -> memref<25600xi32, #tpu.memory_space<hbm>>
      tpu.enqueue_dma source(%dma_start3A_122 : memref<25600xi32, #tpu.memory_space<hbm>>) target(%arg5 : memref<25600xi32, #tpu.memory_space<vmem>>) target_semaphore(%run_scoped3A : memref<!tpu.dma_semaphore, #tpu.memory_space<semaphore_mem>>)
      %dma_wait3A_123 = tpu.memref_slice %arg3[%mul3A_9] : memref<819200xi32, #tpu.memory_space<hbm>> -> memref<25600xi32, #tpu.memory_space<hbm>>
      %dma_wait3A_124 = tpu.memref_slice %arg3[%mul3A_9] : memref<819200xi32, #tpu.memory_space<hbm>> -> memref<25600xi32, #tpu.memory_space<hbm>>
      tpu.wait_dma2 semaphore(%run_scoped3A : memref<!tpu.dma_semaphore, #tpu.memory_space<semaphore_mem>>) src(%dma_wait3A_124 : memref<25600xi32, #tpu.memory_space<hbm>>) dst(%arg5 : memref<25600xi32, #tpu.memory_space<vmem>>)
      tpu.yield
    }) : () -> ()
    %broadcast_in_dim3A = arith.constant 0 : i32
    %broadcast_in_dim3A_10 = vector.broadcast %broadcast_in_dim3A : i32 to vector<16xi32>
    %broadcast_in_dim3A_11 = arith.constant 1 : i32
    %broadcast_in_dim3A_12 = vector.broadcast %broadcast_in_dim3A_11 : i32 to vector<16xi32>
    %dma_start3A = arith.constant 0 : i32
    %dma_start3A_13 = tpu.memref_slice %arg5[%dma_start3A] : memref<25600xi32, #tpu.memory_space<vmem>> -> memref<256xi32, #tpu.memory_space<vmem>>
    %dma_start3A_14 = arith.constant 0 : i32
    %dma_start3A_15 = arith.constant 0 : i32
    %dma_start3A_16 = tpu.memref_slice %arg2[%dma_start3A_14, %dma_start3A_15] : memref<100000x64xf32, #tpu.memory_space<hbm>> -> memref<100000x64xf32, #tpu.memory_space<hbm>>
    tpu.enqueue_indirect_dma source(%dma_start3A_16 : memref<100000x64xf32, #tpu.memory_space<hbm>>) target(%arg6 : memref<256x64xf32, #tpu.memory_space<vmem>>) offsets(%dma_start3A_13 : memref<256xi32, #tpu.memory_space<vmem>>) semaphore(%arg13 : memref<!tpu.dma_semaphore, #tpu.memory_space<semaphore_mem>>)
    %dma_start3A_17 = arith.constant 256 : i32
    %dma_start3A_18 = tpu.memref_slice %arg5[%dma_start3A_17] : memref<25600xi32, #tpu.memory_space<vmem>> -> memref<256xi32, #tpu.memory_space<vmem>>
    %dma_start3A_19 = arith.constant 0 : i32
    %dma_start3A_20 = arith.constant 0 : i32
    %dma_start3A_21 = tpu.memref_slice %arg2[%dma_start3A_19, %dma_start3A_20] : memref<100000x64xf32, #tpu.memory_space<hbm>> -> memref<100000x64xf32, #tpu.memory_space<hbm>>
    tpu.enqueue_indirect_dma source(%dma_start3A_21 : memref<100000x64xf32, #tpu.memory_space<hbm>>) target(%arg7 : memref<256x64xf32, #tpu.memory_space<vmem>>) offsets(%dma_start3A_18 : memref<256xi32, #tpu.memory_space<vmem>>) semaphore(%arg14 : memref<!tpu.dma_semaphore, #tpu.memory_space<semaphore_mem>>)
    %scan3A_22 = arith.constant 0 : i32
    %scan3A_23 = arith.constant 0 : i32
    %scan3A_24 = arith.constant 50 : i32
    %scan3A_25 = arith.addi %scan3A_23, %scan3A_24 : i32
    %scan3A_26 = arith.constant 1 : i32
    scf.for %scan3A_121 = %scan3A_23 to %scan3A_25 step %scan3A_26  : i32 {
      %mul3A_122 = arith.constant 2 : i32
      %mul3A_123 = arith.muli %mul3A_122, %scan3A_121 : i32
      %add3A_124 = arith.constant 0 : i32
      %add3A_125 = arith.addi %mul3A_123, %add3A_124 : i32
      %mul3A_126 = arith.constant 256 : i32
      %mul3A_127 = arith.muli %add3A_125, %mul3A_126 : i32
      %dma_wait3A_128 = tpu.memref_slice %arg5[%mul3A_127] : memref<25600xi32, #tpu.memory_space<vmem>> -> memref<256xi32, #tpu.memory_space<vmem>>
      %dma_wait3A_129 = arith.constant 0 : i32
      %dma_wait3A_130 = arith.constant 0 : i32
      %dma_wait3A_131 = tpu.memref_slice %arg2[%dma_wait3A_129, %dma_wait3A_130] : memref<100000x64xf32, #tpu.memory_space<hbm>> -> memref<100000x64xf32, #tpu.memory_space<hbm>>
      tpu.wait_indirect_dma semaphore(%arg13 : memref<!tpu.dma_semaphore, #tpu.memory_space<semaphore_mem>>) src(%dma_wait3A_131 : memref<100000x64xf32, #tpu.memory_space<hbm>>) dst(%arg6 : memref<256x64xf32, #tpu.memory_space<vmem>>)
      %gt3A = arith.constant 0 : i32
      %gt3A_132 = arith.cmpi sgt, %scan3A_121, %gt3A : i32
      %convert_element_type3A = arith.extui %gt3A_132 : i1 to i32
      %cond3A = arith.constant 0 : i32
      %cond3A_133 = arith.cmpi ne, %convert_element_type3A, %cond3A : i32
      scf.if %cond3A_133 {
        %sub3A_273 = arith.constant 2 : i32
        %sub3A_274 = arith.subi %add3A_125, %sub3A_273 : i32
        %add3A_275 = arith.addi %mul3A_2, %sub3A_274 : i32
        %jit3A_276 = arith.constant 16 : i32
        %div3A_277 = arith.divsi %add3A_275, %jit3A_276 : i32
        %sign3A_278 = arith.constant 0 : i32
        %sign3A_279 = arith.cmpi sgt, %add3A_275, %sign3A_278 : i32
        %sign3A_280 = arith.extui %sign3A_279 : i1 to i32
        %sign3A_281 = arith.constant 0 : i32
        %sign3A_282 = arith.cmpi slt, %add3A_275, %sign3A_281 : i32
        %sign3A_283 = arith.extui %sign3A_282 : i1 to i32
        %sign3A_284 = arith.subi %sign3A_280, %sign3A_283 : i32
        %sign3A_285 = arith.constant 0 : i32
        %sign3A_286 = arith.cmpi sgt, %jit3A_276, %sign3A_285 : i32
        %sign3A_287 = arith.extui %sign3A_286 : i1 to i32
        %sign3A_288 = arith.constant 0 : i32
        %sign3A_289 = arith.cmpi slt, %jit3A_276, %sign3A_288 : i32
        %sign3A_290 = arith.extui %sign3A_289 : i1 to i32
        %sign3A_291 = arith.subi %sign3A_287, %sign3A_290 : i32
        %ne3A_292 = arith.cmpi ne, %sign3A_284, %sign3A_291 : i32
        %rem3A_293 = arith.remsi %add3A_275, %jit3A_276 : i32
        %ne3A_294 = arith.constant 0 : i32
        %ne3A_295 = arith.cmpi ne, %rem3A_293, %ne3A_294 : i32
        %and3A_296 = arith.andi %ne3A_292, %ne3A_295 : i1
        %sub3A_297 = arith.constant 1 : i32
        %sub3A_298 = arith.subi %div3A_277, %sub3A_297 : i32
        %select_n3A_299 = arith.select %and3A_296, %sub3A_298, %div3A_277 : i32
        %jit3A_300 = arith.constant 16 : i32
        %eq3A_301 = arith.constant 0 : i32
        %eq3A_302 = arith.cmpi eq, %jit3A_300, %eq3A_301 : i32
        %jit3A_303 = arith.constant 1 : i32
        %select_n3A_304 = arith.select %eq3A_302, %jit3A_303, %jit3A_300 : i32
        %rem3A_305 = arith.remsi %add3A_275, %select_n3A_304 : i32
        %ne3A_306 = arith.constant 0 : i32
        %ne3A_307 = arith.cmpi ne, %rem3A_305, %ne3A_306 : i32
        %lt3A_308 = arith.constant 0 : i32
        %lt3A_309 = arith.cmpi slt, %rem3A_305, %lt3A_308 : i32
        %lt3A_310 = arith.constant 0 : i32
        %lt3A_311 = arith.cmpi slt, %select_n3A_304, %lt3A_310 : i32
        %ne3A_312 = arith.xori %lt3A_309, %lt3A_311 : i1
        %and3A_313 = arith.andi %ne3A_312, %ne3A_307 : i1
        %add3A_314 = arith.addi %rem3A_305, %select_n3A_304 : i32
        %select_n3A_315 = arith.select %and3A_313, %add3A_314, %rem3A_305 : i32
        %mul3A_316 = arith.constant 2 : i32
        %mul3A_317 = arith.muli %select_n3A_315, %mul3A_316 : i32
        %dma_wait3A_318 = arith.constant 0 : i32
        %dma_wait3A_319 = arith.constant 0 : i32
        %dma_wait3A_320 = tpu.memref_slice %arg4[%select_n3A_299, %dma_wait3A_318, %mul3A_317, %dma_wait3A_319] : memref<200x8x32x1024xf32, #tpu.memory_space<hbm>> -> memref<1x8x2x1024xf32, #tpu.memory_space<hbm>>
        %dma_wait3A_321 = tpu.memref_squeeze %dma_wait3A_320 : memref<1x8x2x1024xf32, #tpu.memory_space<hbm>> -> memref<8x2x1024xf32, #tpu.memory_space<hbm>>
        %dma_wait3A_322 = arith.constant 0 : i32
        %dma_wait3A_323 = arith.constant 0 : i32
        %dma_wait3A_324 = tpu.memref_slice %arg4[%select_n3A_299, %dma_wait3A_322, %mul3A_317, %dma_wait3A_323] : memref<200x8x32x1024xf32, #tpu.memory_space<hbm>> -> memref<1x8x2x1024xf32, #tpu.memory_space<hbm>>
        %dma_wait3A_325 = tpu.memref_squeeze %dma_wait3A_324 : memref<1x8x2x1024xf32, #tpu.memory_space<hbm>> -> memref<8x2x1024xf32, #tpu.memory_space<hbm>>
        tpu.wait_dma2 semaphore(%arg15 : memref<!tpu.dma_semaphore, #tpu.memory_space<semaphore_mem>>) src(%arg8 : memref<8x2x1024xf32, #tpu.memory_space<vmem>>) dst(%dma_wait3A_325 : memref<8x2x1024xf32, #tpu.memory_space<hbm>>)
      } else {
      }
      %scan3A_134 = arith.constant 0 : i32
      %scan3A_135 = arith.constant 0 : i32
      %scan3A_136 = arith.constant 16 : i32
      %scan3A_137 = arith.addi %scan3A_135, %scan3A_136 : i32
      %scan3A_138 = arith.constant 1 : i32
      scf.for %scan3A_273 = %scan3A_135 to %scan3A_137 step %scan3A_138  : i32 {
        %get3A = arith.index_cast %scan3A_273 : i32 to index
        %get3A_274 = arith.constant 0 : index
        %get3A_275 = tpu.vector_load %arg10[%get3A, %get3A_274] {strides = array<i32>} : memref<16x16xi32, #tpu.memory_space<vmem>>, vector<16xi32>,
        %get3A_276 = arith.index_cast %scan3A_273 : i32 to index
        %get3A_277 = arith.constant 0 : index
        %get3A_278 = tpu.vector_load %arg11[%get3A_276, %get3A_277] {strides = array<i32>} : memref<16x16xi32, #tpu.memory_space<vmem>>, vector<16xi32>,
        %get3A_279 = arith.index_cast %scan3A_273 : i32 to index
        %get3A_280 = arith.constant 0 : index
        %get3A_281 = tpu.vector_load %arg12[%get3A_279, %get3A_280] {strides = array<i32>} : memref<16x16xi32, #tpu.memory_space<vmem>>, vector<16xi32>,
        %add3A_282 = arith.constant 0 : i32
        %add3A_283 = vector.broadcast %add3A_282 : i32 to vector<16xi32>
        %add3A_284 = arith.addi %get3A_278, %add3A_283 : vector<16xi32>
        %add3A_285 = arith.constant 1 : i32
        %add3A_286 = vector.broadcast %add3A_285 : i32 to vector<16xi32>
        %add3A_287 = arith.addi %get3A_278, %add3A_286 : vector<16xi32>
        %add3A_288 = arith.constant 2 : i32
        %add3A_289 = vector.broadcast %add3A_288 : i32 to vector<16xi32>
        %add3A_290 = arith.addi %get3A_278, %add3A_289 : vector<16xi32>
        %add3A_291 = arith.constant 3 : i32
        %add3A_292 = vector.broadcast %add3A_291 : i32 to vector<16xi32>
        %add3A_293 = arith.addi %get3A_278, %add3A_292 : vector<16xi32>
        %add3A_294 = arith.constant 4 : i32
        %add3A_295 = vector.broadcast %add3A_294 : i32 to vector<16xi32>
        %add3A_296 = arith.addi %get3A_278, %add3A_295 : vector<16xi32>
        %add3A_297 = arith.constant 5 : i32
        %add3A_298 = vector.broadcast %add3A_297 : i32 to vector<16xi32>
        %add3A_299 = arith.addi %get3A_278, %add3A_298 : vector<16xi32>
        %add3A_300 = arith.constant 6 : i32
        %add3A_301 = vector.broadcast %add3A_300 : i32 to vector<16xi32>
        %add3A_302 = arith.addi %get3A_278, %add3A_301 : vector<16xi32>
        %add3A_303 = arith.constant 7 : i32
        %add3A_304 = vector.broadcast %add3A_303 : i32 to vector<16xi32>
        %add3A_305 = arith.addi %get3A_278, %add3A_304 : vector<16xi32>
        %add3A_306 = arith.constant 0 : i32
        %add3A_307 = vector.broadcast %add3A_306 : i32 to vector<16xi32>
        %add3A_308 = arith.addi %get3A_281, %add3A_307 : vector<16xi32>
        %add3A_309 = arith.constant 0 : i32
        %add3A_310 = vector.broadcast %add3A_309 : i32 to vector<16xi32>
        %add3A_311 = arith.addi %iota3A, %add3A_310 : vector<16xi32>
        %add3A_312 = arith.constant 0 : i32
        %add3A_313 = vector.broadcast %add3A_312 : i32 to vector<16xi32>
        %add3A_314 = arith.addi %get3A_275, %add3A_313 : vector<16xi32>
        %gather3A = tpu.vector_load_idx %arg6[%add3A_311, %add3A_314] : memref<256x64xf32, #tpu.memory_space<vmem>>[vector<16xi32>, vector<16xi32>], vector<16xf32>,
        %mul3A_315 = arith.constant 8.000000e+00 : f32
        %mul3A_316 = vector.broadcast %mul3A_315 : f32 to vector<16xf32>
        %mul3A_317 = arith.mulf %gather3A, %mul3A_316 : vector<16xf32>
        %add3A_318 = arith.constant 16 : i32
        %add3A_319 = vector.broadcast %add3A_318 : i32 to vector<16xi32>
        %add3A_320 = arith.addi %get3A_275, %add3A_319 : vector<16xi32>
        %gather3A_321 = tpu.vector_load_idx %arg6[%add3A_311, %add3A_320] : memref<256x64xf32, #tpu.memory_space<vmem>>[vector<16xi32>, vector<16xi32>], vector<16xf32>,
        %mul3A_322 = arith.constant 8.000000e+00 : f32
        %mul3A_323 = vector.broadcast %mul3A_322 : f32 to vector<16xf32>
        %mul3A_324 = arith.mulf %gather3A_321, %mul3A_323 : vector<16xf32>
        %add3A_325 = arith.constant 32 : i32
        %add3A_326 = vector.broadcast %add3A_325 : i32 to vector<16xi32>
        %add3A_327 = arith.addi %get3A_275, %add3A_326 : vector<16xi32>
        %gather3A_328 = tpu.vector_load_idx %arg6[%add3A_311, %add3A_327] : memref<256x64xf32, #tpu.memory_space<vmem>>[vector<16xi32>, vector<16xi32>], vector<16xf32>,
        %mul3A_329 = arith.constant 8.000000e+00 : f32
        %mul3A_330 = vector.broadcast %mul3A_329 : f32 to vector<16xf32>
        %mul3A_331 = arith.mulf %gather3A_328, %mul3A_330 : vector<16xf32>
        %add3A_332 = arith.constant 48 : i32
        %add3A_333 = vector.broadcast %add3A_332 : i32 to vector<16xi32>
        %add3A_334 = arith.addi %get3A_275, %add3A_333 : vector<16xi32>
        %gather3A_335 = tpu.vector_load_idx %arg6[%add3A_311, %add3A_334] : memref<256x64xf32, #tpu.memory_space<vmem>>[vector<16xi32>, vector<16xi32>], vector<16xf32>,
        %mul3A_336 = arith.constant 8.000000e+00 : f32
        %mul3A_337 = vector.broadcast %mul3A_336 : f32 to vector<16xf32>
        %mul3A_338 = arith.mulf %gather3A_335, %mul3A_337 : vector<16xf32>
        %add3A_339 = arith.constant 128 : i32
        %add3A_340 = vector.broadcast %add3A_339 : i32 to vector<16xi32>
        %add3A_341 = arith.addi %iota3A, %add3A_340 : vector<16xi32>
        %add3A_342 = arith.constant 0 : i32
        %add3A_343 = vector.broadcast %add3A_342 : i32 to vector<16xi32>
        %add3A_344 = arith.addi %get3A_275, %add3A_343 : vector<16xi32>
        %gather3A_345 = tpu.vector_load_idx %arg6[%add3A_341, %add3A_344] : memref<256x64xf32, #tpu.memory_space<vmem>>[vector<16xi32>, vector<16xi32>], vector<16xf32>,
        %mul3A_346 = arith.constant 8.000000e+00 : f32
        %mul3A_347 = vector.broadcast %mul3A_346 : f32 to vector<16xf32>
        %mul3A_348 = arith.mulf %gather3A_345, %mul3A_347 : vector<16xf32>
        %add3A_349 = arith.constant 16 : i32
        %add3A_350 = vector.broadcast %add3A_349 : i32 to vector<16xi32>
        %add3A_351 = arith.addi %get3A_275, %add3A_350 : vector<16xi32>
        %gather3A_352 = tpu.vector_load_idx %arg6[%add3A_341, %add3A_351] : memref<256x64xf32, #tpu.memory_space<vmem>>[vector<16xi32>, vector<16xi32>], vector<16xf32>,
        %mul3A_353 = arith.constant 8.000000e+00 : f32
        %mul3A_354 = vector.broadcast %mul3A_353 : f32 to vector<16xf32>
        %mul3A_355 = arith.mulf %gather3A_352, %mul3A_354 : vector<16xf32>
        %add3A_356 = arith.constant 32 : i32
        %add3A_357 = vector.broadcast %add3A_356 : i32 to vector<16xi32>
        %add3A_358 = arith.addi %get3A_275, %add3A_357 : vector<16xi32>
        %gather3A_359 = tpu.vector_load_idx %arg6[%add3A_341, %add3A_358] : memref<256x64xf32, #tpu.memory_space<vmem>>[vector<16xi32>, vector<16xi32>], vector<16xf32>,
        %mul3A_360 = arith.constant 8.000000e+00 : f32
        %mul3A_361 = vector.broadcast %mul3A_360 : f32 to vector<16xf32>
        %mul3A_362 = arith.mulf %gather3A_359, %mul3A_361 : vector<16xf32>
        %add3A_363 = arith.constant 48 : i32
        %add3A_364 = vector.broadcast %add3A_363 : i32 to vector<16xi32>
        %add3A_365 = arith.addi %get3A_275, %add3A_364 : vector<16xi32>
        %gather3A_366 = tpu.vector_load_idx %arg6[%add3A_341, %add3A_365] : memref<256x64xf32, #tpu.memory_space<vmem>>[vector<16xi32>, vector<16xi32>], vector<16xf32>,
        %mul3A_367 = arith.constant 8.000000e+00 : f32
        %mul3A_368 = vector.broadcast %mul3A_367 : f32 to vector<16xf32>
        %mul3A_369 = arith.mulf %gather3A_366, %mul3A_368 : vector<16xf32>
        %add3A_370 = arith.constant 16 : i32
        %add3A_371 = vector.broadcast %add3A_370 : i32 to vector<16xi32>
        %add3A_372 = arith.addi %get3A_281, %add3A_371 : vector<16xi32>
        %add3A_373 = arith.constant 16 : i32
        %add3A_374 = vector.broadcast %add3A_373 : i32 to vector<16xi32>
        %add3A_375 = arith.addi %iota3A, %add3A_374 : vector<16xi32>
        %add3A_376 = arith.constant 0 : i32
        %add3A_377 = vector.broadcast %add3A_376 : i32 to vector<16xi32>
        %add3A_378 = arith.addi %get3A_275, %add3A_377 : vector<16xi32>
        %gather3A_379 = tpu.vector_load_idx %arg6[%add3A_375, %add3A_378] : memref<256x64xf32, #tpu.memory_space<vmem>>[vector<16xi32>, vector<16xi32>], vector<16xf32>,
        %mul3A_380 = arith.constant 8.000000e+00 : f32
        %mul3A_381 = vector.broadcast %mul3A_380 : f32 to vector<16xf32>
        %mul3A_382 = arith.mulf %gather3A_379, %mul3A_381 : vector<16xf32>
        %add3A_383 = arith.constant 16 : i32
        %add3A_384 = vector.broadcast %add3A_383 : i32 to vector<16xi32>
        %add3A_385 = arith.addi %get3A_275, %add3A_384 : vector<16xi32>
        %gather3A_386 = tpu.vector_load_idx %arg6[%add3A_375, %add3A_385] : memref<256x64xf32, #tpu.memory_space<vmem>>[vector<16xi32>, vector<16xi32>], vector<16xf32>,
        %mul3A_387 = arith.constant 8.000000e+00 : f32
        %mul3A_388 = vector.broadcast %mul3A_387 : f32 to vector<16xf32>
        %mul3A_389 = arith.mulf %gather3A_386, %mul3A_388 : vector<16xf32>
        %add3A_390 = arith.constant 32 : i32
        %add3A_391 = vector.broadcast %add3A_390 : i32 to vector<16xi32>
        %add3A_392 = arith.addi %get3A_275, %add3A_391 : vector<16xi32>
        %gather3A_393 = tpu.vector_load_idx %arg6[%add3A_375, %add3A_392] : memref<256x64xf32, #tpu.memory_space<vmem>>[vector<16xi32>, vector<16xi32>], vector<16xf32>,
        %mul3A_394 = arith.constant 8.000000e+00 : f32
        %mul3A_395 = vector.broadcast %mul3A_394 : f32 to vector<16xf32>
        %mul3A_396 = arith.mulf %gather3A_393, %mul3A_395 : vector<16xf32>
        %add3A_397 = arith.constant 48 : i32
        %add3A_398 = vector.broadcast %add3A_397 : i32 to vector<16xi32>
        %add3A_399 = arith.addi %get3A_275, %add3A_398 : vector<16xi32>
        %gather3A_400 = tpu.vector_load_idx %arg6[%add3A_375, %add3A_399] : memref<256x64xf32, #tpu.memory_space<vmem>>[vector<16xi32>, vector<16xi32>], vector<16xf32>,
        %mul3A_401 = arith.constant 8.000000e+00 : f32
        %mul3A_402 = vector.broadcast %mul3A_401 : f32 to vector<16xf32>
        %mul3A_403 = arith.mulf %gather3A_400, %mul3A_402 : vector<16xf32>
        %add3A_404 = arith.constant 144 : i32
        %add3A_405 = vector.broadcast %add3A_404 : i32 to vector<16xi32>
        %add3A_406 = arith.addi %iota3A, %add3A_405 : vector<16xi32>
        %add3A_407 = arith.constant 0 : i32
        %add3A_408 = vector.broadcast %add3A_407 : i32 to vector<16xi32>
        %add3A_409 = arith.addi %get3A_275, %add3A_408 : vector<16xi32>
        %gather3A_410 = tpu.vector_load_idx %arg6[%add3A_406, %add3A_409] : memref<256x64xf32, #tpu.memory_space<vmem>>[vector<16xi32>, vector<16xi32>], vector<16xf32>,
        %mul3A_411 = arith.constant 8.000000e+00 : f32
        %mul3A_412 = vector.broadcast %mul3A_411 : f32 to vector<16xf32>
        %mul3A_413 = arith.mulf %gather3A_410, %mul3A_412 : vector<16xf32>
        %add3A_414 = arith.constant 16 : i32
        %add3A_415 = vector.broadcast %add3A_414 : i32 to vector<16xi32>
        %add3A_416 = arith.addi %get3A_275, %add3A_415 : vector<16xi32>
        %gather3A_417 = tpu.vector_load_idx %arg6[%add3A_406, %add3A_416] : memref<256x64xf32, #tpu.memory_space<vmem>>[vector<16xi32>, vector<16xi32>], vector<16xf32>,
        %mul3A_418 = arith.constant 8.000000e+00 : f32
        %mul3A_419 = vector.broadcast %mul3A_418 : f32 to vector<16xf32>
        %mul3A_420 = arith.mulf %gather3A_417, %mul3A_419 : vector<16xf32>
        %add3A_421 = arith.constant 32 : i32
        %add3A_422 = vector.broadcast %add3A_421 : i32 to vector<16xi32>
        %add3A_423 = arith.addi %get3A_275, %add3A_422 : vector<16xi32>
        %gather3A_424 = tpu.vector_load_idx %arg6[%add3A_406, %add3A_423] : memref<256x64xf32, #tpu.memory_space<vmem>>[vector<16xi32>, vector<16xi32>], vector<16xf32>,
        %mul3A_425 = arith.constant 8.000000e+00 : f32
        %mul3A_426 = vector.broadcast %mul3A_425 : f32 to vector<16xf32>
        %mul3A_427 = arith.mulf %gather3A_424, %mul3A_426 : vector<16xf32>
        %add3A_428 = arith.constant 48 : i32
        %add3A_429 = vector.broadcast %add3A_428 : i32 to vector<16xi32>
        %add3A_430 = arith.addi %get3A_275, %add3A_429 : vector<16xi32>
        %gather3A_431 = tpu.vector_load_idx %arg6[%add3A_406, %add3A_430] : memref<256x64xf32, #tpu.memory_space<vmem>>[vector<16xi32>, vector<16xi32>], vector<16xf32>,
        %mul3A_432 = arith.constant 8.000000e+00 : f32
        %mul3A_433 = vector.broadcast %mul3A_432 : f32 to vector<16xf32>
        %mul3A_434 = arith.mulf %gather3A_431, %mul3A_433 : vector<16xf32>
        tpu.vector_store_idx %arg8[%add3A_284, %broadcast_in_dim3A_10, %add3A_308], %mul3A_317 : memref<8x2x1024xf32, #tpu.memory_space<vmem>>[vector<16xi32>, vector<16xi32>, vector<16xi32>], vector<16xf32>,
        tpu.vector_store_idx %arg8[%add3A_290, %broadcast_in_dim3A_10, %add3A_308], %mul3A_324 : memref<8x2x1024xf32, #tpu.memory_space<vmem>>[vector<16xi32>, vector<16xi32>, vector<16xi32>], vector<16xf32>,
        tpu.vector_store_idx %arg8[%add3A_296, %broadcast_in_dim3A_10, %add3A_308], %mul3A_331 : memref<8x2x1024xf32, #tpu.memory_space<vmem>>[vector<16xi32>, vector<16xi32>, vector<16xi32>], vector<16xf32>,
        tpu.vector_store_idx %arg8[%add3A_302, %broadcast_in_dim3A_10, %add3A_308], %mul3A_338 : memref<8x2x1024xf32, #tpu.memory_space<vmem>>[vector<16xi32>, vector<16xi32>, vector<16xi32>], vector<16xf32>,
        tpu.vector_store_idx %arg8[%add3A_284, %broadcast_in_dim3A_12, %add3A_308], %mul3A_348 : memref<8x2x1024xf32, #tpu.memory_space<vmem>>[vector<16xi32>, vector<16xi32>, vector<16xi32>], vector<16xf32>,
        tpu.vector_store_idx %arg8[%add3A_290, %broadcast_in_dim3A_12, %add3A_308], %mul3A_355 : memref<8x2x1024xf32, #tpu.memory_space<vmem>>[vector<16xi32>, vector<16xi32>, vector<16xi32>], vector<16xf32>,
        tpu.vector_store_idx %arg8[%add3A_296, %broadcast_in_dim3A_12, %add3A_308], %mul3A_362 : memref<8x2x1024xf32, #tpu.memory_space<vmem>>[vector<16xi32>, vector<16xi32>, vector<16xi32>], vector<16xf32>,
        tpu.vector_store_idx %arg8[%add3A_302, %broadcast_in_dim3A_12, %add3A_308], %mul3A_369 : memref<8x2x1024xf32, #tpu.memory_space<vmem>>[vector<16xi32>, vector<16xi32>, vector<16xi32>], vector<16xf32>,
        tpu.vector_store_idx %arg8[%add3A_284, %broadcast_in_dim3A_10, %add3A_372], %mul3A_382 : memref<8x2x1024xf32, #tpu.memory_space<vmem>>[vector<16xi32>, vector<16xi32>, vector<16xi32>], vector<16xf32>,
        tpu.vector_store_idx %arg8[%add3A_290, %broadcast_in_dim3A_10, %add3A_372], %mul3A_389 : memref<8x2x1024xf32, #tpu.memory_space<vmem>>[vector<16xi32>, vector<16xi32>, vector<16xi32>], vector<16xf32>,
        tpu.vector_store_idx %arg8[%add3A_296, %broadcast_in_dim3A_10, %add3A_372], %mul3A_396 : memref<8x2x1024xf32, #tpu.memory_space<vmem>>[vector<16xi32>, vector<16xi32>, vector<16xi32>], vector<16xf32>,
        tpu.vector_store_idx %arg8[%add3A_302, %broadcast_in_dim3A_10, %add3A_372], %mul3A_403 : memref<8x2x1024xf32, #tpu.memory_space<vmem>>[vector<16xi32>, vector<16xi32>, vector<16xi32>], vector<16xf32>,
        tpu.vector_store_idx %arg8[%add3A_284, %broadcast_in_dim3A_12, %add3A_372], %mul3A_413 : memref<8x2x1024xf32, #tpu.memory_space<vmem>>[vector<16xi32>, vector<16xi32>, vector<16xi32>], vector<16xf32>,
        tpu.vector_store_idx %arg8[%add3A_290, %broadcast_in_dim3A_12, %add3A_372], %mul3A_420 : memref<8x2x1024xf32, #tpu.memory_space<vmem>>[vector<16xi32>, vector<16xi32>, vector<16xi32>], vector<16xf32>,
        tpu.vector_store_idx %arg8[%add3A_296, %broadcast_in_dim3A_12, %add3A_372], %mul3A_427 : memref<8x2x1024xf32, #tpu.memory_space<vmem>>[vector<16xi32>, vector<16xi32>, vector<16xi32>], vector<16xf32>,
        tpu.vector_store_idx %arg8[%add3A_302, %broadcast_in_dim3A_12, %add3A_372], %mul3A_434 : memref<8x2x1024xf32, #tpu.memory_space<vmem>>[vector<16xi32>, vector<16xi32>, vector<16xi32>], vector<16xf32>,
        %add3A_435 = arith.constant 32 : i32
        %add3A_436 = vector.broadcast %add3A_435 : i32 to vector<16xi32>
        %add3A_437 = arith.addi %get3A_281, %add3A_436 : vector<16xi32>
        %add3A_438 = arith.constant 32 : i32
        %add3A_439 = vector.broadcast %add3A_438 : i32 to vector<16xi32>
        %add3A_440 = arith.addi %iota3A, %add3A_439 : vector<16xi32>
        %add3A_441 = arith.constant 0 : i32
        %add3A_442 = vector.broadcast %add3A_441 : i32 to vector<16xi32>
        %add3A_443 = arith.addi %get3A_275, %add3A_442 : vector<16xi32>
        %gather3A_444 = tpu.vector_load_idx %arg6[%add3A_440, %add3A_443] : memref<256x64xf32, #tpu.memory_space<vmem>>[vector<16xi32>, vector<16xi32>], vector<16xf32>,
        %mul3A_445 = arith.constant 8.000000e+00 : f32
        %mul3A_446 = vector.broadcast %mul3A_445 : f32 to vector<16xf32>
        %mul3A_447 = arith.mulf %gather3A_444, %mul3A_446 : vector<16xf32>
        %add3A_448 = arith.constant 16 : i32
        %add3A_449 = vector.broadcast %add3A_448 : i32 to vector<16xi32>
        %add3A_450 = arith.addi %get3A_275, %add3A_449 : vector<16xi32>
        %gather3A_451 = tpu.vector_load_idx %arg6[%add3A_440, %add3A_450] : memref<256x64xf32, #tpu.memory_space<vmem>>[vector<16xi32>, vector<16xi32>], vector<16xf32>,
        %mul3A_452 = arith.constant 8.000000e+00 : f32
        %mul3A_453 = vector.broadcast %mul3A_452 : f32 to vector<16xf32>
        %mul3A_454 = arith.mulf %gather3A_451, %mul3A_453 : vector<16xf32>
        %add3A_455 = arith.constant 32 : i32
        %add3A_456 = vector.broadcast %add3A_455 : i32 to vector<16xi32>
        %add3A_457 = arith.addi %get3A_275, %add3A_456 : vector<16xi32>
        %gather3A_458 = tpu.vector_load_idx %arg6[%add3A_440, %add3A_457] : memref<256x64xf32, #tpu.memory_space<vmem>>[vector<16xi32>, vector<16xi32>], vector<16xf32>,
        %mul3A_459 = arith.constant 8.000000e+00 : f32
        %mul3A_460 = vector.broadcast %mul3A_459 : f32 to vector<16xf32>
        %mul3A_461 = arith.mulf %gather3A_458, %mul3A_460 : vector<16xf32>
        %add3A_462 = arith.constant 48 : i32
        %add3A_463 = vector.broadcast %add3A_462 : i32 to vector<16xi32>
        %add3A_464 = arith.addi %get3A_275, %add3A_463 : vector<16xi32>
        %gather3A_465 = tpu.vector_load_idx %arg6[%add3A_440, %add3A_464] : memref<256x64xf32, #tpu.memory_space<vmem>>[vector<16xi32>, vector<16xi32>], vector<16xf32>,
        %mul3A_466 = arith.constant 8.000000e+00 : f32
        %mul3A_467 = vector.broadcast %mul3A_466 : f32 to vector<16xf32>
        %mul3A_468 = arith.mulf %gather3A_465, %mul3A_467 : vector<16xf32>
        %add3A_469 = arith.constant 160 : i32
        %add3A_470 = vector.broadcast %add3A_469 : i32 to vector<16xi32>
        %add3A_471 = arith.addi %iota3A, %add3A_470 : vector<16xi32>
        %add3A_472 = arith.constant 0 : i32
        %add3A_473 = vector.broadcast %add3A_472 : i32 to vector<16xi32>
        %add3A_474 = arith.addi %get3A_275, %add3A_473 : vector<16xi32>
        %gather3A_475 = tpu.vector_load_idx %arg6[%add3A_471, %add3A_474] : memref<256x64xf32, #tpu.memory_space<vmem>>[vector<16xi32>, vector<16xi32>], vector<16xf32>,
        %mul3A_476 = arith.constant 8.000000e+00 : f32
        %mul3A_477 = vector.broadcast %mul3A_476 : f32 to vector<16xf32>
        %mul3A_478 = arith.mulf %gather3A_475, %mul3A_477 : vector<16xf32>
        %add3A_479 = arith.constant 16 : i32
        %add3A_480 = vector.broadcast %add3A_479 : i32 to vector<16xi32>
        %add3A_481 = arith.addi %get3A_275, %add3A_480 : vector<16xi32>
        %gather3A_482 = tpu.vector_load_idx %arg6[%add3A_471, %add3A_481] : memref<256x64xf32, #tpu.memory_space<vmem>>[vector<16xi32>, vector<16xi32>], vector<16xf32>,
        %mul3A_483 = arith.constant 8.000000e+00 : f32
        %mul3A_484 = vector.broadcast %mul3A_483 : f32 to vector<16xf32>
        %mul3A_485 = arith.mulf %gather3A_482, %mul3A_484 : vector<16xf32>
        %add3A_486 = arith.constant 32 : i32
        %add3A_487 = vector.broadcast %add3A_486 : i32 to vector<16xi32>
        %add3A_488 = arith.addi %get3A_275, %add3A_487 : vector<16xi32>
        %gather3A_489 = tpu.vector_load_idx %arg6[%add3A_471, %add3A_488] : memref<256x64xf32, #tpu.memory_space<vmem>>[vector<16xi32>, vector<16xi32>], vector<16xf32>,
        %mul3A_490 = arith.constant 8.000000e+00 : f32
        %mul3A_491 = vector.broadcast %mul3A_490 : f32 to vector<16xf32>
        %mul3A_492 = arith.mulf %gather3A_489, %mul3A_491 : vector<16xf32>
        %add3A_493 = arith.constant 48 : i32
        %add3A_494 = vector.broadcast %add3A_493 : i32 to vector<16xi32>
        %add3A_495 = arith.addi %get3A_275, %add3A_494 : vector<16xi32>
        %gather3A_496 = tpu.vector_load_idx %arg6[%add3A_471, %add3A_495] : memref<256x64xf32, #tpu.memory_space<vmem>>[vector<16xi32>, vector<16xi32>], vector<16xf32>,
        %mul3A_497 = arith.constant 8.000000e+00 : f32
        %mul3A_498 = vector.broadcast %mul3A_497 : f32 to vector<16xf32>
        %mul3A_499 = arith.mulf %gather3A_496, %mul3A_498 : vector<16xf32>
        %add3A_500 = arith.constant 48 : i32
        %add3A_501 = vector.broadcast %add3A_500 : i32 to vector<16xi32>
        %add3A_502 = arith.addi %get3A_281, %add3A_501 : vector<16xi32>
        %add3A_503 = arith.constant 48 : i32
        %add3A_504 = vector.broadcast %add3A_503 : i32 to vector<16xi32>
        %add3A_505 = arith.addi %iota3A, %add3A_504 : vector<16xi32>
        %add3A_506 = arith.constant 0 : i32
        %add3A_507 = vector.broadcast %add3A_506 : i32 to vector<16xi32>
        %add3A_508 = arith.addi %get3A_275, %add3A_507 : vector<16xi32>
        %gather3A_509 = tpu.vector_load_idx %arg6[%add3A_505, %add3A_508] : memref<256x64xf32, #tpu.memory_space<vmem>>[vector<16xi32>, vector<16xi32>], vector<16xf32>,
        %mul3A_510 = arith.constant 8.000000e+00 : f32
        %mul3A_511 = vector.broadcast %mul3A_510 : f32 to vector<16xf32>
        %mul3A_512 = arith.mulf %gather3A_509, %mul3A_511 : vector<16xf32>
        %add3A_513 = arith.constant 16 : i32
        %add3A_514 = vector.broadcast %add3A_513 : i32 to vector<16xi32>
        %add3A_515 = arith.addi %get3A_275, %add3A_514 : vector<16xi32>
        %gather3A_516 = tpu.vector_load_idx %arg6[%add3A_505, %add3A_515] : memref<256x64xf32, #tpu.memory_space<vmem>>[vector<16xi32>, vector<16xi32>], vector<16xf32>,
        %mul3A_517 = arith.constant 8.000000e+00 : f32
        %mul3A_518 = vector.broadcast %mul3A_517 : f32 to vector<16xf32>
        %mul3A_519 = arith.mulf %gather3A_516, %mul3A_518 : vector<16xf32>
        %add3A_520 = arith.constant 32 : i32
        %add3A_521 = vector.broadcast %add3A_520 : i32 to vector<16xi32>
        %add3A_522 = arith.addi %get3A_275, %add3A_521 : vector<16xi32>
        %gather3A_523 = tpu.vector_load_idx %arg6[%add3A_505, %add3A_522] : memref<256x64xf32, #tpu.memory_space<vmem>>[vector<16xi32>, vector<16xi32>], vector<16xf32>,
        %mul3A_524 = arith.constant 8.000000e+00 : f32
        %mul3A_525 = vector.broadcast %mul3A_524 : f32 to vector<16xf32>
        %mul3A_526 = arith.mulf %gather3A_523, %mul3A_525 : vector<16xf32>
        %add3A_527 = arith.constant 48 : i32
        %add3A_528 = vector.broadcast %add3A_527 : i32 to vector<16xi32>
        %add3A_529 = arith.addi %get3A_275, %add3A_528 : vector<16xi32>
        %gather3A_530 = tpu.vector_load_idx %arg6[%add3A_505, %add3A_529] : memref<256x64xf32, #tpu.memory_space<vmem>>[vector<16xi32>, vector<16xi32>], vector<16xf32>,
        %mul3A_531 = arith.constant 8.000000e+00 : f32
        %mul3A_532 = vector.broadcast %mul3A_531 : f32 to vector<16xf32>
        %mul3A_533 = arith.mulf %gather3A_530, %mul3A_532 : vector<16xf32>
        %add3A_534 = arith.constant 176 : i32
        %add3A_535 = vector.broadcast %add3A_534 : i32 to vector<16xi32>
        %add3A_536 = arith.addi %iota3A, %add3A_535 : vector<16xi32>
        %add3A_537 = arith.constant 0 : i32
        %add3A_538 = vector.broadcast %add3A_537 : i32 to vector<16xi32>
        %add3A_539 = arith.addi %get3A_275, %add3A_538 : vector<16xi32>
        %gather3A_540 = tpu.vector_load_idx %arg6[%add3A_536, %add3A_539] : memref<256x64xf32, #tpu.memory_space<vmem>>[vector<16xi32>, vector<16xi32>], vector<16xf32>,
        %mul3A_541 = arith.constant 8.000000e+00 : f32
        %mul3A_542 = vector.broadcast %mul3A_541 : f32 to vector<16xf32>
        %mul3A_543 = arith.mulf %gather3A_540, %mul3A_542 : vector<16xf32>
        %add3A_544 = arith.constant 16 : i32
        %add3A_545 = vector.broadcast %add3A_544 : i32 to vector<16xi32>
        %add3A_546 = arith.addi %get3A_275, %add3A_545 : vector<16xi32>
        %gather3A_547 = tpu.vector_load_idx %arg6[%add3A_536, %add3A_546] : memref<256x64xf32, #tpu.memory_space<vmem>>[vector<16xi32>, vector<16xi32>], vector<16xf32>,
        %mul3A_548 = arith.constant 8.000000e+00 : f32
        %mul3A_549 = vector.broadcast %mul3A_548 : f32 to vector<16xf32>
        %mul3A_550 = arith.mulf %gather3A_547, %mul3A_549 : vector<16xf32>
        %add3A_551 = arith.constant 32 : i32
        %add3A_552 = vector.broadcast %add3A_551 : i32 to vector<16xi32>
        %add3A_553 = arith.addi %get3A_275, %add3A_552 : vector<16xi32>
        %gather3A_554 = tpu.vector_load_idx %arg6[%add3A_536, %add3A_553] : memref<256x64xf32, #tpu.memory_space<vmem>>[vector<16xi32>, vector<16xi32>], vector<16xf32>,
        %mul3A_555 = arith.constant 8.000000e+00 : f32
        %mul3A_556 = vector.broadcast %mul3A_555 : f32 to vector<16xf32>
        %mul3A_557 = arith.mulf %gather3A_554, %mul3A_556 : vector<16xf32>
        %add3A_558 = arith.constant 48 : i32
        %add3A_559 = vector.broadcast %add3A_558 : i32 to vector<16xi32>
        %add3A_560 = arith.addi %get3A_275, %add3A_559 : vector<16xi32>
        %gather3A_561 = tpu.vector_load_idx %arg6[%add3A_536, %add3A_560] : memref<256x64xf32, #tpu.memory_space<vmem>>[vector<16xi32>, vector<16xi32>], vector<16xf32>,
        %mul3A_562 = arith.constant 8.000000e+00 : f32
        %mul3A_563 = vector.broadcast %mul3A_562 : f32 to vector<16xf32>
        %mul3A_564 = arith.mulf %gather3A_561, %mul3A_563 : vector<16xf32>
        tpu.vector_store_idx %arg8[%add3A_284, %broadcast_in_dim3A_10, %add3A_437], %mul3A_447 : memref<8x2x1024xf32, #tpu.memory_space<vmem>>[vector<16xi32>, vector<16xi32>, vector<16xi32>], vector<16xf32>,
        tpu.vector_store_idx %arg8[%add3A_290, %broadcast_in_dim3A_10, %add3A_437], %mul3A_454 : memref<8x2x1024xf32, #tpu.memory_space<vmem>>[vector<16xi32>, vector<16xi32>, vector<16xi32>], vector<16xf32>,
        tpu.vector_store_idx %arg8[%add3A_296, %broadcast_in_dim3A_10, %add3A_437], %mul3A_461 : memref<8x2x1024xf32, #tpu.memory_space<vmem>>[vector<16xi32>, vector<16xi32>, vector<16xi32>], vector<16xf32>,
        tpu.vector_store_idx %arg8[%add3A_302, %broadcast_in_dim3A_10, %add3A_437], %mul3A_468 : memref<8x2x1024xf32, #tpu.memory_space<vmem>>[vector<16xi32>, vector<16xi32>, vector<16xi32>], vector<16xf32>,
        tpu.vector_store_idx %arg8[%add3A_284, %broadcast_in_dim3A_12, %add3A_437], %mul3A_478 : memref<8x2x1024xf32, #tpu.memory_space<vmem>>[vector<16xi32>, vector<16xi32>, vector<16xi32>], vector<16xf32>,
        tpu.vector_store_idx %arg8[%add3A_290, %broadcast_in_dim3A_12, %add3A_437], %mul3A_485 : memref<8x2x1024xf32, #tpu.memory_space<vmem>>[vector<16xi32>, vector<16xi32>, vector<16xi32>], vector<16xf32>,
        tpu.vector_store_idx %arg8[%add3A_296, %broadcast_in_dim3A_12, %add3A_437], %mul3A_492 : memref<8x2x1024xf32, #tpu.memory_space<vmem>>[vector<16xi32>, vector<16xi32>, vector<16xi32>], vector<16xf32>,
        tpu.vector_store_idx %arg8[%add3A_302, %broadcast_in_dim3A_12, %add3A_437], %mul3A_499 : memref<8x2x1024xf32, #tpu.memory_space<vmem>>[vector<16xi32>, vector<16xi32>, vector<16xi32>], vector<16xf32>,
        tpu.vector_store_idx %arg8[%add3A_284, %broadcast_in_dim3A_10, %add3A_502], %mul3A_512 : memref<8x2x1024xf32, #tpu.memory_space<vmem>>[vector<16xi32>, vector<16xi32>, vector<16xi32>], vector<16xf32>,
        tpu.vector_store_idx %arg8[%add3A_290, %broadcast_in_dim3A_10, %add3A_502], %mul3A_519 : memref<8x2x1024xf32, #tpu.memory_space<vmem>>[vector<16xi32>, vector<16xi32>, vector<16xi32>], vector<16xf32>,
        tpu.vector_store_idx %arg8[%add3A_296, %broadcast_in_dim3A_10, %add3A_502], %mul3A_526 : memref<8x2x1024xf32, #tpu.memory_space<vmem>>[vector<16xi32>, vector<16xi32>, vector<16xi32>], vector<16xf32>,
        tpu.vector_store_idx %arg8[%add3A_302, %broadcast_in_dim3A_10, %add3A_502], %mul3A_533 : memref<8x2x1024xf32, #tpu.memory_space<vmem>>[vector<16xi32>, vector<16xi32>, vector<16xi32>], vector<16xf32>,
        tpu.vector_store_idx %arg8[%add3A_284, %broadcast_in_dim3A_12, %add3A_502], %mul3A_543 : memref<8x2x1024xf32, #tpu.memory_space<vmem>>[vector<16xi32>, vector<16xi32>, vector<16xi32>], vector<16xf32>,
        tpu.vector_store_idx %arg8[%add3A_290, %broadcast_in_dim3A_12, %add3A_502], %mul3A_550 : memref<8x2x1024xf32, #tpu.memory_space<vmem>>[vector<16xi32>, vector<16xi32>, vector<16xi32>], vector<16xf32>,
        tpu.vector_store_idx %arg8[%add3A_296, %broadcast_in_dim3A_12, %add3A_502], %mul3A_557 : memref<8x2x1024xf32, #tpu.memory_space<vmem>>[vector<16xi32>, vector<16xi32>, vector<16xi32>], vector<16xf32>,
        tpu.vector_store_idx %arg8[%add3A_302, %broadcast_in_dim3A_12, %add3A_502], %mul3A_564 : memref<8x2x1024xf32, #tpu.memory_space<vmem>>[vector<16xi32>, vector<16xi32>, vector<16xi32>], vector<16xf32>,
        %add3A_565 = arith.constant 64 : i32
        %add3A_566 = vector.broadcast %add3A_565 : i32 to vector<16xi32>
        %add3A_567 = arith.addi %get3A_281, %add3A_566 : vector<16xi32>
        %add3A_568 = arith.constant 64 : i32
        %add3A_569 = vector.broadcast %add3A_568 : i32 to vector<16xi32>
        %add3A_570 = arith.addi %iota3A, %add3A_569 : vector<16xi32>
        %add3A_571 = arith.constant 0 : i32
        %add3A_572 = vector.broadcast %add3A_571 : i32 to vector<16xi32>
        %add3A_573 = arith.addi %get3A_275, %add3A_572 : vector<16xi32>
        %gather3A_574 = tpu.vector_load_idx %arg6[%add3A_570, %add3A_573] : memref<256x64xf32, #tpu.memory_space<vmem>>[vector<16xi32>, vector<16xi32>], vector<16xf32>,
        %mul3A_575 = arith.constant 8.000000e+00 : f32
        %mul3A_576 = vector.broadcast %mul3A_575 : f32 to vector<16xf32>
        %mul3A_577 = arith.mulf %gather3A_574, %mul3A_576 : vector<16xf32>
        %add3A_578 = arith.constant 16 : i32
        %add3A_579 = vector.broadcast %add3A_578 : i32 to vector<16xi32>
        %add3A_580 = arith.addi %get3A_275, %add3A_579 : vector<16xi32>
        %gather3A_581 = tpu.vector_load_idx %arg6[%add3A_570, %add3A_580] : memref<256x64xf32, #tpu.memory_space<vmem>>[vector<16xi32>, vector<16xi32>], vector<16xf32>,
        %mul3A_582 = arith.constant 8.000000e+00 : f32
        %mul3A_583 = vector.broadcast %mul3A_582 : f32 to vector<16xf32>
        %mul3A_584 = arith.mulf %gather3A_581, %mul3A_583 : vector<16xf32>
        %add3A_585 = arith.constant 32 : i32
        %add3A_586 = vector.broadcast %add3A_585 : i32 to vector<16xi32>
        %add3A_587 = arith.addi %get3A_275, %add3A_586 : vector<16xi32>
        %gather3A_588 = tpu.vector_load_idx %arg6[%add3A_570, %add3A_587] : memref<256x64xf32, #tpu.memory_space<vmem>>[vector<16xi32>, vector<16xi32>], vector<16xf32>,
        %mul3A_589 = arith.constant 8.000000e+00 : f32
        %mul3A_590 = vector.broadcast %mul3A_589 : f32 to vector<16xf32>
        %mul3A_591 = arith.mulf %gather3A_588, %mul3A_590 : vector<16xf32>
        %add3A_592 = arith.constant 48 : i32
        %add3A_593 = vector.broadcast %add3A_592 : i32 to vector<16xi32>
        %add3A_594 = arith.addi %get3A_275, %add3A_593 : vector<16xi32>
        %gather3A_595 = tpu.vector_load_idx %arg6[%add3A_570, %add3A_594] : memref<256x64xf32, #tpu.memory_space<vmem>>[vector<16xi32>, vector<16xi32>], vector<16xf32>,
        %mul3A_596 = arith.constant 8.000000e+00 : f32
        %mul3A_597 = vector.broadcast %mul3A_596 : f32 to vector<16xf32>
        %mul3A_598 = arith.mulf %gather3A_595, %mul3A_597 : vector<16xf32>
        %add3A_599 = arith.constant 192 : i32
        %add3A_600 = vector.broadcast %add3A_599 : i32 to vector<16xi32>
        %add3A_601 = arith.addi %iota3A, %add3A_600 : vector<16xi32>
        %add3A_602 = arith.constant 0 : i32
        %add3A_603 = vector.broadcast %add3A_602 : i32 to vector<16xi32>
        %add3A_604 = arith.addi %get3A_275, %add3A_603 : vector<16xi32>
        %gather3A_605 = tpu.vector_load_idx %arg6[%add3A_601, %add3A_604] : memref<256x64xf32, #tpu.memory_space<vmem>>[vector<16xi32>, vector<16xi32>], vector<16xf32>,
        %mul3A_606 = arith.constant 8.000000e+00 : f32
        %mul3A_607 = vector.broadcast %mul3A_606 : f32 to vector<16xf32>
        %mul3A_608 = arith.mulf %gather3A_605, %mul3A_607 : vector<16xf32>
        %add3A_609 = arith.constant 16 : i32
        %add3A_610 = vector.broadcast %add3A_609 : i32 to vector<16xi32>
        %add3A_611 = arith.addi %get3A_275, %add3A_610 : vector<16xi32>
        %gather3A_612 = tpu.vector_load_idx %arg6[%add3A_601, %add3A_611] : memref<256x64xf32, #tpu.memory_space<vmem>>[vector<16xi32>, vector<16xi32>], vector<16xf32>,
        %mul3A_613 = arith.constant 8.000000e+00 : f32
        %mul3A_614 = vector.broadcast %mul3A_613 : f32 to vector<16xf32>
        %mul3A_615 = arith.mulf %gather3A_612, %mul3A_614 : vector<16xf32>
        %add3A_616 = arith.constant 32 : i32
        %add3A_617 = vector.broadcast %add3A_616 : i32 to vector<16xi32>
        %add3A_618 = arith.addi %get3A_275, %add3A_617 : vector<16xi32>
        %gather3A_619 = tpu.vector_load_idx %arg6[%add3A_601, %add3A_618] : memref<256x64xf32, #tpu.memory_space<vmem>>[vector<16xi32>, vector<16xi32>], vector<16xf32>,
        %mul3A_620 = arith.constant 8.000000e+00 : f32
        %mul3A_621 = vector.broadcast %mul3A_620 : f32 to vector<16xf32>
        %mul3A_622 = arith.mulf %gather3A_619, %mul3A_621 : vector<16xf32>
        %add3A_623 = arith.constant 48 : i32
        %add3A_624 = vector.broadcast %add3A_623 : i32 to vector<16xi32>
        %add3A_625 = arith.addi %get3A_275, %add3A_624 : vector<16xi32>
        %gather3A_626 = tpu.vector_load_idx %arg6[%add3A_601, %add3A_625] : memref<256x64xf32, #tpu.memory_space<vmem>>[vector<16xi32>, vector<16xi32>], vector<16xf32>,
        %mul3A_627 = arith.constant 8.000000e+00 : f32
        %mul3A_628 = vector.broadcast %mul3A_627 : f32 to vector<16xf32>
        %mul3A_629 = arith.mulf %gather3A_626, %mul3A_628 : vector<16xf32>
        %add3A_630 = arith.constant 80 : i32
        %add3A_631 = vector.broadcast %add3A_630 : i32 to vector<16xi32>
        %add3A_632 = arith.addi %get3A_281, %add3A_631 : vector<16xi32>
        %add3A_633 = arith.constant 80 : i32
        %add3A_634 = vector.broadcast %add3A_633 : i32 to vector<16xi32>
        %add3A_635 = arith.addi %iota3A, %add3A_634 : vector<16xi32>
        %add3A_636 = arith.constant 0 : i32
        %add3A_637 = vector.broadcast %add3A_636 : i32 to vector<16xi32>
        %add3A_638 = arith.addi %get3A_275, %add3A_637 : vector<16xi32>
        %gather3A_639 = tpu.vector_load_idx %arg6[%add3A_635, %add3A_638] : memref<256x64xf32, #tpu.memory_space<vmem>>[vector<16xi32>, vector<16xi32>], vector<16xf32>,
        %mul3A_640 = arith.constant 8.000000e+00 : f32
        %mul3A_641 = vector.broadcast %mul3A_640 : f32 to vector<16xf32>
        %mul3A_642 = arith.mulf %gather3A_639, %mul3A_641 : vector<16xf32>
        %add3A_643 = arith.constant 16 : i32
        %add3A_644 = vector.broadcast %add3A_643 : i32 to vector<16xi32>
        %add3A_645 = arith.addi %get3A_275, %add3A_644 : vector<16xi32>
        %gather3A_646 = tpu.vector_load_idx %arg6[%add3A_635, %add3A_645] : memref<256x64xf32, #tpu.memory_space<vmem>>[vector<16xi32>, vector<16xi32>], vector<16xf32>,
        %mul3A_647 = arith.constant 8.000000e+00 : f32
        %mul3A_648 = vector.broadcast %mul3A_647 : f32 to vector<16xf32>
        %mul3A_649 = arith.mulf %gather3A_646, %mul3A_648 : vector<16xf32>
        %add3A_650 = arith.constant 32 : i32
        %add3A_651 = vector.broadcast %add3A_650 : i32 to vector<16xi32>
        %add3A_652 = arith.addi %get3A_275, %add3A_651 : vector<16xi32>
        %gather3A_653 = tpu.vector_load_idx %arg6[%add3A_635, %add3A_652] : memref<256x64xf32, #tpu.memory_space<vmem>>[vector<16xi32>, vector<16xi32>], vector<16xf32>,
        %mul3A_654 = arith.constant 8.000000e+00 : f32
        %mul3A_655 = vector.broadcast %mul3A_654 : f32 to vector<16xf32>
        %mul3A_656 = arith.mulf %gather3A_653, %mul3A_655 : vector<16xf32>
        %add3A_657 = arith.constant 48 : i32
        %add3A_658 = vector.broadcast %add3A_657 : i32 to vector<16xi32>
        %add3A_659 = arith.addi %get3A_275, %add3A_658 : vector<16xi32>
        %gather3A_660 = tpu.vector_load_idx %arg6[%add3A_635, %add3A_659] : memref<256x64xf32, #tpu.memory_space<vmem>>[vector<16xi32>, vector<16xi32>], vector<16xf32>,
        %mul3A_661 = arith.constant 8.000000e+00 : f32
        %mul3A_662 = vector.broadcast %mul3A_661 : f32 to vector<16xf32>
        %mul3A_663 = arith.mulf %gather3A_660, %mul3A_662 : vector<16xf32>
        %add3A_664 = arith.constant 208 : i32
        %add3A_665 = vector.broadcast %add3A_664 : i32 to vector<16xi32>
        %add3A_666 = arith.addi %iota3A, %add3A_665 : vector<16xi32>
        %add3A_667 = arith.constant 0 : i32
        %add3A_668 = vector.broadcast %add3A_667 : i32 to vector<16xi32>
        %add3A_669 = arith.addi %get3A_275, %add3A_668 : vector<16xi32>
        %gather3A_670 = tpu.vector_load_idx %arg6[%add3A_666, %add3A_669] : memref<256x64xf32, #tpu.memory_space<vmem>>[vector<16xi32>, vector<16xi32>], vector<16xf32>,
        %mul3A_671 = arith.constant 8.000000e+00 : f32
        %mul3A_672 = vector.broadcast %mul3A_671 : f32 to vector<16xf32>
        %mul3A_673 = arith.mulf %gather3A_670, %mul3A_672 : vector<16xf32>
        %add3A_674 = arith.constant 16 : i32
        %add3A_675 = vector.broadcast %add3A_674 : i32 to vector<16xi32>
        %add3A_676 = arith.addi %get3A_275, %add3A_675 : vector<16xi32>
        %gather3A_677 = tpu.vector_load_idx %arg6[%add3A_666, %add3A_676] : memref<256x64xf32, #tpu.memory_space<vmem>>[vector<16xi32>, vector<16xi32>], vector<16xf32>,
        %mul3A_678 = arith.constant 8.000000e+00 : f32
        %mul3A_679 = vector.broadcast %mul3A_678 : f32 to vector<16xf32>
        %mul3A_680 = arith.mulf %gather3A_677, %mul3A_679 : vector<16xf32>
        %add3A_681 = arith.constant 32 : i32
        %add3A_682 = vector.broadcast %add3A_681 : i32 to vector<16xi32>
        %add3A_683 = arith.addi %get3A_275, %add3A_682 : vector<16xi32>
        %gather3A_684 = tpu.vector_load_idx %arg6[%add3A_666, %add3A_683] : memref<256x64xf32, #tpu.memory_space<vmem>>[vector<16xi32>, vector<16xi32>], vector<16xf32>,
        %mul3A_685 = arith.constant 8.000000e+00 : f32
        %mul3A_686 = vector.broadcast %mul3A_685 : f32 to vector<16xf32>
        %mul3A_687 = arith.mulf %gather3A_684, %mul3A_686 : vector<16xf32>
        %add3A_688 = arith.constant 48 : i32
        %add3A_689 = vector.broadcast %add3A_688 : i32 to vector<16xi32>
        %add3A_690 = arith.addi %get3A_275, %add3A_689 : vector<16xi32>
        %gather3A_691 = tpu.vector_load_idx %arg6[%add3A_666, %add3A_690] : memref<256x64xf32, #tpu.memory_space<vmem>>[vector<16xi32>, vector<16xi32>], vector<16xf32>,
        %mul3A_692 = arith.constant 8.000000e+00 : f32
        %mul3A_693 = vector.broadcast %mul3A_692 : f32 to vector<16xf32>
        %mul3A_694 = arith.mulf %gather3A_691, %mul3A_693 : vector<16xf32>
        tpu.vector_store_idx %arg8[%add3A_284, %broadcast_in_dim3A_10, %add3A_567], %mul3A_577 : memref<8x2x1024xf32, #tpu.memory_space<vmem>>[vector<16xi32>, vector<16xi32>, vector<16xi32>], vector<16xf32>,
        tpu.vector_store_idx %arg8[%add3A_290, %broadcast_in_dim3A_10, %add3A_567], %mul3A_584 : memref<8x2x1024xf32, #tpu.memory_space<vmem>>[vector<16xi32>, vector<16xi32>, vector<16xi32>], vector<16xf32>,
        tpu.vector_store_idx %arg8[%add3A_296, %broadcast_in_dim3A_10, %add3A_567], %mul3A_591 : memref<8x2x1024xf32, #tpu.memory_space<vmem>>[vector<16xi32>, vector<16xi32>, vector<16xi32>], vector<16xf32>,
        tpu.vector_store_idx %arg8[%add3A_302, %broadcast_in_dim3A_10, %add3A_567], %mul3A_598 : memref<8x2x1024xf32, #tpu.memory_space<vmem>>[vector<16xi32>, vector<16xi32>, vector<16xi32>], vector<16xf32>,
        tpu.vector_store_idx %arg8[%add3A_284, %broadcast_in_dim3A_12, %add3A_567], %mul3A_608 : memref<8x2x1024xf32, #tpu.memory_space<vmem>>[vector<16xi32>, vector<16xi32>, vector<16xi32>], vector<16xf32>,
        tpu.vector_store_idx %arg8[%add3A_290, %broadcast_in_dim3A_12, %add3A_567], %mul3A_615 : memref<8x2x1024xf32, #tpu.memory_space<vmem>>[vector<16xi32>, vector<16xi32>, vector<16xi32>], vector<16xf32>,
        tpu.vector_store_idx %arg8[%add3A_296, %broadcast_in_dim3A_12, %add3A_567], %mul3A_622 : memref<8x2x1024xf32, #tpu.memory_space<vmem>>[vector<16xi32>, vector<16xi32>, vector<16xi32>], vector<16xf32>,
        tpu.vector_store_idx %arg8[%add3A_302, %broadcast_in_dim3A_12, %add3A_567], %mul3A_629 : memref<8x2x1024xf32, #tpu.memory_space<vmem>>[vector<16xi32>, vector<16xi32>, vector<16xi32>], vector<16xf32>,
        tpu.vector_store_idx %arg8[%add3A_284, %broadcast_in_dim3A_10, %add3A_632], %mul3A_642 : memref<8x2x1024xf32, #tpu.memory_space<vmem>>[vector<16xi32>, vector<16xi32>, vector<16xi32>], vector<16xf32>,
        tpu.vector_store_idx %arg8[%add3A_290, %broadcast_in_dim3A_10, %add3A_632], %mul3A_649 : memref<8x2x1024xf32, #tpu.memory_space<vmem>>[vector<16xi32>, vector<16xi32>, vector<16xi32>], vector<16xf32>,
        tpu.vector_store_idx %arg8[%add3A_296, %broadcast_in_dim3A_10, %add3A_632], %mul3A_656 : memref<8x2x1024xf32, #tpu.memory_space<vmem>>[vector<16xi32>, vector<16xi32>, vector<16xi32>], vector<16xf32>,
        tpu.vector_store_idx %arg8[%add3A_302, %broadcast_in_dim3A_10, %add3A_632], %mul3A_663 : memref<8x2x1024xf32, #tpu.memory_space<vmem>>[vector<16xi32>, vector<16xi32>, vector<16xi32>], vector<16xf32>,
        tpu.vector_store_idx %arg8[%add3A_284, %broadcast_in_dim3A_12, %add3A_632], %mul3A_673 : memref<8x2x1024xf32, #tpu.memory_space<vmem>>[vector<16xi32>, vector<16xi32>, vector<16xi32>], vector<16xf32>,
        tpu.vector_store_idx %arg8[%add3A_290, %broadcast_in_dim3A_12, %add3A_632], %mul3A_680 : memref<8x2x1024xf32, #tpu.memory_space<vmem>>[vector<16xi32>, vector<16xi32>, vector<16xi32>], vector<16xf32>,
        tpu.vector_store_idx %arg8[%add3A_296, %broadcast_in_dim3A_12, %add3A_632], %mul3A_687 : memref<8x2x1024xf32, #tpu.memory_space<vmem>>[vector<16xi32>, vector<16xi32>, vector<16xi32>], vector<16xf32>,
        tpu.vector_store_idx %arg8[%add3A_302, %broadcast_in_dim3A_12, %add3A_632], %mul3A_694 : memref<8x2x1024xf32, #tpu.memory_space<vmem>>[vector<16xi32>, vector<16xi32>, vector<16xi32>], vector<16xf32>,
        %add3A_695 = arith.constant 96 : i32
        %add3A_696 = vector.broadcast %add3A_695 : i32 to vector<16xi32>
        %add3A_697 = arith.addi %get3A_281, %add3A_696 : vector<16xi32>
        %add3A_698 = arith.constant 96 : i32
        %add3A_699 = vector.broadcast %add3A_698 : i32 to vector<16xi32>
        %add3A_700 = arith.addi %iota3A, %add3A_699 : vector<16xi32>
        %add3A_701 = arith.constant 0 : i32
        %add3A_702 = vector.broadcast %add3A_701 : i32 to vector<16xi32>
        %add3A_703 = arith.addi %get3A_275, %add3A_702 : vector<16xi32>
        %gather3A_704 = tpu.vector_load_idx %arg6[%add3A_700, %add3A_703] : memref<256x64xf32, #tpu.memory_space<vmem>>[vector<16xi32>, vector<16xi32>], vector<16xf32>,
        %mul3A_705 = arith.constant 8.000000e+00 : f32
        %mul3A_706 = vector.broadcast %mul3A_705 : f32 to vector<16xf32>
        %mul3A_707 = arith.mulf %gather3A_704, %mul3A_706 : vector<16xf32>
        %add3A_708 = arith.constant 16 : i32
        %add3A_709 = vector.broadcast %add3A_708 : i32 to vector<16xi32>
        %add3A_710 = arith.addi %get3A_275, %add3A_709 : vector<16xi32>
        %gather3A_711 = tpu.vector_load_idx %arg6[%add3A_700, %add3A_710] : memref<256x64xf32, #tpu.memory_space<vmem>>[vector<16xi32>, vector<16xi32>], vector<16xf32>,
        %mul3A_712 = arith.constant 8.000000e+00 : f32
        %mul3A_713 = vector.broadcast %mul3A_712 : f32 to vector<16xf32>
        %mul3A_714 = arith.mulf %gather3A_711, %mul3A_713 : vector<16xf32>
        %add3A_715 = arith.constant 32 : i32
        %add3A_716 = vector.broadcast %add3A_715 : i32 to vector<16xi32>
        %add3A_717 = arith.addi %get3A_275, %add3A_716 : vector<16xi32>
        %gather3A_718 = tpu.vector_load_idx %arg6[%add3A_700, %add3A_717] : memref<256x64xf32, #tpu.memory_space<vmem>>[vector<16xi32>, vector<16xi32>], vector<16xf32>,
        %mul3A_719 = arith.constant 8.000000e+00 : f32
        %mul3A_720 = vector.broadcast %mul3A_719 : f32 to vector<16xf32>
        %mul3A_721 = arith.mulf %gather3A_718, %mul3A_720 : vector<16xf32>
        %add3A_722 = arith.constant 48 : i32
        %add3A_723 = vector.broadcast %add3A_722 : i32 to vector<16xi32>
        %add3A_724 = arith.addi %get3A_275, %add3A_723 : vector<16xi32>
        %gather3A_725 = tpu.vector_load_idx %arg6[%add3A_700, %add3A_724] : memref<256x64xf32, #tpu.memory_space<vmem>>[vector<16xi32>, vector<16xi32>], vector<16xf32>,
        %mul3A_726 = arith.constant 8.000000e+00 : f32
        %mul3A_727 = vector.broadcast %mul3A_726 : f32 to vector<16xf32>
        %mul3A_728 = arith.mulf %gather3A_725, %mul3A_727 : vector<16xf32>
        %add3A_729 = arith.constant 224 : i32
        %add3A_730 = vector.broadcast %add3A_729 : i32 to vector<16xi32>
        %add3A_731 = arith.addi %iota3A, %add3A_730 : vector<16xi32>
        %add3A_732 = arith.constant 0 : i32
        %add3A_733 = vector.broadcast %add3A_732 : i32 to vector<16xi32>
        %add3A_734 = arith.addi %get3A_275, %add3A_733 : vector<16xi32>
        %gather3A_735 = tpu.vector_load_idx %arg6[%add3A_731, %add3A_734] : memref<256x64xf32, #tpu.memory_space<vmem>>[vector<16xi32>, vector<16xi32>], vector<16xf32>,
        %mul3A_736 = arith.constant 8.000000e+00 : f32
        %mul3A_737 = vector.broadcast %mul3A_736 : f32 to vector<16xf32>
        %mul3A_738 = arith.mulf %gather3A_735, %mul3A_737 : vector<16xf32>
        %add3A_739 = arith.constant 16 : i32
        %add3A_740 = vector.broadcast %add3A_739 : i32 to vector<16xi32>
        %add3A_741 = arith.addi %get3A_275, %add3A_740 : vector<16xi32>
        %gather3A_742 = tpu.vector_load_idx %arg6[%add3A_731, %add3A_741] : memref<256x64xf32, #tpu.memory_space<vmem>>[vector<16xi32>, vector<16xi32>], vector<16xf32>,
        %mul3A_743 = arith.constant 8.000000e+00 : f32
        %mul3A_744 = vector.broadcast %mul3A_743 : f32 to vector<16xf32>
        %mul3A_745 = arith.mulf %gather3A_742, %mul3A_744 : vector<16xf32>
        %add3A_746 = arith.constant 32 : i32
        %add3A_747 = vector.broadcast %add3A_746 : i32 to vector<16xi32>
        %add3A_748 = arith.addi %get3A_275, %add3A_747 : vector<16xi32>
        %gather3A_749 = tpu.vector_load_idx %arg6[%add3A_731, %add3A_748] : memref<256x64xf32, #tpu.memory_space<vmem>>[vector<16xi32>, vector<16xi32>], vector<16xf32>,
        %mul3A_750 = arith.constant 8.000000e+00 : f32
        %mul3A_751 = vector.broadcast %mul3A_750 : f32 to vector<16xf32>
        %mul3A_752 = arith.mulf %gather3A_749, %mul3A_751 : vector<16xf32>
        %add3A_753 = arith.constant 48 : i32
        %add3A_754 = vector.broadcast %add3A_753 : i32 to vector<16xi32>
        %add3A_755 = arith.addi %get3A_275, %add3A_754 : vector<16xi32>
        %gather3A_756 = tpu.vector_load_idx %arg6[%add3A_731, %add3A_755] : memref<256x64xf32, #tpu.memory_space<vmem>>[vector<16xi32>, vector<16xi32>], vector<16xf32>,
        %mul3A_757 = arith.constant 8.000000e+00 : f32
        %mul3A_758 = vector.broadcast %mul3A_757 : f32 to vector<16xf32>
        %mul3A_759 = arith.mulf %gather3A_756, %mul3A_758 : vector<16xf32>
        %add3A_760 = arith.constant 112 : i32
        %add3A_761 = vector.broadcast %add3A_760 : i32 to vector<16xi32>
        %add3A_762 = arith.addi %get3A_281, %add3A_761 : vector<16xi32>
        %add3A_763 = arith.constant 112 : i32
        %add3A_764 = vector.broadcast %add3A_763 : i32 to vector<16xi32>
        %add3A_765 = arith.addi %iota3A, %add3A_764 : vector<16xi32>
        %add3A_766 = arith.constant 0 : i32
        %add3A_767 = vector.broadcast %add3A_766 : i32 to vector<16xi32>
        %add3A_768 = arith.addi %get3A_275, %add3A_767 : vector<16xi32>
        %gather3A_769 = tpu.vector_load_idx %arg6[%add3A_765, %add3A_768] : memref<256x64xf32, #tpu.memory_space<vmem>>[vector<16xi32>, vector<16xi32>], vector<16xf32>,
        %mul3A_770 = arith.constant 8.000000e+00 : f32
        %mul3A_771 = vector.broadcast %mul3A_770 : f32 to vector<16xf32>
        %mul3A_772 = arith.mulf %gather3A_769, %mul3A_771 : vector<16xf32>
        %add3A_773 = arith.constant 16 : i32
        %add3A_774 = vector.broadcast %add3A_773 : i32 to vector<16xi32>
        %add3A_775 = arith.addi %get3A_275, %add3A_774 : vector<16xi32>
        %gather3A_776 = tpu.vector_load_idx %arg6[%add3A_765, %add3A_775] : memref<256x64xf32, #tpu.memory_space<vmem>>[vector<16xi32>, vector<16xi32>], vector<16xf32>,
        %mul3A_777 = arith.constant 8.000000e+00 : f32
        %mul3A_778 = vector.broadcast %mul3A_777 : f32 to vector<16xf32>
        %mul3A_779 = arith.mulf %gather3A_776, %mul3A_778 : vector<16xf32>
        %add3A_780 = arith.constant 32 : i32
        %add3A_781 = vector.broadcast %add3A_780 : i32 to vector<16xi32>
        %add3A_782 = arith.addi %get3A_275, %add3A_781 : vector<16xi32>
        %gather3A_783 = tpu.vector_load_idx %arg6[%add3A_765, %add3A_782] : memref<256x64xf32, #tpu.memory_space<vmem>>[vector<16xi32>, vector<16xi32>], vector<16xf32>,
        %mul3A_784 = arith.constant 8.000000e+00 : f32
        %mul3A_785 = vector.broadcast %mul3A_784 : f32 to vector<16xf32>
        %mul3A_786 = arith.mulf %gather3A_783, %mul3A_785 : vector<16xf32>
        %add3A_787 = arith.constant 48 : i32
        %add3A_788 = vector.broadcast %add3A_787 : i32 to vector<16xi32>
        %add3A_789 = arith.addi %get3A_275, %add3A_788 : vector<16xi32>
        %gather3A_790 = tpu.vector_load_idx %arg6[%add3A_765, %add3A_789] : memref<256x64xf32, #tpu.memory_space<vmem>>[vector<16xi32>, vector<16xi32>], vector<16xf32>,
        %mul3A_791 = arith.constant 8.000000e+00 : f32
        %mul3A_792 = vector.broadcast %mul3A_791 : f32 to vector<16xf32>
        %mul3A_793 = arith.mulf %gather3A_790, %mul3A_792 : vector<16xf32>
        %add3A_794 = arith.constant 240 : i32
        %add3A_795 = vector.broadcast %add3A_794 : i32 to vector<16xi32>
        %add3A_796 = arith.addi %iota3A, %add3A_795 : vector<16xi32>
        %add3A_797 = arith.constant 0 : i32
        %add3A_798 = vector.broadcast %add3A_797 : i32 to vector<16xi32>
        %add3A_799 = arith.addi %get3A_275, %add3A_798 : vector<16xi32>
        %gather3A_800 = tpu.vector_load_idx %arg6[%add3A_796, %add3A_799] : memref<256x64xf32, #tpu.memory_space<vmem>>[vector<16xi32>, vector<16xi32>], vector<16xf32>,
        %mul3A_801 = arith.constant 8.000000e+00 : f32
        %mul3A_802 = vector.broadcast %mul3A_801 : f32 to vector<16xf32>
        %mul3A_803 = arith.mulf %gather3A_800, %mul3A_802 : vector<16xf32>
        %add3A_804 = arith.constant 16 : i32
        %add3A_805 = vector.broadcast %add3A_804 : i32 to vector<16xi32>
        %add3A_806 = arith.addi %get3A_275, %add3A_805 : vector<16xi32>
        %gather3A_807 = tpu.vector_load_idx %arg6[%add3A_796, %add3A_806] : memref<256x64xf32, #tpu.memory_space<vmem>>[vector<16xi32>, vector<16xi32>], vector<16xf32>,
        %mul3A_808 = arith.constant 8.000000e+00 : f32
        %mul3A_809 = vector.broadcast %mul3A_808 : f32 to vector<16xf32>
        %mul3A_810 = arith.mulf %gather3A_807, %mul3A_809 : vector<16xf32>
        %add3A_811 = arith.constant 32 : i32
        %add3A_812 = vector.broadcast %add3A_811 : i32 to vector<16xi32>
        %add3A_813 = arith.addi %get3A_275, %add3A_812 : vector<16xi32>
        %gather3A_814 = tpu.vector_load_idx %arg6[%add3A_796, %add3A_813] : memref<256x64xf32, #tpu.memory_space<vmem>>[vector<16xi32>, vector<16xi32>], vector<16xf32>,
        %mul3A_815 = arith.constant 8.000000e+00 : f32
        %mul3A_816 = vector.broadcast %mul3A_815 : f32 to vector<16xf32>
        %mul3A_817 = arith.mulf %gather3A_814, %mul3A_816 : vector<16xf32>
        %add3A_818 = arith.constant 48 : i32
        %add3A_819 = vector.broadcast %add3A_818 : i32 to vector<16xi32>
        %add3A_820 = arith.addi %get3A_275, %add3A_819 : vector<16xi32>
        %gather3A_821 = tpu.vector_load_idx %arg6[%add3A_796, %add3A_820] : memref<256x64xf32, #tpu.memory_space<vmem>>[vector<16xi32>, vector<16xi32>], vector<16xf32>,
        %mul3A_822 = arith.constant 8.000000e+00 : f32
        %mul3A_823 = vector.broadcast %mul3A_822 : f32 to vector<16xf32>
        %mul3A_824 = arith.mulf %gather3A_821, %mul3A_823 : vector<16xf32>
        tpu.vector_store_idx %arg8[%add3A_284, %broadcast_in_dim3A_10, %add3A_697], %mul3A_707 : memref<8x2x1024xf32, #tpu.memory_space<vmem>>[vector<16xi32>, vector<16xi32>, vector<16xi32>], vector<16xf32>,
        tpu.vector_store_idx %arg8[%add3A_290, %broadcast_in_dim3A_10, %add3A_697], %mul3A_714 : memref<8x2x1024xf32, #tpu.memory_space<vmem>>[vector<16xi32>, vector<16xi32>, vector<16xi32>], vector<16xf32>,
        tpu.vector_store_idx %arg8[%add3A_296, %broadcast_in_dim3A_10, %add3A_697], %mul3A_721 : memref<8x2x1024xf32, #tpu.memory_space<vmem>>[vector<16xi32>, vector<16xi32>, vector<16xi32>], vector<16xf32>,
        tpu.vector_store_idx %arg8[%add3A_302, %broadcast_in_dim3A_10, %add3A_697], %mul3A_728 : memref<8x2x1024xf32, #tpu.memory_space<vmem>>[vector<16xi32>, vector<16xi32>, vector<16xi32>], vector<16xf32>,
        tpu.vector_store_idx %arg8[%add3A_284, %broadcast_in_dim3A_12, %add3A_697], %mul3A_738 : memref<8x2x1024xf32, #tpu.memory_space<vmem>>[vector<16xi32>, vector<16xi32>, vector<16xi32>], vector<16xf32>,
        tpu.vector_store_idx %arg8[%add3A_290, %broadcast_in_dim3A_12, %add3A_697], %mul3A_745 : memref<8x2x1024xf32, #tpu.memory_space<vmem>>[vector<16xi32>, vector<16xi32>, vector<16xi32>], vector<16xf32>,
        tpu.vector_store_idx %arg8[%add3A_296, %broadcast_in_dim3A_12, %add3A_697], %mul3A_752 : memref<8x2x1024xf32, #tpu.memory_space<vmem>>[vector<16xi32>, vector<16xi32>, vector<16xi32>], vector<16xf32>,
        tpu.vector_store_idx %arg8[%add3A_302, %broadcast_in_dim3A_12, %add3A_697], %mul3A_759 : memref<8x2x1024xf32, #tpu.memory_space<vmem>>[vector<16xi32>, vector<16xi32>, vector<16xi32>], vector<16xf32>,
        tpu.vector_store_idx %arg8[%add3A_284, %broadcast_in_dim3A_10, %add3A_762], %mul3A_772 : memref<8x2x1024xf32, #tpu.memory_space<vmem>>[vector<16xi32>, vector<16xi32>, vector<16xi32>], vector<16xf32>,
        tpu.vector_store_idx %arg8[%add3A_290, %broadcast_in_dim3A_10, %add3A_762], %mul3A_779 : memref<8x2x1024xf32, #tpu.memory_space<vmem>>[vector<16xi32>, vector<16xi32>, vector<16xi32>], vector<16xf32>,
        tpu.vector_store_idx %arg8[%add3A_296, %broadcast_in_dim3A_10, %add3A_762], %mul3A_786 : memref<8x2x1024xf32, #tpu.memory_space<vmem>>[vector<16xi32>, vector<16xi32>, vector<16xi32>], vector<16xf32>,
        tpu.vector_store_idx %arg8[%add3A_302, %broadcast_in_dim3A_10, %add3A_762], %mul3A_793 : memref<8x2x1024xf32, #tpu.memory_space<vmem>>[vector<16xi32>, vector<16xi32>, vector<16xi32>], vector<16xf32>,
        tpu.vector_store_idx %arg8[%add3A_284, %broadcast_in_dim3A_12, %add3A_762], %mul3A_803 : memref<8x2x1024xf32, #tpu.memory_space<vmem>>[vector<16xi32>, vector<16xi32>, vector<16xi32>], vector<16xf32>,
        tpu.vector_store_idx %arg8[%add3A_290, %broadcast_in_dim3A_12, %add3A_762], %mul3A_810 : memref<8x2x1024xf32, #tpu.memory_space<vmem>>[vector<16xi32>, vector<16xi32>, vector<16xi32>], vector<16xf32>,
        tpu.vector_store_idx %arg8[%add3A_296, %broadcast_in_dim3A_12, %add3A_762], %mul3A_817 : memref<8x2x1024xf32, #tpu.memory_space<vmem>>[vector<16xi32>, vector<16xi32>, vector<16xi32>], vector<16xf32>,
        tpu.vector_store_idx %arg8[%add3A_302, %broadcast_in_dim3A_12, %add3A_762], %mul3A_824 : memref<8x2x1024xf32, #tpu.memory_space<vmem>>[vector<16xi32>, vector<16xi32>, vector<16xi32>], vector<16xf32>,
      }
      %scan3A_139 = arith.constant 16 : i32
      %add3A_140 = arith.addi %mul3A_2, %add3A_125 : i32
      %jit3A_141 = arith.constant 16 : i32
      %div3A_142 = arith.divsi %add3A_140, %jit3A_141 : i32
      %sign3A_143 = arith.constant 0 : i32
      %sign3A_144 = arith.cmpi sgt, %add3A_140, %sign3A_143 : i32
      %sign3A_145 = arith.extui %sign3A_144 : i1 to i32
      %sign3A_146 = arith.constant 0 : i32
      %sign3A_147 = arith.cmpi slt, %add3A_140, %sign3A_146 : i32
      %sign3A_148 = arith.extui %sign3A_147 : i1 to i32
      %sign3A_149 = arith.subi %sign3A_145, %sign3A_148 : i32
      %sign3A_150 = arith.constant 0 : i32
      %sign3A_151 = arith.cmpi sgt, %jit3A_141, %sign3A_150 : i32
      %sign3A_152 = arith.extui %sign3A_151 : i1 to i32
      %sign3A_153 = arith.constant 0 : i32
      %sign3A_154 = arith.cmpi slt, %jit3A_141, %sign3A_153 : i32
      %sign3A_155 = arith.extui %sign3A_154 : i1 to i32
      %sign3A_156 = arith.subi %sign3A_152, %sign3A_155 : i32
      %ne3A_157 = arith.cmpi ne, %sign3A_149, %sign3A_156 : i32
      %rem3A_158 = arith.remsi %add3A_140, %jit3A_141 : i32
      %ne3A_159 = arith.constant 0 : i32
      %ne3A_160 = arith.cmpi ne, %rem3A_158, %ne3A_159 : i32
      %and3A_161 = arith.andi %ne3A_157, %ne3A_160 : i1
      %sub3A_162 = arith.constant 1 : i32
      %sub3A_163 = arith.subi %div3A_142, %sub3A_162 : i32
      %select_n3A_164 = arith.select %and3A_161, %sub3A_163, %div3A_142 : i32
      %jit3A_165 = arith.constant 16 : i32
      %eq3A_166 = arith.constant 0 : i32
      %eq3A_167 = arith.cmpi eq, %jit3A_165, %eq3A_166 : i32
      %jit3A_168 = arith.constant 1 : i32
      %select_n3A_169 = arith.select %eq3A_167, %jit3A_168, %jit3A_165 : i32
      %rem3A_170 = arith.remsi %add3A_140, %select_n3A_169 : i32
      %ne3A_171 = arith.constant 0 : i32
      %ne3A_172 = arith.cmpi ne, %rem3A_170, %ne3A_171 : i32
      %lt3A_173 = arith.constant 0 : i32
      %lt3A_174 = arith.cmpi slt, %rem3A_170, %lt3A_173 : i32
      %lt3A_175 = arith.constant 0 : i32
      %lt3A_176 = arith.cmpi slt, %select_n3A_169, %lt3A_175 : i32
      %ne3A_177 = arith.xori %lt3A_174, %lt3A_176 : i1
      %and3A_178 = arith.andi %ne3A_177, %ne3A_172 : i1
      %add3A_179 = arith.addi %rem3A_170, %select_n3A_169 : i32
      %select_n3A_180 = arith.select %and3A_178, %add3A_179, %rem3A_170 : i32
      %mul3A_181 = arith.constant 2 : i32
      %mul3A_182 = arith.muli %select_n3A_180, %mul3A_181 : i32
      %dma_start3A_183 = arith.constant 0 : i32
      %dma_start3A_184 = arith.constant 0 : i32
      %dma_start3A_185 = tpu.memref_slice %arg4[%select_n3A_164, %dma_start3A_183, %mul3A_182, %dma_start3A_184] : memref<200x8x32x1024xf32, #tpu.memory_space<hbm>> -> memref<1x8x2x1024xf32, #tpu.memory_space<hbm>>
      %dma_start3A_186 = tpu.memref_squeeze %dma_start3A_185 : memref<1x8x2x1024xf32, #tpu.memory_space<hbm>> -> memref<8x2x1024xf32, #tpu.memory_space<hbm>>
      %dma_start3A_187 = arith.constant 0 : i32
      %dma_start3A_188 = arith.constant 0 : i32
      %dma_start3A_189 = tpu.memref_slice %arg4[%select_n3A_164, %dma_start3A_187, %mul3A_182, %dma_start3A_188] : memref<200x8x32x1024xf32, #tpu.memory_space<hbm>> -> memref<1x8x2x1024xf32, #tpu.memory_space<hbm>>
      %dma_start3A_190 = tpu.memref_squeeze %dma_start3A_189 : memref<1x8x2x1024xf32, #tpu.memory_space<hbm>> -> memref<8x2x1024xf32, #tpu.memory_space<hbm>>
      tpu.enqueue_dma source(%arg8 : memref<8x2x1024xf32, #tpu.memory_space<vmem>>) target(%dma_start3A_190 : memref<8x2x1024xf32, #tpu.memory_space<hbm>>) target_semaphore(%arg15 : memref<!tpu.dma_semaphore, #tpu.memory_space<semaphore_mem>>)
      %lt3A_191 = arith.constant 49 : i32
      %lt3A_192 = arith.cmpi slt, %scan3A_121, %lt3A_191 : i32
      %convert_element_type3A_193 = arith.extui %lt3A_192 : i1 to i32
      %cond3A_194 = arith.constant 0 : i32
      %cond3A_195 = arith.cmpi ne, %convert_element_type3A_193, %cond3A_194 : i32
      scf.if %cond3A_195 {
        %add3A_273 = arith.constant 2 : i32
        %add3A_274 = arith.addi %add3A_125, %add3A_273 : i32
        %mul3A_275 = arith.constant 256 : i32
        %mul3A_276 = arith.muli %add3A_274, %mul3A_275 : i32
        %dma_start3A_277 = tpu.memref_slice %arg5[%mul3A_276] : memref<25600xi32, #tpu.memory_space<vmem>> -> memref<256xi32, #tpu.memory_space<vmem>>
        %dma_start3A_278 = arith.constant 0 : i32
        %dma_start3A_279 = arith.constant 0 : i32
        %dma_start3A_280 = tpu.memref_slice %arg2[%dma_start3A_278, %dma_start3A_279] : memref<100000x64xf32, #tpu.memory_space<hbm>> -> memref<100000x64xf32, #tpu.memory_space<hbm>>
        tpu.enqueue_indirect_dma source(%dma_start3A_280 : memref<100000x64xf32, #tpu.memory_space<hbm>>) target(%arg6 : memref<256x64xf32, #tpu.memory_space<vmem>>) offsets(%dma_start3A_277 : memref<256xi32, #tpu.memory_space<vmem>>) semaphore(%arg13 : memref<!tpu.dma_semaphore, #tpu.memory_space<semaphore_mem>>)
      } else {
      }
      %mul3A_196 = arith.constant 2 : i32
      %mul3A_197 = arith.muli %mul3A_196, %scan3A_121 : i32
      %add3A_198 = arith.constant 1 : i32
      %add3A_199 = arith.addi %mul3A_197, %add3A_198 : i32
      %mul3A_200 = arith.constant 256 : i32
      %mul3A_201 = arith.muli %add3A_199, %mul3A_200 : i32
      %dma_wait3A_202 = tpu.memref_slice %arg5[%mul3A_201] : memref<25600xi32, #tpu.memory_space<vmem>> -> memref<256xi32, #tpu.memory_space<vmem>>
      %dma_wait3A_203 = arith.constant 0 : i32
      %dma_wait3A_204 = arith.constant 0 : i32
      %dma_wait3A_205 = tpu.memref_slice %arg2[%dma_wait3A_203, %dma_wait3A_204] : memref<100000x64xf32, #tpu.memory_space<hbm>> -> memref<100000x64xf32, #tpu.memory_space<hbm>>
      tpu.wait_indirect_dma semaphore(%arg14 : memref<!tpu.dma_semaphore, #tpu.memory_space<semaphore_mem>>) src(%dma_wait3A_205 : memref<100000x64xf32, #tpu.memory_space<hbm>>) dst(%arg7 : memref<256x64xf32, #tpu.memory_space<vmem>>)
      %gt3A_206 = arith.constant 0 : i32
      %gt3A_207 = arith.cmpi sgt, %scan3A_121, %gt3A_206 : i32
      %convert_element_type3A_208 = arith.extui %gt3A_207 : i1 to i32
      %cond3A_209 = arith.constant 0 : i32
      %cond3A_210 = arith.cmpi ne, %convert_element_type3A_208, %cond3A_209 : i32
      scf.if %cond3A_210 {
        %sub3A_273 = arith.constant 2 : i32
        %sub3A_274 = arith.subi %add3A_199, %sub3A_273 : i32
        %add3A_275 = arith.addi %mul3A_2, %sub3A_274 : i32
        %jit3A_276 = arith.constant 16 : i32
        %div3A_277 = arith.divsi %add3A_275, %jit3A_276 : i32
        %sign3A_278 = arith.constant 0 : i32
        %sign3A_279 = arith.cmpi sgt, %add3A_275, %sign3A_278 : i32
        %sign3A_280 = arith.extui %sign3A_279 : i1 to i32
        %sign3A_281 = arith.constant 0 : i32
        %sign3A_282 = arith.cmpi slt, %add3A_275, %sign3A_281 : i32
        %sign3A_283 = arith.extui %sign3A_282 : i1 to i32
        %sign3A_284 = arith.subi %sign3A_280, %sign3A_283 : i32
        %sign3A_285 = arith.constant 0 : i32
        %sign3A_286 = arith.cmpi sgt, %jit3A_276, %sign3A_285 : i32
        %sign3A_287 = arith.extui %sign3A_286 : i1 to i32
        %sign3A_288 = arith.constant 0 : i32
        %sign3A_289 = arith.cmpi slt, %jit3A_276, %sign3A_288 : i32
        %sign3A_290 = arith.extui %sign3A_289 : i1 to i32
        %sign3A_291 = arith.subi %sign3A_287, %sign3A_290 : i32
        %ne3A_292 = arith.cmpi ne, %sign3A_284, %sign3A_291 : i32
        %rem3A_293 = arith.remsi %add3A_275, %jit3A_276 : i32
        %ne3A_294 = arith.constant 0 : i32
        %ne3A_295 = arith.cmpi ne, %rem3A_293, %ne3A_294 : i32
        %and3A_296 = arith.andi %ne3A_292, %ne3A_295 : i1
        %sub3A_297 = arith.constant 1 : i32
        %sub3A_298 = arith.subi %div3A_277, %sub3A_297 : i32
        %select_n3A_299 = arith.select %and3A_296, %sub3A_298, %div3A_277 : i32
        %jit3A_300 = arith.constant 16 : i32
        %eq3A_301 = arith.constant 0 : i32
        %eq3A_302 = arith.cmpi eq, %jit3A_300, %eq3A_301 : i32
        %jit3A_303 = arith.constant 1 : i32
        %select_n3A_304 = arith.select %eq3A_302, %jit3A_303, %jit3A_300 : i32
        %rem3A_305 = arith.remsi %add3A_275, %select_n3A_304 : i32
        %ne3A_306 = arith.constant 0 : i32
        %ne3A_307 = arith.cmpi ne, %rem3A_305, %ne3A_306 : i32
        %lt3A_308 = arith.constant 0 : i32
        %lt3A_309 = arith.cmpi slt, %rem3A_305, %lt3A_308 : i32
        %lt3A_310 = arith.constant 0 : i32
        %lt3A_311 = arith.cmpi slt, %select_n3A_304, %lt3A_310 : i32
        %ne3A_312 = arith.xori %lt3A_309, %lt3A_311 : i1
        %and3A_313 = arith.andi %ne3A_312, %ne3A_307 : i1
        %add3A_314 = arith.addi %rem3A_305, %select_n3A_304 : i32
        %select_n3A_315 = arith.select %and3A_313, %add3A_314, %rem3A_305 : i32
        %mul3A_316 = arith.constant 2 : i32
        %mul3A_317 = arith.muli %select_n3A_315, %mul3A_316 : i32
        %dma_wait3A_318 = arith.constant 0 : i32
        %dma_wait3A_319 = arith.constant 0 : i32
        %dma_wait3A_320 = tpu.memref_slice %arg4[%select_n3A_299, %dma_wait3A_318, %mul3A_317, %dma_wait3A_319] : memref<200x8x32x1024xf32, #tpu.memory_space<hbm>> -> memref<1x8x2x1024xf32, #tpu.memory_space<hbm>>
        %dma_wait3A_321 = tpu.memref_squeeze %dma_wait3A_320 : memref<1x8x2x1024xf32, #tpu.memory_space<hbm>> -> memref<8x2x1024xf32, #tpu.memory_space<hbm>>
        %dma_wait3A_322 = arith.constant 0 : i32
        %dma_wait3A_323 = arith.constant 0 : i32
        %dma_wait3A_324 = tpu.memref_slice %arg4[%select_n3A_299, %dma_wait3A_322, %mul3A_317, %dma_wait3A_323] : memref<200x8x32x1024xf32, #tpu.memory_space<hbm>> -> memref<1x8x2x1024xf32, #tpu.memory_space<hbm>>
        %dma_wait3A_325 = tpu.memref_squeeze %dma_wait3A_324 : memref<1x8x2x1024xf32, #tpu.memory_space<hbm>> -> memref<8x2x1024xf32, #tpu.memory_space<hbm>>
        tpu.wait_dma2 semaphore(%arg16 : memref<!tpu.dma_semaphore, #tpu.memory_space<semaphore_mem>>) src(%arg9 : memref<8x2x1024xf32, #tpu.memory_space<vmem>>) dst(%dma_wait3A_325 : memref<8x2x1024xf32, #tpu.memory_space<hbm>>)
      } else {
      }
      %scan3A_211 = arith.constant 0 : i32
      %scan3A_212 = arith.constant 0 : i32
      %scan3A_213 = arith.constant 16 : i32
      %scan3A_214 = arith.addi %scan3A_212, %scan3A_213 : i32
      %scan3A_215 = arith.constant 1 : i32
      scf.for %scan3A_273 = %scan3A_212 to %scan3A_214 step %scan3A_215  : i32 {
        %get3A = arith.index_cast %scan3A_273 : i32 to index
        %get3A_274 = arith.constant 0 : index
        %get3A_275 = tpu.vector_load %arg10[%get3A, %get3A_274] {strides = array<i32>} : memref<16x16xi32, #tpu.memory_space<vmem>>, vector<16xi32>,
        %get3A_276 = arith.index_cast %scan3A_273 : i32 to index
        %get3A_277 = arith.constant 0 : index
        %get3A_278 = tpu.vector_load %arg11[%get3A_276, %get3A_277] {strides = array<i32>} : memref<16x16xi32, #tpu.memory_space<vmem>>, vector<16xi32>,
        %get3A_279 = arith.index_cast %scan3A_273 : i32 to index
        %get3A_280 = arith.constant 0 : index
        %get3A_281 = tpu.vector_load %arg12[%get3A_279, %get3A_280] {strides = array<i32>} : memref<16x16xi32, #tpu.memory_space<vmem>>, vector<16xi32>,
        %add3A_282 = arith.constant 0 : i32
        %add3A_283 = vector.broadcast %add3A_282 : i32 to vector<16xi32>
        %add3A_284 = arith.addi %get3A_278, %add3A_283 : vector<16xi32>
        %add3A_285 = arith.constant 1 : i32
        %add3A_286 = vector.broadcast %add3A_285 : i32 to vector<16xi32>
        %add3A_287 = arith.addi %get3A_278, %add3A_286 : vector<16xi32>
        %add3A_288 = arith.constant 2 : i32
        %add3A_289 = vector.broadcast %add3A_288 : i32 to vector<16xi32>
        %add3A_290 = arith.addi %get3A_278, %add3A_289 : vector<16xi32>
        %add3A_291 = arith.constant 3 : i32
        %add3A_292 = vector.broadcast %add3A_291 : i32 to vector<16xi32>
        %add3A_293 = arith.addi %get3A_278, %add3A_292 : vector<16xi32>
        %add3A_294 = arith.constant 4 : i32
        %add3A_295 = vector.broadcast %add3A_294 : i32 to vector<16xi32>
        %add3A_296 = arith.addi %get3A_278, %add3A_295 : vector<16xi32>
        %add3A_297 = arith.constant 5 : i32
        %add3A_298 = vector.broadcast %add3A_297 : i32 to vector<16xi32>
        %add3A_299 = arith.addi %get3A_278, %add3A_298 : vector<16xi32>
        %add3A_300 = arith.constant 6 : i32
        %add3A_301 = vector.broadcast %add3A_300 : i32 to vector<16xi32>
        %add3A_302 = arith.addi %get3A_278, %add3A_301 : vector<16xi32>
        %add3A_303 = arith.constant 7 : i32
        %add3A_304 = vector.broadcast %add3A_303 : i32 to vector<16xi32>
        %add3A_305 = arith.addi %get3A_278, %add3A_304 : vector<16xi32>
        %add3A_306 = arith.constant 0 : i32
        %add3A_307 = vector.broadcast %add3A_306 : i32 to vector<16xi32>
        %add3A_308 = arith.addi %get3A_281, %add3A_307 : vector<16xi32>
        %add3A_309 = arith.constant 0 : i32
        %add3A_310 = vector.broadcast %add3A_309 : i32 to vector<16xi32>
        %add3A_311 = arith.addi %iota3A, %add3A_310 : vector<16xi32>
        %add3A_312 = arith.constant 0 : i32
        %add3A_313 = vector.broadcast %add3A_312 : i32 to vector<16xi32>
        %add3A_314 = arith.addi %get3A_275, %add3A_313 : vector<16xi32>
        %gather3A = tpu.vector_load_idx %arg7[%add3A_311, %add3A_314] : memref<256x64xf32, #tpu.memory_space<vmem>>[vector<16xi32>, vector<16xi32>], vector<16xf32>,
        %mul3A_315 = arith.constant 8.000000e+00 : f32
        %mul3A_316 = vector.broadcast %mul3A_315 : f32 to vector<16xf32>
        %mul3A_317 = arith.mulf %gather3A, %mul3A_316 : vector<16xf32>
        %add3A_318 = arith.constant 16 : i32
        %add3A_319 = vector.broadcast %add3A_318 : i32 to vector<16xi32>
        %add3A_320 = arith.addi %get3A_275, %add3A_319 : vector<16xi32>
        %gather3A_321 = tpu.vector_load_idx %arg7[%add3A_311, %add3A_320] : memref<256x64xf32, #tpu.memory_space<vmem>>[vector<16xi32>, vector<16xi32>], vector<16xf32>,
        %mul3A_322 = arith.constant 8.000000e+00 : f32
        %mul3A_323 = vector.broadcast %mul3A_322 : f32 to vector<16xf32>
        %mul3A_324 = arith.mulf %gather3A_321, %mul3A_323 : vector<16xf32>
        %add3A_325 = arith.constant 32 : i32
        %add3A_326 = vector.broadcast %add3A_325 : i32 to vector<16xi32>
        %add3A_327 = arith.addi %get3A_275, %add3A_326 : vector<16xi32>
        %gather3A_328 = tpu.vector_load_idx %arg7[%add3A_311, %add3A_327] : memref<256x64xf32, #tpu.memory_space<vmem>>[vector<16xi32>, vector<16xi32>], vector<16xf32>,
        %mul3A_329 = arith.constant 8.000000e+00 : f32
        %mul3A_330 = vector.broadcast %mul3A_329 : f32 to vector<16xf32>
        %mul3A_331 = arith.mulf %gather3A_328, %mul3A_330 : vector<16xf32>
        %add3A_332 = arith.constant 48 : i32
        %add3A_333 = vector.broadcast %add3A_332 : i32 to vector<16xi32>
        %add3A_334 = arith.addi %get3A_275, %add3A_333 : vector<16xi32>
        %gather3A_335 = tpu.vector_load_idx %arg7[%add3A_311, %add3A_334] : memref<256x64xf32, #tpu.memory_space<vmem>>[vector<16xi32>, vector<16xi32>], vector<16xf32>,
        %mul3A_336 = arith.constant 8.000000e+00 : f32
        %mul3A_337 = vector.broadcast %mul3A_336 : f32 to vector<16xf32>
        %mul3A_338 = arith.mulf %gather3A_335, %mul3A_337 : vector<16xf32>
        %add3A_339 = arith.constant 128 : i32
        %add3A_340 = vector.broadcast %add3A_339 : i32 to vector<16xi32>
        %add3A_341 = arith.addi %iota3A, %add3A_340 : vector<16xi32>
        %add3A_342 = arith.constant 0 : i32
        %add3A_343 = vector.broadcast %add3A_342 : i32 to vector<16xi32>
        %add3A_344 = arith.addi %get3A_275, %add3A_343 : vector<16xi32>
        %gather3A_345 = tpu.vector_load_idx %arg7[%add3A_341, %add3A_344] : memref<256x64xf32, #tpu.memory_space<vmem>>[vector<16xi32>, vector<16xi32>], vector<16xf32>,
        %mul3A_346 = arith.constant 8.000000e+00 : f32
        %mul3A_347 = vector.broadcast %mul3A_346 : f32 to vector<16xf32>
        %mul3A_348 = arith.mulf %gather3A_345, %mul3A_347 : vector<16xf32>
        %add3A_349 = arith.constant 16 : i32
        %add3A_350 = vector.broadcast %add3A_349 : i32 to vector<16xi32>
        %add3A_351 = arith.addi %get3A_275, %add3A_350 : vector<16xi32>
        %gather3A_352 = tpu.vector_load_idx %arg7[%add3A_341, %add3A_351] : memref<256x64xf32, #tpu.memory_space<vmem>>[vector<16xi32>, vector<16xi32>], vector<16xf32>,
        %mul3A_353 = arith.constant 8.000000e+00 : f32
        %mul3A_354 = vector.broadcast %mul3A_353 : f32 to vector<16xf32>
        %mul3A_355 = arith.mulf %gather3A_352, %mul3A_354 : vector<16xf32>
        %add3A_356 = arith.constant 32 : i32
        %add3A_357 = vector.broadcast %add3A_356 : i32 to vector<16xi32>
        %add3A_358 = arith.addi %get3A_275, %add3A_357 : vector<16xi32>
        %gather3A_359 = tpu.vector_load_idx %arg7[%add3A_341, %add3A_358] : memref<256x64xf32, #tpu.memory_space<vmem>>[vector<16xi32>, vector<16xi32>], vector<16xf32>,
        %mul3A_360 = arith.constant 8.000000e+00 : f32
        %mul3A_361 = vector.broadcast %mul3A_360 : f32 to vector<16xf32>
        %mul3A_362 = arith.mulf %gather3A_359, %mul3A_361 : vector<16xf32>
        %add3A_363 = arith.constant 48 : i32
        %add3A_364 = vector.broadcast %add3A_363 : i32 to vector<16xi32>
        %add3A_365 = arith.addi %get3A_275, %add3A_364 : vector<16xi32>
        %gather3A_366 = tpu.vector_load_idx %arg7[%add3A_341, %add3A_365] : memref<256x64xf32, #tpu.memory_space<vmem>>[vector<16xi32>, vector<16xi32>], vector<16xf32>,
        %mul3A_367 = arith.constant 8.000000e+00 : f32
        %mul3A_368 = vector.broadcast %mul3A_367 : f32 to vector<16xf32>
        %mul3A_369 = arith.mulf %gather3A_366, %mul3A_368 : vector<16xf32>
        %add3A_370 = arith.constant 16 : i32
        %add3A_371 = vector.broadcast %add3A_370 : i32 to vector<16xi32>
        %add3A_372 = arith.addi %get3A_281, %add3A_371 : vector<16xi32>
        %add3A_373 = arith.constant 16 : i32
        %add3A_374 = vector.broadcast %add3A_373 : i32 to vector<16xi32>
        %add3A_375 = arith.addi %iota3A, %add3A_374 : vector<16xi32>
        %add3A_376 = arith.constant 0 : i32
        %add3A_377 = vector.broadcast %add3A_376 : i32 to vector<16xi32>
        %add3A_378 = arith.addi %get3A_275, %add3A_377 : vector<16xi32>
        %gather3A_379 = tpu.vector_load_idx %arg7[%add3A_375, %add3A_378] : memref<256x64xf32, #tpu.memory_space<vmem>>[vector<16xi32>, vector<16xi32>], vector<16xf32>,
        %mul3A_380 = arith.constant 8.000000e+00 : f32
        %mul3A_381 = vector.broadcast %mul3A_380 : f32 to vector<16xf32>
        %mul3A_382 = arith.mulf %gather3A_379, %mul3A_381 : vector<16xf32>
        %add3A_383 = arith.constant 16 : i32
        %add3A_384 = vector.broadcast %add3A_383 : i32 to vector<16xi32>
        %add3A_385 = arith.addi %get3A_275, %add3A_384 : vector<16xi32>
        %gather3A_386 = tpu.vector_load_idx %arg7[%add3A_375, %add3A_385] : memref<256x64xf32, #tpu.memory_space<vmem>>[vector<16xi32>, vector<16xi32>], vector<16xf32>,
        %mul3A_387 = arith.constant 8.000000e+00 : f32
        %mul3A_388 = vector.broadcast %mul3A_387 : f32 to vector<16xf32>
        %mul3A_389 = arith.mulf %gather3A_386, %mul3A_388 : vector<16xf32>
        %add3A_390 = arith.constant 32 : i32
        %add3A_391 = vector.broadcast %add3A_390 : i32 to vector<16xi32>
        %add3A_392 = arith.addi %get3A_275, %add3A_391 : vector<16xi32>
        %gather3A_393 = tpu.vector_load_idx %arg7[%add3A_375, %add3A_392] : memref<256x64xf32, #tpu.memory_space<vmem>>[vector<16xi32>, vector<16xi32>], vector<16xf32>,
        %mul3A_394 = arith.constant 8.000000e+00 : f32
        %mul3A_395 = vector.broadcast %mul3A_394 : f32 to vector<16xf32>
        %mul3A_396 = arith.mulf %gather3A_393, %mul3A_395 : vector<16xf32>
        %add3A_397 = arith.constant 48 : i32
        %add3A_398 = vector.broadcast %add3A_397 : i32 to vector<16xi32>
        %add3A_399 = arith.addi %get3A_275, %add3A_398 : vector<16xi32>
        %gather3A_400 = tpu.vector_load_idx %arg7[%add3A_375, %add3A_399] : memref<256x64xf32, #tpu.memory_space<vmem>>[vector<16xi32>, vector<16xi32>], vector<16xf32>,
        %mul3A_401 = arith.constant 8.000000e+00 : f32
        %mul3A_402 = vector.broadcast %mul3A_401 : f32 to vector<16xf32>
        %mul3A_403 = arith.mulf %gather3A_400, %mul3A_402 : vector<16xf32>
        %add3A_404 = arith.constant 144 : i32
        %add3A_405 = vector.broadcast %add3A_404 : i32 to vector<16xi32>
        %add3A_406 = arith.addi %iota3A, %add3A_405 : vector<16xi32>
        %add3A_407 = arith.constant 0 : i32
        %add3A_408 = vector.broadcast %add3A_407 : i32 to vector<16xi32>
        %add3A_409 = arith.addi %get3A_275, %add3A_408 : vector<16xi32>
        %gather3A_410 = tpu.vector_load_idx %arg7[%add3A_406, %add3A_409] : memref<256x64xf32, #tpu.memory_space<vmem>>[vector<16xi32>, vector<16xi32>], vector<16xf32>,
        %mul3A_411 = arith.constant 8.000000e+00 : f32
        %mul3A_412 = vector.broadcast %mul3A_411 : f32 to vector<16xf32>
        %mul3A_413 = arith.mulf %gather3A_410, %mul3A_412 : vector<16xf32>
        %add3A_414 = arith.constant 16 : i32
        %add3A_415 = vector.broadcast %add3A_414 : i32 to vector<16xi32>
        %add3A_416 = arith.addi %get3A_275, %add3A_415 : vector<16xi32>
        %gather3A_417 = tpu.vector_load_idx %arg7[%add3A_406, %add3A_416] : memref<256x64xf32, #tpu.memory_space<vmem>>[vector<16xi32>, vector<16xi32>], vector<16xf32>,
        %mul3A_418 = arith.constant 8.000000e+00 : f32
        %mul3A_419 = vector.broadcast %mul3A_418 : f32 to vector<16xf32>
        %mul3A_420 = arith.mulf %gather3A_417, %mul3A_419 : vector<16xf32>
        %add3A_421 = arith.constant 32 : i32
        %add3A_422 = vector.broadcast %add3A_421 : i32 to vector<16xi32>
        %add3A_423 = arith.addi %get3A_275, %add3A_422 : vector<16xi32>
        %gather3A_424 = tpu.vector_load_idx %arg7[%add3A_406, %add3A_423] : memref<256x64xf32, #tpu.memory_space<vmem>>[vector<16xi32>, vector<16xi32>], vector<16xf32>,
        %mul3A_425 = arith.constant 8.000000e+00 : f32
        %mul3A_426 = vector.broadcast %mul3A_425 : f32 to vector<16xf32>
        %mul3A_427 = arith.mulf %gather3A_424, %mul3A_426 : vector<16xf32>
        %add3A_428 = arith.constant 48 : i32
        %add3A_429 = vector.broadcast %add3A_428 : i32 to vector<16xi32>
        %add3A_430 = arith.addi %get3A_275, %add3A_429 : vector<16xi32>
        %gather3A_431 = tpu.vector_load_idx %arg7[%add3A_406, %add3A_430] : memref<256x64xf32, #tpu.memory_space<vmem>>[vector<16xi32>, vector<16xi32>], vector<16xf32>,
        %mul3A_432 = arith.constant 8.000000e+00 : f32
        %mul3A_433 = vector.broadcast %mul3A_432 : f32 to vector<16xf32>
        %mul3A_434 = arith.mulf %gather3A_431, %mul3A_433 : vector<16xf32>
        tpu.vector_store_idx %arg9[%add3A_284, %broadcast_in_dim3A_10, %add3A_308], %mul3A_317 : memref<8x2x1024xf32, #tpu.memory_space<vmem>>[vector<16xi32>, vector<16xi32>, vector<16xi32>], vector<16xf32>,
        tpu.vector_store_idx %arg9[%add3A_290, %broadcast_in_dim3A_10, %add3A_308], %mul3A_324 : memref<8x2x1024xf32, #tpu.memory_space<vmem>>[vector<16xi32>, vector<16xi32>, vector<16xi32>], vector<16xf32>,
        tpu.vector_store_idx %arg9[%add3A_296, %broadcast_in_dim3A_10, %add3A_308], %mul3A_331 : memref<8x2x1024xf32, #tpu.memory_space<vmem>>[vector<16xi32>, vector<16xi32>, vector<16xi32>], vector<16xf32>,
        tpu.vector_store_idx %arg9[%add3A_302, %broadcast_in_dim3A_10, %add3A_308], %mul3A_338 : memref<8x2x1024xf32, #tpu.memory_space<vmem>>[vector<16xi32>, vector<16xi32>, vector<16xi32>], vector<16xf32>,
        tpu.vector_store_idx %arg9[%add3A_284, %broadcast_in_dim3A_12, %add3A_308], %mul3A_348 : memref<8x2x1024xf32, #tpu.memory_space<vmem>>[vector<16xi32>, vector<16xi32>, vector<16xi32>], vector<16xf32>,
        tpu.vector_store_idx %arg9[%add3A_290, %broadcast_in_dim3A_12, %add3A_308], %mul3A_355 : memref<8x2x1024xf32, #tpu.memory_space<vmem>>[vector<16xi32>, vector<16xi32>, vector<16xi32>], vector<16xf32>,
        tpu.vector_store_idx %arg9[%add3A_296, %broadcast_in_dim3A_12, %add3A_308], %mul3A_362 : memref<8x2x1024xf32, #tpu.memory_space<vmem>>[vector<16xi32>, vector<16xi32>, vector<16xi32>], vector<16xf32>,
        tpu.vector_store_idx %arg9[%add3A_302, %broadcast_in_dim3A_12, %add3A_308], %mul3A_369 : memref<8x2x1024xf32, #tpu.memory_space<vmem>>[vector<16xi32>, vector<16xi32>, vector<16xi32>], vector<16xf32>,
        tpu.vector_store_idx %arg9[%add3A_284, %broadcast_in_dim3A_10, %add3A_372], %mul3A_382 : memref<8x2x1024xf32, #tpu.memory_space<vmem>>[vector<16xi32>, vector<16xi32>, vector<16xi32>], vector<16xf32>,
        tpu.vector_store_idx %arg9[%add3A_290, %broadcast_in_dim3A_10, %add3A_372], %mul3A_389 : memref<8x2x1024xf32, #tpu.memory_space<vmem>>[vector<16xi32>, vector<16xi32>, vector<16xi32>], vector<16xf32>,
        tpu.vector_store_idx %arg9[%add3A_296, %broadcast_in_dim3A_10, %add3A_372], %mul3A_396 : memref<8x2x1024xf32, #tpu.memory_space<vmem>>[vector<16xi32>, vector<16xi32>, vector<16xi32>], vector<16xf32>,
        tpu.vector_store_idx %arg9[%add3A_302, %broadcast_in_dim3A_10, %add3A_372], %mul3A_403 : memref<8x2x1024xf32, #tpu.memory_space<vmem>>[vector<16xi32>, vector<16xi32>, vector<16xi32>], vector<16xf32>,
        tpu.vector_store_idx %arg9[%add3A_284, %broadcast_in_dim3A_12, %add3A_372], %mul3A_413 : memref<8x2x1024xf32, #tpu.memory_space<vmem>>[vector<16xi32>, vector<16xi32>, vector<16xi32>], vector<16xf32>,
        tpu.vector_store_idx %arg9[%add3A_290, %broadcast_in_dim3A_12, %add3A_372], %mul3A_420 : memref<8x2x1024xf32, #tpu.memory_space<vmem>>[vector<16xi32>, vector<16xi32>, vector<16xi32>], vector<16xf32>,
        tpu.vector_store_idx %arg9[%add3A_296, %broadcast_in_dim3A_12, %add3A_372], %mul3A_427 : memref<8x2x1024xf32, #tpu.memory_space<vmem>>[vector<16xi32>, vector<16xi32>, vector<16xi32>], vector<16xf32>,
        tpu.vector_store_idx %arg9[%add3A_302, %broadcast_in_dim3A_12, %add3A_372], %mul3A_434 : memref<8x2x1024xf32, #tpu.memory_space<vmem>>[vector<16xi32>, vector<16xi32>, vector<16xi32>], vector<16xf32>,
        %add3A_435 = arith.constant 32 : i32
        %add3A_436 = vector.broadcast %add3A_435 : i32 to vector<16xi32>
        %add3A_437 = arith.addi %get3A_281, %add3A_436 : vector<16xi32>
        %add3A_438 = arith.constant 32 : i32
        %add3A_439 = vector.broadcast %add3A_438 : i32 to vector<16xi32>
        %add3A_440 = arith.addi %iota3A, %add3A_439 : vector<16xi32>
        %add3A_441 = arith.constant 0 : i32
        %add3A_442 = vector.broadcast %add3A_441 : i32 to vector<16xi32>
        %add3A_443 = arith.addi %get3A_275, %add3A_442 : vector<16xi32>
        %gather3A_444 = tpu.vector_load_idx %arg7[%add3A_440, %add3A_443] : memref<256x64xf32, #tpu.memory_space<vmem>>[vector<16xi32>, vector<16xi32>], vector<16xf32>,
        %mul3A_445 = arith.constant 8.000000e+00 : f32
        %mul3A_446 = vector.broadcast %mul3A_445 : f32 to vector<16xf32>
        %mul3A_447 = arith.mulf %gather3A_444, %mul3A_446 : vector<16xf32>
        %add3A_448 = arith.constant 16 : i32
        %add3A_449 = vector.broadcast %add3A_448 : i32 to vector<16xi32>
        %add3A_450 = arith.addi %get3A_275, %add3A_449 : vector<16xi32>
        %gather3A_451 = tpu.vector_load_idx %arg7[%add3A_440, %add3A_450] : memref<256x64xf32, #tpu.memory_space<vmem>>[vector<16xi32>, vector<16xi32>], vector<16xf32>,
        %mul3A_452 = arith.constant 8.000000e+00 : f32
        %mul3A_453 = vector.broadcast %mul3A_452 : f32 to vector<16xf32>
        %mul3A_454 = arith.mulf %gather3A_451, %mul3A_453 : vector<16xf32>
        %add3A_455 = arith.constant 32 : i32
        %add3A_456 = vector.broadcast %add3A_455 : i32 to vector<16xi32>
        %add3A_457 = arith.addi %get3A_275, %add3A_456 : vector<16xi32>
        %gather3A_458 = tpu.vector_load_idx %arg7[%add3A_440, %add3A_457] : memref<256x64xf32, #tpu.memory_space<vmem>>[vector<16xi32>, vector<16xi32>], vector<16xf32>,
        %mul3A_459 = arith.constant 8.000000e+00 : f32
        %mul3A_460 = vector.broadcast %mul3A_459 : f32 to vector<16xf32>
        %mul3A_461 = arith.mulf %gather3A_458, %mul3A_460 : vector<16xf32>
        %add3A_462 = arith.constant 48 : i32
        %add3A_463 = vector.broadcast %add3A_462 : i32 to vector<16xi32>
        %add3A_464 = arith.addi %get3A_275, %add3A_463 : vector<16xi32>
        %gather3A_465 = tpu.vector_load_idx %arg7[%add3A_440, %add3A_464] : memref<256x64xf32, #tpu.memory_space<vmem>>[vector<16xi32>, vector<16xi32>], vector<16xf32>,
        %mul3A_466 = arith.constant 8.000000e+00 : f32
        %mul3A_467 = vector.broadcast %mul3A_466 : f32 to vector<16xf32>
        %mul3A_468 = arith.mulf %gather3A_465, %mul3A_467 : vector<16xf32>
        %add3A_469 = arith.constant 160 : i32
        %add3A_470 = vector.broadcast %add3A_469 : i32 to vector<16xi32>
        %add3A_471 = arith.addi %iota3A, %add3A_470 : vector<16xi32>
        %add3A_472 = arith.constant 0 : i32
        %add3A_473 = vector.broadcast %add3A_472 : i32 to vector<16xi32>
        %add3A_474 = arith.addi %get3A_275, %add3A_473 : vector<16xi32>
        %gather3A_475 = tpu.vector_load_idx %arg7[%add3A_471, %add3A_474] : memref<256x64xf32, #tpu.memory_space<vmem>>[vector<16xi32>, vector<16xi32>], vector<16xf32>,
        %mul3A_476 = arith.constant 8.000000e+00 : f32
        %mul3A_477 = vector.broadcast %mul3A_476 : f32 to vector<16xf32>
        %mul3A_478 = arith.mulf %gather3A_475, %mul3A_477 : vector<16xf32>
        %add3A_479 = arith.constant 16 : i32
        %add3A_480 = vector.broadcast %add3A_479 : i32 to vector<16xi32>
        %add3A_481 = arith.addi %get3A_275, %add3A_480 : vector<16xi32>
        %gather3A_482 = tpu.vector_load_idx %arg7[%add3A_471, %add3A_481] : memref<256x64xf32, #tpu.memory_space<vmem>>[vector<16xi32>, vector<16xi32>], vector<16xf32>,
        %mul3A_483 = arith.constant 8.000000e+00 : f32
        %mul3A_484 = vector.broadcast %mul3A_483 : f32 to vector<16xf32>
        %mul3A_485 = arith.mulf %gather3A_482, %mul3A_484 : vector<16xf32>
        %add3A_486 = arith.constant 32 : i32
        %add3A_487 = vector.broadcast %add3A_486 : i32 to vector<16xi32>
        %add3A_488 = arith.addi %get3A_275, %add3A_487 : vector<16xi32>
        %gather3A_489 = tpu.vector_load_idx %arg7[%add3A_471, %add3A_488] : memref<256x64xf32, #tpu.memory_space<vmem>>[vector<16xi32>, vector<16xi32>], vector<16xf32>,
        %mul3A_490 = arith.constant 8.000000e+00 : f32
        %mul3A_491 = vector.broadcast %mul3A_490 : f32 to vector<16xf32>
        %mul3A_492 = arith.mulf %gather3A_489, %mul3A_491 : vector<16xf32>
        %add3A_493 = arith.constant 48 : i32
        %add3A_494 = vector.broadcast %add3A_493 : i32 to vector<16xi32>
        %add3A_495 = arith.addi %get3A_275, %add3A_494 : vector<16xi32>
        %gather3A_496 = tpu.vector_load_idx %arg7[%add3A_471, %add3A_495] : memref<256x64xf32, #tpu.memory_space<vmem>>[vector<16xi32>, vector<16xi32>], vector<16xf32>,
        %mul3A_497 = arith.constant 8.000000e+00 : f32
        %mul3A_498 = vector.broadcast %mul3A_497 : f32 to vector<16xf32>
        %mul3A_499 = arith.mulf %gather3A_496, %mul3A_498 : vector<16xf32>
        %add3A_500 = arith.constant 48 : i32
        %add3A_501 = vector.broadcast %add3A_500 : i32 to vector<16xi32>
        %add3A_502 = arith.addi %get3A_281, %add3A_501 : vector<16xi32>
        %add3A_503 = arith.constant 48 : i32
        %add3A_504 = vector.broadcast %add3A_503 : i32 to vector<16xi32>
        %add3A_505 = arith.addi %iota3A, %add3A_504 : vector<16xi32>
        %add3A_506 = arith.constant 0 : i32
        %add3A_507 = vector.broadcast %add3A_506 : i32 to vector<16xi32>
        %add3A_508 = arith.addi %get3A_275, %add3A_507 : vector<16xi32>
        %gather3A_509 = tpu.vector_load_idx %arg7[%add3A_505, %add3A_508] : memref<256x64xf32, #tpu.memory_space<vmem>>[vector<16xi32>, vector<16xi32>], vector<16xf32>,
        %mul3A_510 = arith.constant 8.000000e+00 : f32
        %mul3A_511 = vector.broadcast %mul3A_510 : f32 to vector<16xf32>
        %mul3A_512 = arith.mulf %gather3A_509, %mul3A_511 : vector<16xf32>
        %add3A_513 = arith.constant 16 : i32
        %add3A_514 = vector.broadcast %add3A_513 : i32 to vector<16xi32>
        %add3A_515 = arith.addi %get3A_275, %add3A_514 : vector<16xi32>
        %gather3A_516 = tpu.vector_load_idx %arg7[%add3A_505, %add3A_515] : memref<256x64xf32, #tpu.memory_space<vmem>>[vector<16xi32>, vector<16xi32>], vector<16xf32>,
        %mul3A_517 = arith.constant 8.000000e+00 : f32
        %mul3A_518 = vector.broadcast %mul3A_517 : f32 to vector<16xf32>
        %mul3A_519 = arith.mulf %gather3A_516, %mul3A_518 : vector<16xf32>
        %add3A_520 = arith.constant 32 : i32
        %add3A_521 = vector.broadcast %add3A_520 : i32 to vector<16xi32>
        %add3A_522 = arith.addi %get3A_275, %add3A_521 : vector<16xi32>
        %gather3A_523 = tpu.vector_load_idx %arg7[%add3A_505, %add3A_522] : memref<256x64xf32, #tpu.memory_space<vmem>>[vector<16xi32>, vector<16xi32>], vector<16xf32>,
        %mul3A_524 = arith.constant 8.000000e+00 : f32
        %mul3A_525 = vector.broadcast %mul3A_524 : f32 to vector<16xf32>
        %mul3A_526 = arith.mulf %gather3A_523, %mul3A_525 : vector<16xf32>
        %add3A_527 = arith.constant 48 : i32
        %add3A_528 = vector.broadcast %add3A_527 : i32 to vector<16xi32>
        %add3A_529 = arith.addi %get3A_275, %add3A_528 : vector<16xi32>
        %gather3A_530 = tpu.vector_load_idx %arg7[%add3A_505, %add3A_529] : memref<256x64xf32, #tpu.memory_space<vmem>>[vector<16xi32>, vector<16xi32>], vector<16xf32>,
        %mul3A_531 = arith.constant 8.000000e+00 : f32
        %mul3A_532 = vector.broadcast %mul3A_531 : f32 to vector<16xf32>
        %mul3A_533 = arith.mulf %gather3A_530, %mul3A_532 : vector<16xf32>
        %add3A_534 = arith.constant 176 : i32
        %add3A_535 = vector.broadcast %add3A_534 : i32 to vector<16xi32>
        %add3A_536 = arith.addi %iota3A, %add3A_535 : vector<16xi32>
        %add3A_537 = arith.constant 0 : i32
        %add3A_538 = vector.broadcast %add3A_537 : i32 to vector<16xi32>
        %add3A_539 = arith.addi %get3A_275, %add3A_538 : vector<16xi32>
        %gather3A_540 = tpu.vector_load_idx %arg7[%add3A_536, %add3A_539] : memref<256x64xf32, #tpu.memory_space<vmem>>[vector<16xi32>, vector<16xi32>], vector<16xf32>,
        %mul3A_541 = arith.constant 8.000000e+00 : f32
        %mul3A_542 = vector.broadcast %mul3A_541 : f32 to vector<16xf32>
        %mul3A_543 = arith.mulf %gather3A_540, %mul3A_542 : vector<16xf32>
        %add3A_544 = arith.constant 16 : i32
        %add3A_545 = vector.broadcast %add3A_544 : i32 to vector<16xi32>
        %add3A_546 = arith.addi %get3A_275, %add3A_545 : vector<16xi32>
        %gather3A_547 = tpu.vector_load_idx %arg7[%add3A_536, %add3A_546] : memref<256x64xf32, #tpu.memory_space<vmem>>[vector<16xi32>, vector<16xi32>], vector<16xf32>,
        %mul3A_548 = arith.constant 8.000000e+00 : f32
        %mul3A_549 = vector.broadcast %mul3A_548 : f32 to vector<16xf32>
        %mul3A_550 = arith.mulf %gather3A_547, %mul3A_549 : vector<16xf32>
        %add3A_551 = arith.constant 32 : i32
        %add3A_552 = vector.broadcast %add3A_551 : i32 to vector<16xi32>
        %add3A_553 = arith.addi %get3A_275, %add3A_552 : vector<16xi32>
        %gather3A_554 = tpu.vector_load_idx %arg7[%add3A_536, %add3A_553] : memref<256x64xf32, #tpu.memory_space<vmem>>[vector<16xi32>, vector<16xi32>], vector<16xf32>,
        %mul3A_555 = arith.constant 8.000000e+00 : f32
        %mul3A_556 = vector.broadcast %mul3A_555 : f32 to vector<16xf32>
        %mul3A_557 = arith.mulf %gather3A_554, %mul3A_556 : vector<16xf32>
        %add3A_558 = arith.constant 48 : i32
        %add3A_559 = vector.broadcast %add3A_558 : i32 to vector<16xi32>
        %add3A_560 = arith.addi %get3A_275, %add3A_559 : vector<16xi32>
        %gather3A_561 = tpu.vector_load_idx %arg7[%add3A_536, %add3A_560] : memref<256x64xf32, #tpu.memory_space<vmem>>[vector<16xi32>, vector<16xi32>], vector<16xf32>,
        %mul3A_562 = arith.constant 8.000000e+00 : f32
        %mul3A_563 = vector.broadcast %mul3A_562 : f32 to vector<16xf32>
        %mul3A_564 = arith.mulf %gather3A_561, %mul3A_563 : vector<16xf32>
        tpu.vector_store_idx %arg9[%add3A_284, %broadcast_in_dim3A_10, %add3A_437], %mul3A_447 : memref<8x2x1024xf32, #tpu.memory_space<vmem>>[vector<16xi32>, vector<16xi32>, vector<16xi32>], vector<16xf32>,
        tpu.vector_store_idx %arg9[%add3A_290, %broadcast_in_dim3A_10, %add3A_437], %mul3A_454 : memref<8x2x1024xf32, #tpu.memory_space<vmem>>[vector<16xi32>, vector<16xi32>, vector<16xi32>], vector<16xf32>,
        tpu.vector_store_idx %arg9[%add3A_296, %broadcast_in_dim3A_10, %add3A_437], %mul3A_461 : memref<8x2x1024xf32, #tpu.memory_space<vmem>>[vector<16xi32>, vector<16xi32>, vector<16xi32>], vector<16xf32>,
        tpu.vector_store_idx %arg9[%add3A_302, %broadcast_in_dim3A_10, %add3A_437], %mul3A_468 : memref<8x2x1024xf32, #tpu.memory_space<vmem>>[vector<16xi32>, vector<16xi32>, vector<16xi32>], vector<16xf32>,
        tpu.vector_store_idx %arg9[%add3A_284, %broadcast_in_dim3A_12, %add3A_437], %mul3A_478 : memref<8x2x1024xf32, #tpu.memory_space<vmem>>[vector<16xi32>, vector<16xi32>, vector<16xi32>], vector<16xf32>,
        tpu.vector_store_idx %arg9[%add3A_290, %broadcast_in_dim3A_12, %add3A_437], %mul3A_485 : memref<8x2x1024xf32, #tpu.memory_space<vmem>>[vector<16xi32>, vector<16xi32>, vector<16xi32>], vector<16xf32>,
        tpu.vector_store_idx %arg9[%add3A_296, %broadcast_in_dim3A_12, %add3A_437], %mul3A_492 : memref<8x2x1024xf32, #tpu.memory_space<vmem>>[vector<16xi32>, vector<16xi32>, vector<16xi32>], vector<16xf32>,
        tpu.vector_store_idx %arg9[%add3A_302, %broadcast_in_dim3A_12, %add3A_437], %mul3A_499 : memref<8x2x1024xf32, #tpu.memory_space<vmem>>[vector<16xi32>, vector<16xi32>, vector<16xi32>], vector<16xf32>,
        tpu.vector_store_idx %arg9[%add3A_284, %broadcast_in_dim3A_10, %add3A_502], %mul3A_512 : memref<8x2x1024xf32, #tpu.memory_space<vmem>>[vector<16xi32>, vector<16xi32>, vector<16xi32>], vector<16xf32>,
        tpu.vector_store_idx %arg9[%add3A_290, %broadcast_in_dim3A_10, %add3A_502], %mul3A_519 : memref<8x2x1024xf32, #tpu.memory_space<vmem>>[vector<16xi32>, vector<16xi32>, vector<16xi32>], vector<16xf32>,
        tpu.vector_store_idx %arg9[%add3A_296, %broadcast_in_dim3A_10, %add3A_502], %mul3A_526 : memref<8x2x1024xf32, #tpu.memory_space<vmem>>[vector<16xi32>, vector<16xi32>, vector<16xi32>], vector<16xf32>,
        tpu.vector_store_idx %arg9[%add3A_302, %broadcast_in_dim3A_10, %add3A_502], %mul3A_533 : memref<8x2x1024xf32, #tpu.memory_space<vmem>>[vector<16xi32>, vector<16xi32>, vector<16xi32>], vector<16xf32>,
        tpu.vector_store_idx %arg9[%add3A_284, %broadcast_in_dim3A_12, %add3A_502], %mul3A_543 : memref<8x2x1024xf32, #tpu.memory_space<vmem>>[vector<16xi32>, vector<16xi32>, vector<16xi32>], vector<16xf32>,
        tpu.vector_store_idx %arg9[%add3A_290, %broadcast_in_dim3A_12, %add3A_502], %mul3A_550 : memref<8x2x1024xf32, #tpu.memory_space<vmem>>[vector<16xi32>, vector<16xi32>, vector<16xi32>], vector<16xf32>,
        tpu.vector_store_idx %arg9[%add3A_296, %broadcast_in_dim3A_12, %add3A_502], %mul3A_557 : memref<8x2x1024xf32, #tpu.memory_space<vmem>>[vector<16xi32>, vector<16xi32>, vector<16xi32>], vector<16xf32>,
        tpu.vector_store_idx %arg9[%add3A_302, %broadcast_in_dim3A_12, %add3A_502], %mul3A_564 : memref<8x2x1024xf32, #tpu.memory_space<vmem>>[vector<16xi32>, vector<16xi32>, vector<16xi32>], vector<16xf32>,
        %add3A_565 = arith.constant 64 : i32
        %add3A_566 = vector.broadcast %add3A_565 : i32 to vector<16xi32>
        %add3A_567 = arith.addi %get3A_281, %add3A_566 : vector<16xi32>
        %add3A_568 = arith.constant 64 : i32
        %add3A_569 = vector.broadcast %add3A_568 : i32 to vector<16xi32>
        %add3A_570 = arith.addi %iota3A, %add3A_569 : vector<16xi32>
        %add3A_571 = arith.constant 0 : i32
        %add3A_572 = vector.broadcast %add3A_571 : i32 to vector<16xi32>
        %add3A_573 = arith.addi %get3A_275, %add3A_572 : vector<16xi32>
        %gather3A_574 = tpu.vector_load_idx %arg7[%add3A_570, %add3A_573] : memref<256x64xf32, #tpu.memory_space<vmem>>[vector<16xi32>, vector<16xi32>], vector<16xf32>,
        %mul3A_575 = arith.constant 8.000000e+00 : f32
        %mul3A_576 = vector.broadcast %mul3A_575 : f32 to vector<16xf32>
        %mul3A_577 = arith.mulf %gather3A_574, %mul3A_576 : vector<16xf32>
        %add3A_578 = arith.constant 16 : i32
        %add3A_579 = vector.broadcast %add3A_578 : i32 to vector<16xi32>
        %add3A_580 = arith.addi %get3A_275, %add3A_579 : vector<16xi32>
        %gather3A_581 = tpu.vector_load_idx %arg7[%add3A_570, %add3A_580] : memref<256x64xf32, #tpu.memory_space<vmem>>[vector<16xi32>, vector<16xi32>], vector<16xf32>,
        %mul3A_582 = arith.constant 8.000000e+00 : f32
        %mul3A_583 = vector.broadcast %mul3A_582 : f32 to vector<16xf32>
        %mul3A_584 = arith.mulf %gather3A_581, %mul3A_583 : vector<16xf32>
        %add3A_585 = arith.constant 32 : i32
        %add3A_586 = vector.broadcast %add3A_585 : i32 to vector<16xi32>
        %add3A_587 = arith.addi %get3A_275, %add3A_586 : vector<16xi32>
        %gather3A_588 = tpu.vector_load_idx %arg7[%add3A_570, %add3A_587] : memref<256x64xf32, #tpu.memory_space<vmem>>[vector<16xi32>, vector<16xi32>], vector<16xf32>,
        %mul3A_589 = arith.constant 8.000000e+00 : f32
        %mul3A_590 = vector.broadcast %mul3A_589 : f32 to vector<16xf32>
        %mul3A_591 = arith.mulf %gather3A_588, %mul3A_590 : vector<16xf32>
        %add3A_592 = arith.constant 48 : i32
        %add3A_593 = vector.broadcast %add3A_592 : i32 to vector<16xi32>
        %add3A_594 = arith.addi %get3A_275, %add3A_593 : vector<16xi32>
        %gather3A_595 = tpu.vector_load_idx %arg7[%add3A_570, %add3A_594] : memref<256x64xf32, #tpu.memory_space<vmem>>[vector<16xi32>, vector<16xi32>], vector<16xf32>,
        %mul3A_596 = arith.constant 8.000000e+00 : f32
        %mul3A_597 = vector.broadcast %mul3A_596 : f32 to vector<16xf32>
        %mul3A_598 = arith.mulf %gather3A_595, %mul3A_597 : vector<16xf32>
        %add3A_599 = arith.constant 192 : i32
        %add3A_600 = vector.broadcast %add3A_599 : i32 to vector<16xi32>
        %add3A_601 = arith.addi %iota3A, %add3A_600 : vector<16xi32>
        %add3A_602 = arith.constant 0 : i32
        %add3A_603 = vector.broadcast %add3A_602 : i32 to vector<16xi32>
        %add3A_604 = arith.addi %get3A_275, %add3A_603 : vector<16xi32>
        %gather3A_605 = tpu.vector_load_idx %arg7[%add3A_601, %add3A_604] : memref<256x64xf32, #tpu.memory_space<vmem>>[vector<16xi32>, vector<16xi32>], vector<16xf32>,
        %mul3A_606 = arith.constant 8.000000e+00 : f32
        %mul3A_607 = vector.broadcast %mul3A_606 : f32 to vector<16xf32>
        %mul3A_608 = arith.mulf %gather3A_605, %mul3A_607 : vector<16xf32>
        %add3A_609 = arith.constant 16 : i32
        %add3A_610 = vector.broadcast %add3A_609 : i32 to vector<16xi32>
        %add3A_611 = arith.addi %get3A_275, %add3A_610 : vector<16xi32>
        %gather3A_612 = tpu.vector_load_idx %arg7[%add3A_601, %add3A_611] : memref<256x64xf32, #tpu.memory_space<vmem>>[vector<16xi32>, vector<16xi32>], vector<16xf32>,
        %mul3A_613 = arith.constant 8.000000e+00 : f32
        %mul3A_614 = vector.broadcast %mul3A_613 : f32 to vector<16xf32>
        %mul3A_615 = arith.mulf %gather3A_612, %mul3A_614 : vector<16xf32>
        %add3A_616 = arith.constant 32 : i32
        %add3A_617 = vector.broadcast %add3A_616 : i32 to vector<16xi32>
        %add3A_618 = arith.addi %get3A_275, %add3A_617 : vector<16xi32>
        %gather3A_619 = tpu.vector_load_idx %arg7[%add3A_601, %add3A_618] : memref<256x64xf32, #tpu.memory_space<vmem>>[vector<16xi32>, vector<16xi32>], vector<16xf32>,
        %mul3A_620 = arith.constant 8.000000e+00 : f32
        %mul3A_621 = vector.broadcast %mul3A_620 : f32 to vector<16xf32>
        %mul3A_622 = arith.mulf %gather3A_619, %mul3A_621 : vector<16xf32>
        %add3A_623 = arith.constant 48 : i32
        %add3A_624 = vector.broadcast %add3A_623 : i32 to vector<16xi32>
        %add3A_625 = arith.addi %get3A_275, %add3A_624 : vector<16xi32>
        %gather3A_626 = tpu.vector_load_idx %arg7[%add3A_601, %add3A_625] : memref<256x64xf32, #tpu.memory_space<vmem>>[vector<16xi32>, vector<16xi32>], vector<16xf32>,
        %mul3A_627 = arith.constant 8.000000e+00 : f32
        %mul3A_628 = vector.broadcast %mul3A_627 : f32 to vector<16xf32>
        %mul3A_629 = arith.mulf %gather3A_626, %mul3A_628 : vector<16xf32>
        %add3A_630 = arith.constant 80 : i32
        %add3A_631 = vector.broadcast %add3A_630 : i32 to vector<16xi32>
        %add3A_632 = arith.addi %get3A_281, %add3A_631 : vector<16xi32>
        %add3A_633 = arith.constant 80 : i32
        %add3A_634 = vector.broadcast %add3A_633 : i32 to vector<16xi32>
        %add3A_635 = arith.addi %iota3A, %add3A_634 : vector<16xi32>
        %add3A_636 = arith.constant 0 : i32
        %add3A_637 = vector.broadcast %add3A_636 : i32 to vector<16xi32>
        %add3A_638 = arith.addi %get3A_275, %add3A_637 : vector<16xi32>
        %gather3A_639 = tpu.vector_load_idx %arg7[%add3A_635, %add3A_638] : memref<256x64xf32, #tpu.memory_space<vmem>>[vector<16xi32>, vector<16xi32>], vector<16xf32>,
        %mul3A_640 = arith.constant 8.000000e+00 : f32
        %mul3A_641 = vector.broadcast %mul3A_640 : f32 to vector<16xf32>
        %mul3A_642 = arith.mulf %gather3A_639, %mul3A_641 : vector<16xf32>
        %add3A_643 = arith.constant 16 : i32
        %add3A_644 = vector.broadcast %add3A_643 : i32 to vector<16xi32>
        %add3A_645 = arith.addi %get3A_275, %add3A_644 : vector<16xi32>
        %gather3A_646 = tpu.vector_load_idx %arg7[%add3A_635, %add3A_645] : memref<256x64xf32, #tpu.memory_space<vmem>>[vector<16xi32>, vector<16xi32>], vector<16xf32>,
        %mul3A_647 = arith.constant 8.000000e+00 : f32
        %mul3A_648 = vector.broadcast %mul3A_647 : f32 to vector<16xf32>
        %mul3A_649 = arith.mulf %gather3A_646, %mul3A_648 : vector<16xf32>
        %add3A_650 = arith.constant 32 : i32
        %add3A_651 = vector.broadcast %add3A_650 : i32 to vector<16xi32>
        %add3A_652 = arith.addi %get3A_275, %add3A_651 : vector<16xi32>
        %gather3A_653 = tpu.vector_load_idx %arg7[%add3A_635, %add3A_652] : memref<256x64xf32, #tpu.memory_space<vmem>>[vector<16xi32>, vector<16xi32>], vector<16xf32>,
        %mul3A_654 = arith.constant 8.000000e+00 : f32
        %mul3A_655 = vector.broadcast %mul3A_654 : f32 to vector<16xf32>
        %mul3A_656 = arith.mulf %gather3A_653, %mul3A_655 : vector<16xf32>
        %add3A_657 = arith.constant 48 : i32
        %add3A_658 = vector.broadcast %add3A_657 : i32 to vector<16xi32>
        %add3A_659 = arith.addi %get3A_275, %add3A_658 : vector<16xi32>
        %gather3A_660 = tpu.vector_load_idx %arg7[%add3A_635, %add3A_659] : memref<256x64xf32, #tpu.memory_space<vmem>>[vector<16xi32>, vector<16xi32>], vector<16xf32>,
        %mul3A_661 = arith.constant 8.000000e+00 : f32
        %mul3A_662 = vector.broadcast %mul3A_661 : f32 to vector<16xf32>
        %mul3A_663 = arith.mulf %gather3A_660, %mul3A_662 : vector<16xf32>
        %add3A_664 = arith.constant 208 : i32
        %add3A_665 = vector.broadcast %add3A_664 : i32 to vector<16xi32>
        %add3A_666 = arith.addi %iota3A, %add3A_665 : vector<16xi32>
        %add3A_667 = arith.constant 0 : i32
        %add3A_668 = vector.broadcast %add3A_667 : i32 to vector<16xi32>
        %add3A_669 = arith.addi %get3A_275, %add3A_668 : vector<16xi32>
        %gather3A_670 = tpu.vector_load_idx %arg7[%add3A_666, %add3A_669] : memref<256x64xf32, #tpu.memory_space<vmem>>[vector<16xi32>, vector<16xi32>], vector<16xf32>,
        %mul3A_671 = arith.constant 8.000000e+00 : f32
        %mul3A_672 = vector.broadcast %mul3A_671 : f32 to vector<16xf32>
        %mul3A_673 = arith.mulf %gather3A_670, %mul3A_672 : vector<16xf32>
        %add3A_674 = arith.constant 16 : i32
        %add3A_675 = vector.broadcast %add3A_674 : i32 to vector<16xi32>
        %add3A_676 = arith.addi %get3A_275, %add3A_675 : vector<16xi32>
        %gather3A_677 = tpu.vector_load_idx %arg7[%add3A_666, %add3A_676] : memref<256x64xf32, #tpu.memory_space<vmem>>[vector<16xi32>, vector<16xi32>], vector<16xf32>,
        %mul3A_678 = arith.constant 8.000000e+00 : f32
        %mul3A_679 = vector.broadcast %mul3A_678 : f32 to vector<16xf32>
        %mul3A_680 = arith.mulf %gather3A_677, %mul3A_679 : vector<16xf32>
        %add3A_681 = arith.constant 32 : i32
        %add3A_682 = vector.broadcast %add3A_681 : i32 to vector<16xi32>
        %add3A_683 = arith.addi %get3A_275, %add3A_682 : vector<16xi32>
        %gather3A_684 = tpu.vector_load_idx %arg7[%add3A_666, %add3A_683] : memref<256x64xf32, #tpu.memory_space<vmem>>[vector<16xi32>, vector<16xi32>], vector<16xf32>,
        %mul3A_685 = arith.constant 8.000000e+00 : f32
        %mul3A_686 = vector.broadcast %mul3A_685 : f32 to vector<16xf32>
        %mul3A_687 = arith.mulf %gather3A_684, %mul3A_686 : vector<16xf32>
        %add3A_688 = arith.constant 48 : i32
        %add3A_689 = vector.broadcast %add3A_688 : i32 to vector<16xi32>
        %add3A_690 = arith.addi %get3A_275, %add3A_689 : vector<16xi32>
        %gather3A_691 = tpu.vector_load_idx %arg7[%add3A_666, %add3A_690] : memref<256x64xf32, #tpu.memory_space<vmem>>[vector<16xi32>, vector<16xi32>], vector<16xf32>,
        %mul3A_692 = arith.constant 8.000000e+00 : f32
        %mul3A_693 = vector.broadcast %mul3A_692 : f32 to vector<16xf32>
        %mul3A_694 = arith.mulf %gather3A_691, %mul3A_693 : vector<16xf32>
        tpu.vector_store_idx %arg9[%add3A_284, %broadcast_in_dim3A_10, %add3A_567], %mul3A_577 : memref<8x2x1024xf32, #tpu.memory_space<vmem>>[vector<16xi32>, vector<16xi32>, vector<16xi32>], vector<16xf32>,
        tpu.vector_store_idx %arg9[%add3A_290, %broadcast_in_dim3A_10, %add3A_567], %mul3A_584 : memref<8x2x1024xf32, #tpu.memory_space<vmem>>[vector<16xi32>, vector<16xi32>, vector<16xi32>], vector<16xf32>,
        tpu.vector_store_idx %arg9[%add3A_296, %broadcast_in_dim3A_10, %add3A_567], %mul3A_591 : memref<8x2x1024xf32, #tpu.memory_space<vmem>>[vector<16xi32>, vector<16xi32>, vector<16xi32>], vector<16xf32>,
        tpu.vector_store_idx %arg9[%add3A_302, %broadcast_in_dim3A_10, %add3A_567], %mul3A_598 : memref<8x2x1024xf32, #tpu.memory_space<vmem>>[vector<16xi32>, vector<16xi32>, vector<16xi32>], vector<16xf32>,
        tpu.vector_store_idx %arg9[%add3A_284, %broadcast_in_dim3A_12, %add3A_567], %mul3A_608 : memref<8x2x1024xf32, #tpu.memory_space<vmem>>[vector<16xi32>, vector<16xi32>, vector<16xi32>], vector<16xf32>,
        tpu.vector_store_idx %arg9[%add3A_290, %broadcast_in_dim3A_12, %add3A_567], %mul3A_615 : memref<8x2x1024xf32, #tpu.memory_space<vmem>>[vector<16xi32>, vector<16xi32>, vector<16xi32>], vector<16xf32>,
        tpu.vector_store_idx %arg9[%add3A_296, %broadcast_in_dim3A_12, %add3A_567], %mul3A_622 : memref<8x2x1024xf32, #tpu.memory_space<vmem>>[vector<16xi32>, vector<16xi32>, vector<16xi32>], vector<16xf32>,
        tpu.vector_store_idx %arg9[%add3A_302, %broadcast_in_dim3A_12, %add3A_567], %mul3A_629 : memref<8x2x1024xf32, #tpu.memory_space<vmem>>[vector<16xi32>, vector<16xi32>, vector<16xi32>], vector<16xf32>,
        tpu.vector_store_idx %arg9[%add3A_284, %broadcast_in_dim3A_10, %add3A_632], %mul3A_642 : memref<8x2x1024xf32, #tpu.memory_space<vmem>>[vector<16xi32>, vector<16xi32>, vector<16xi32>], vector<16xf32>,
        tpu.vector_store_idx %arg9[%add3A_290, %broadcast_in_dim3A_10, %add3A_632], %mul3A_649 : memref<8x2x1024xf32, #tpu.memory_space<vmem>>[vector<16xi32>, vector<16xi32>, vector<16xi32>], vector<16xf32>,
        tpu.vector_store_idx %arg9[%add3A_296, %broadcast_in_dim3A_10, %add3A_632], %mul3A_656 : memref<8x2x1024xf32, #tpu.memory_space<vmem>>[vector<16xi32>, vector<16xi32>, vector<16xi32>], vector<16xf32>,
        tpu.vector_store_idx %arg9[%add3A_302, %broadcast_in_dim3A_10, %add3A_632], %mul3A_663 : memref<8x2x1024xf32, #tpu.memory_space<vmem>>[vector<16xi32>, vector<16xi32>, vector<16xi32>], vector<16xf32>,
        tpu.vector_store_idx %arg9[%add3A_284, %broadcast_in_dim3A_12, %add3A_632], %mul3A_673 : memref<8x2x1024xf32, #tpu.memory_space<vmem>>[vector<16xi32>, vector<16xi32>, vector<16xi32>], vector<16xf32>,
        tpu.vector_store_idx %arg9[%add3A_290, %broadcast_in_dim3A_12, %add3A_632], %mul3A_680 : memref<8x2x1024xf32, #tpu.memory_space<vmem>>[vector<16xi32>, vector<16xi32>, vector<16xi32>], vector<16xf32>,
        tpu.vector_store_idx %arg9[%add3A_296, %broadcast_in_dim3A_12, %add3A_632], %mul3A_687 : memref<8x2x1024xf32, #tpu.memory_space<vmem>>[vector<16xi32>, vector<16xi32>, vector<16xi32>], vector<16xf32>,
        tpu.vector_store_idx %arg9[%add3A_302, %broadcast_in_dim3A_12, %add3A_632], %mul3A_694 : memref<8x2x1024xf32, #tpu.memory_space<vmem>>[vector<16xi32>, vector<16xi32>, vector<16xi32>], vector<16xf32>,
        %add3A_695 = arith.constant 96 : i32
        %add3A_696 = vector.broadcast %add3A_695 : i32 to vector<16xi32>
        %add3A_697 = arith.addi %get3A_281, %add3A_696 : vector<16xi32>
        %add3A_698 = arith.constant 96 : i32
        %add3A_699 = vector.broadcast %add3A_698 : i32 to vector<16xi32>
        %add3A_700 = arith.addi %iota3A, %add3A_699 : vector<16xi32>
        %add3A_701 = arith.constant 0 : i32
        %add3A_702 = vector.broadcast %add3A_701 : i32 to vector<16xi32>
        %add3A_703 = arith.addi %get3A_275, %add3A_702 : vector<16xi32>
        %gather3A_704 = tpu.vector_load_idx %arg7[%add3A_700, %add3A_703] : memref<256x64xf32, #tpu.memory_space<vmem>>[vector<16xi32>, vector<16xi32>], vector<16xf32>,
        %mul3A_705 = arith.constant 8.000000e+00 : f32
        %mul3A_706 = vector.broadcast %mul3A_705 : f32 to vector<16xf32>
        %mul3A_707 = arith.mulf %gather3A_704, %mul3A_706 : vector<16xf32>
        %add3A_708 = arith.constant 16 : i32
        %add3A_709 = vector.broadcast %add3A_708 : i32 to vector<16xi32>
        %add3A_710 = arith.addi %get3A_275, %add3A_709 : vector<16xi32>
        %gather3A_711 = tpu.vector_load_idx %arg7[%add3A_700, %add3A_710] : memref<256x64xf32, #tpu.memory_space<vmem>>[vector<16xi32>, vector<16xi32>], vector<16xf32>,
        %mul3A_712 = arith.constant 8.000000e+00 : f32
        %mul3A_713 = vector.broadcast %mul3A_712 : f32 to vector<16xf32>
        %mul3A_714 = arith.mulf %gather3A_711, %mul3A_713 : vector<16xf32>
        %add3A_715 = arith.constant 32 : i32
        %add3A_716 = vector.broadcast %add3A_715 : i32 to vector<16xi32>
        %add3A_717 = arith.addi %get3A_275, %add3A_716 : vector<16xi32>
        %gather3A_718 = tpu.vector_load_idx %arg7[%add3A_700, %add3A_717] : memref<256x64xf32, #tpu.memory_space<vmem>>[vector<16xi32>, vector<16xi32>], vector<16xf32>,
        %mul3A_719 = arith.constant 8.000000e+00 : f32
        %mul3A_720 = vector.broadcast %mul3A_719 : f32 to vector<16xf32>
        %mul3A_721 = arith.mulf %gather3A_718, %mul3A_720 : vector<16xf32>
        %add3A_722 = arith.constant 48 : i32
        %add3A_723 = vector.broadcast %add3A_722 : i32 to vector<16xi32>
        %add3A_724 = arith.addi %get3A_275, %add3A_723 : vector<16xi32>
        %gather3A_725 = tpu.vector_load_idx %arg7[%add3A_700, %add3A_724] : memref<256x64xf32, #tpu.memory_space<vmem>>[vector<16xi32>, vector<16xi32>], vector<16xf32>,
        %mul3A_726 = arith.constant 8.000000e+00 : f32
        %mul3A_727 = vector.broadcast %mul3A_726 : f32 to vector<16xf32>
        %mul3A_728 = arith.mulf %gather3A_725, %mul3A_727 : vector<16xf32>
        %add3A_729 = arith.constant 224 : i32
        %add3A_730 = vector.broadcast %add3A_729 : i32 to vector<16xi32>
        %add3A_731 = arith.addi %iota3A, %add3A_730 : vector<16xi32>
        %add3A_732 = arith.constant 0 : i32
        %add3A_733 = vector.broadcast %add3A_732 : i32 to vector<16xi32>
        %add3A_734 = arith.addi %get3A_275, %add3A_733 : vector<16xi32>
        %gather3A_735 = tpu.vector_load_idx %arg7[%add3A_731, %add3A_734] : memref<256x64xf32, #tpu.memory_space<vmem>>[vector<16xi32>, vector<16xi32>], vector<16xf32>,
        %mul3A_736 = arith.constant 8.000000e+00 : f32
        %mul3A_737 = vector.broadcast %mul3A_736 : f32 to vector<16xf32>
        %mul3A_738 = arith.mulf %gather3A_735, %mul3A_737 : vector<16xf32>
        %add3A_739 = arith.constant 16 : i32
        %add3A_740 = vector.broadcast %add3A_739 : i32 to vector<16xi32>
        %add3A_741 = arith.addi %get3A_275, %add3A_740 : vector<16xi32>
        %gather3A_742 = tpu.vector_load_idx %arg7[%add3A_731, %add3A_741] : memref<256x64xf32, #tpu.memory_space<vmem>>[vector<16xi32>, vector<16xi32>], vector<16xf32>,
        %mul3A_743 = arith.constant 8.000000e+00 : f32
        %mul3A_744 = vector.broadcast %mul3A_743 : f32 to vector<16xf32>
        %mul3A_745 = arith.mulf %gather3A_742, %mul3A_744 : vector<16xf32>
        %add3A_746 = arith.constant 32 : i32
        %add3A_747 = vector.broadcast %add3A_746 : i32 to vector<16xi32>
        %add3A_748 = arith.addi %get3A_275, %add3A_747 : vector<16xi32>
        %gather3A_749 = tpu.vector_load_idx %arg7[%add3A_731, %add3A_748] : memref<256x64xf32, #tpu.memory_space<vmem>>[vector<16xi32>, vector<16xi32>], vector<16xf32>,
        %mul3A_750 = arith.constant 8.000000e+00 : f32
        %mul3A_751 = vector.broadcast %mul3A_750 : f32 to vector<16xf32>
        %mul3A_752 = arith.mulf %gather3A_749, %mul3A_751 : vector<16xf32>
        %add3A_753 = arith.constant 48 : i32
        %add3A_754 = vector.broadcast %add3A_753 : i32 to vector<16xi32>
        %add3A_755 = arith.addi %get3A_275, %add3A_754 : vector<16xi32>
        %gather3A_756 = tpu.vector_load_idx %arg7[%add3A_731, %add3A_755] : memref<256x64xf32, #tpu.memory_space<vmem>>[vector<16xi32>, vector<16xi32>], vector<16xf32>,
        %mul3A_757 = arith.constant 8.000000e+00 : f32
        %mul3A_758 = vector.broadcast %mul3A_757 : f32 to vector<16xf32>
        %mul3A_759 = arith.mulf %gather3A_756, %mul3A_758 : vector<16xf32>
        %add3A_760 = arith.constant 112 : i32
        %add3A_761 = vector.broadcast %add3A_760 : i32 to vector<16xi32>
        %add3A_762 = arith.addi %get3A_281, %add3A_761 : vector<16xi32>
        %add3A_763 = arith.constant 112 : i32
        %add3A_764 = vector.broadcast %add3A_763 : i32 to vector<16xi32>
        %add3A_765 = arith.addi %iota3A, %add3A_764 : vector<16xi32>
        %add3A_766 = arith.constant 0 : i32
        %add3A_767 = vector.broadcast %add3A_766 : i32 to vector<16xi32>
        %add3A_768 = arith.addi %get3A_275, %add3A_767 : vector<16xi32>
        %gather3A_769 = tpu.vector_load_idx %arg7[%add3A_765, %add3A_768] : memref<256x64xf32, #tpu.memory_space<vmem>>[vector<16xi32>, vector<16xi32>], vector<16xf32>,
        %mul3A_770 = arith.constant 8.000000e+00 : f32
        %mul3A_771 = vector.broadcast %mul3A_770 : f32 to vector<16xf32>
        %mul3A_772 = arith.mulf %gather3A_769, %mul3A_771 : vector<16xf32>
        %add3A_773 = arith.constant 16 : i32
        %add3A_774 = vector.broadcast %add3A_773 : i32 to vector<16xi32>
        %add3A_775 = arith.addi %get3A_275, %add3A_774 : vector<16xi32>
        %gather3A_776 = tpu.vector_load_idx %arg7[%add3A_765, %add3A_775] : memref<256x64xf32, #tpu.memory_space<vmem>>[vector<16xi32>, vector<16xi32>], vector<16xf32>,
        %mul3A_777 = arith.constant 8.000000e+00 : f32
        %mul3A_778 = vector.broadcast %mul3A_777 : f32 to vector<16xf32>
        %mul3A_779 = arith.mulf %gather3A_776, %mul3A_778 : vector<16xf32>
        %add3A_780 = arith.constant 32 : i32
        %add3A_781 = vector.broadcast %add3A_780 : i32 to vector<16xi32>
        %add3A_782 = arith.addi %get3A_275, %add3A_781 : vector<16xi32>
        %gather3A_783 = tpu.vector_load_idx %arg7[%add3A_765, %add3A_782] : memref<256x64xf32, #tpu.memory_space<vmem>>[vector<16xi32>, vector<16xi32>], vector<16xf32>,
        %mul3A_784 = arith.constant 8.000000e+00 : f32
        %mul3A_785 = vector.broadcast %mul3A_784 : f32 to vector<16xf32>
        %mul3A_786 = arith.mulf %gather3A_783, %mul3A_785 : vector<16xf32>
        %add3A_787 = arith.constant 48 : i32
        %add3A_788 = vector.broadcast %add3A_787 : i32 to vector<16xi32>
        %add3A_789 = arith.addi %get3A_275, %add3A_788 : vector<16xi32>
        %gather3A_790 = tpu.vector_load_idx %arg7[%add3A_765, %add3A_789] : memref<256x64xf32, #tpu.memory_space<vmem>>[vector<16xi32>, vector<16xi32>], vector<16xf32>,
        %mul3A_791 = arith.constant 8.000000e+00 : f32
        %mul3A_792 = vector.broadcast %mul3A_791 : f32 to vector<16xf32>
        %mul3A_793 = arith.mulf %gather3A_790, %mul3A_792 : vector<16xf32>
        %add3A_794 = arith.constant 240 : i32
        %add3A_795 = vector.broadcast %add3A_794 : i32 to vector<16xi32>
        %add3A_796 = arith.addi %iota3A, %add3A_795 : vector<16xi32>
        %add3A_797 = arith.constant 0 : i32
        %add3A_798 = vector.broadcast %add3A_797 : i32 to vector<16xi32>
        %add3A_799 = arith.addi %get3A_275, %add3A_798 : vector<16xi32>
        %gather3A_800 = tpu.vector_load_idx %arg7[%add3A_796, %add3A_799] : memref<256x64xf32, #tpu.memory_space<vmem>>[vector<16xi32>, vector<16xi32>], vector<16xf32>,
        %mul3A_801 = arith.constant 8.000000e+00 : f32
        %mul3A_802 = vector.broadcast %mul3A_801 : f32 to vector<16xf32>
        %mul3A_803 = arith.mulf %gather3A_800, %mul3A_802 : vector<16xf32>
        %add3A_804 = arith.constant 16 : i32
        %add3A_805 = vector.broadcast %add3A_804 : i32 to vector<16xi32>
        %add3A_806 = arith.addi %get3A_275, %add3A_805 : vector<16xi32>
        %gather3A_807 = tpu.vector_load_idx %arg7[%add3A_796, %add3A_806] : memref<256x64xf32, #tpu.memory_space<vmem>>[vector<16xi32>, vector<16xi32>], vector<16xf32>,
        %mul3A_808 = arith.constant 8.000000e+00 : f32
        %mul3A_809 = vector.broadcast %mul3A_808 : f32 to vector<16xf32>
        %mul3A_810 = arith.mulf %gather3A_807, %mul3A_809 : vector<16xf32>
        %add3A_811 = arith.constant 32 : i32
        %add3A_812 = vector.broadcast %add3A_811 : i32 to vector<16xi32>
        %add3A_813 = arith.addi %get3A_275, %add3A_812 : vector<16xi32>
        %gather3A_814 = tpu.vector_load_idx %arg7[%add3A_796, %add3A_813] : memref<256x64xf32, #tpu.memory_space<vmem>>[vector<16xi32>, vector<16xi32>], vector<16xf32>,
        %mul3A_815 = arith.constant 8.000000e+00 : f32
        %mul3A_816 = vector.broadcast %mul3A_815 : f32 to vector<16xf32>
        %mul3A_817 = arith.mulf %gather3A_814, %mul3A_816 : vector<16xf32>
        %add3A_818 = arith.constant 48 : i32
        %add3A_819 = vector.broadcast %add3A_818 : i32 to vector<16xi32>
        %add3A_820 = arith.addi %get3A_275, %add3A_819 : vector<16xi32>
        %gather3A_821 = tpu.vector_load_idx %arg7[%add3A_796, %add3A_820] : memref<256x64xf32, #tpu.memory_space<vmem>>[vector<16xi32>, vector<16xi32>], vector<16xf32>,
        %mul3A_822 = arith.constant 8.000000e+00 : f32
        %mul3A_823 = vector.broadcast %mul3A_822 : f32 to vector<16xf32>
        %mul3A_824 = arith.mulf %gather3A_821, %mul3A_823 : vector<16xf32>
        tpu.vector_store_idx %arg9[%add3A_284, %broadcast_in_dim3A_10, %add3A_697], %mul3A_707 : memref<8x2x1024xf32, #tpu.memory_space<vmem>>[vector<16xi32>, vector<16xi32>, vector<16xi32>], vector<16xf32>,
        tpu.vector_store_idx %arg9[%add3A_290, %broadcast_in_dim3A_10, %add3A_697], %mul3A_714 : memref<8x2x1024xf32, #tpu.memory_space<vmem>>[vector<16xi32>, vector<16xi32>, vector<16xi32>], vector<16xf32>,
        tpu.vector_store_idx %arg9[%add3A_296, %broadcast_in_dim3A_10, %add3A_697], %mul3A_721 : memref<8x2x1024xf32, #tpu.memory_space<vmem>>[vector<16xi32>, vector<16xi32>, vector<16xi32>], vector<16xf32>,
        tpu.vector_store_idx %arg9[%add3A_302, %broadcast_in_dim3A_10, %add3A_697], %mul3A_728 : memref<8x2x1024xf32, #tpu.memory_space<vmem>>[vector<16xi32>, vector<16xi32>, vector<16xi32>], vector<16xf32>,
        tpu.vector_store_idx %arg9[%add3A_284, %broadcast_in_dim3A_12, %add3A_697], %mul3A_738 : memref<8x2x1024xf32, #tpu.memory_space<vmem>>[vector<16xi32>, vector<16xi32>, vector<16xi32>], vector<16xf32>,
        tpu.vector_store_idx %arg9[%add3A_290, %broadcast_in_dim3A_12, %add3A_697], %mul3A_745 : memref<8x2x1024xf32, #tpu.memory_space<vmem>>[vector<16xi32>, vector<16xi32>, vector<16xi32>], vector<16xf32>,
        tpu.vector_store_idx %arg9[%add3A_296, %broadcast_in_dim3A_12, %add3A_697], %mul3A_752 : memref<8x2x1024xf32, #tpu.memory_space<vmem>>[vector<16xi32>, vector<16xi32>, vector<16xi32>], vector<16xf32>,
        tpu.vector_store_idx %arg9[%add3A_302, %broadcast_in_dim3A_12, %add3A_697], %mul3A_759 : memref<8x2x1024xf32, #tpu.memory_space<vmem>>[vector<16xi32>, vector<16xi32>, vector<16xi32>], vector<16xf32>,
        tpu.vector_store_idx %arg9[%add3A_284, %broadcast_in_dim3A_10, %add3A_762], %mul3A_772 : memref<8x2x1024xf32, #tpu.memory_space<vmem>>[vector<16xi32>, vector<16xi32>, vector<16xi32>], vector<16xf32>,
        tpu.vector_store_idx %arg9[%add3A_290, %broadcast_in_dim3A_10, %add3A_762], %mul3A_779 : memref<8x2x1024xf32, #tpu.memory_space<vmem>>[vector<16xi32>, vector<16xi32>, vector<16xi32>], vector<16xf32>,
        tpu.vector_store_idx %arg9[%add3A_296, %broadcast_in_dim3A_10, %add3A_762], %mul3A_786 : memref<8x2x1024xf32, #tpu.memory_space<vmem>>[vector<16xi32>, vector<16xi32>, vector<16xi32>], vector<16xf32>,
        tpu.vector_store_idx %arg9[%add3A_302, %broadcast_in_dim3A_10, %add3A_762], %mul3A_793 : memref<8x2x1024xf32, #tpu.memory_space<vmem>>[vector<16xi32>, vector<16xi32>, vector<16xi32>], vector<16xf32>,
        tpu.vector_store_idx %arg9[%add3A_284, %broadcast_in_dim3A_12, %add3A_762], %mul3A_803 : memref<8x2x1024xf32, #tpu.memory_space<vmem>>[vector<16xi32>, vector<16xi32>, vector<16xi32>], vector<16xf32>,
        tpu.vector_store_idx %arg9[%add3A_290, %broadcast_in_dim3A_12, %add3A_762], %mul3A_810 : memref<8x2x1024xf32, #tpu.memory_space<vmem>>[vector<16xi32>, vector<16xi32>, vector<16xi32>], vector<16xf32>,
        tpu.vector_store_idx %arg9[%add3A_296, %broadcast_in_dim3A_12, %add3A_762], %mul3A_817 : memref<8x2x1024xf32, #tpu.memory_space<vmem>>[vector<16xi32>, vector<16xi32>, vector<16xi32>], vector<16xf32>,
        tpu.vector_store_idx %arg9[%add3A_302, %broadcast_in_dim3A_12, %add3A_762], %mul3A_824 : memref<8x2x1024xf32, #tpu.memory_space<vmem>>[vector<16xi32>, vector<16xi32>, vector<16xi32>], vector<16xf32>,
      }
      %scan3A_216 = arith.constant 16 : i32
      %add3A_217 = arith.addi %mul3A_2, %add3A_199 : i32
      %jit3A_218 = arith.constant 16 : i32
      %div3A_219 = arith.divsi %add3A_217, %jit3A_218 : i32
      %sign3A_220 = arith.constant 0 : i32
      %sign3A_221 = arith.cmpi sgt, %add3A_217, %sign3A_220 : i32
      %sign3A_222 = arith.extui %sign3A_221 : i1 to i32
      %sign3A_223 = arith.constant 0 : i32
      %sign3A_224 = arith.cmpi slt, %add3A_217, %sign3A_223 : i32
      %sign3A_225 = arith.extui %sign3A_224 : i1 to i32
      %sign3A_226 = arith.subi %sign3A_222, %sign3A_225 : i32
      %sign3A_227 = arith.constant 0 : i32
      %sign3A_228 = arith.cmpi sgt, %jit3A_218, %sign3A_227 : i32
      %sign3A_229 = arith.extui %sign3A_228 : i1 to i32
      %sign3A_230 = arith.constant 0 : i32
      %sign3A_231 = arith.cmpi slt, %jit3A_218, %sign3A_230 : i32
      %sign3A_232 = arith.extui %sign3A_231 : i1 to i32
      %sign3A_233 = arith.subi %sign3A_229, %sign3A_232 : i32
      %ne3A_234 = arith.cmpi ne, %sign3A_226, %sign3A_233 : i32
      %rem3A_235 = arith.remsi %add3A_217, %jit3A_218 : i32
      %ne3A_236 = arith.constant 0 : i32
      %ne3A_237 = arith.cmpi ne, %rem3A_235, %ne3A_236 : i32
      %and3A_238 = arith.andi %ne3A_234, %ne3A_237 : i1
      %sub3A_239 = arith.constant 1 : i32
      %sub3A_240 = arith.subi %div3A_219, %sub3A_239 : i32
      %select_n3A_241 = arith.select %and3A_238, %sub3A_240, %div3A_219 : i32
      %jit3A_242 = arith.constant 16 : i32
      %eq3A_243 = arith.constant 0 : i32
      %eq3A_244 = arith.cmpi eq, %jit3A_242, %eq3A_243 : i32
      %jit3A_245 = arith.constant 1 : i32
      %select_n3A_246 = arith.select %eq3A_244, %jit3A_245, %jit3A_242 : i32
      %rem3A_247 = arith.remsi %add3A_217, %select_n3A_246 : i32
      %ne3A_248 = arith.constant 0 : i32
      %ne3A_249 = arith.cmpi ne, %rem3A_247, %ne3A_248 : i32
      %lt3A_250 = arith.constant 0 : i32
      %lt3A_251 = arith.cmpi slt, %rem3A_247, %lt3A_250 : i32
      %lt3A_252 = arith.constant 0 : i32
      %lt3A_253 = arith.cmpi slt, %select_n3A_246, %lt3A_252 : i32
      %ne3A_254 = arith.xori %lt3A_251, %lt3A_253 : i1
      %and3A_255 = arith.andi %ne3A_254, %ne3A_249 : i1
      %add3A_256 = arith.addi %rem3A_247, %select_n3A_246 : i32
      %select_n3A_257 = arith.select %and3A_255, %add3A_256, %rem3A_247 : i32
      %mul3A_258 = arith.constant 2 : i32
      %mul3A_259 = arith.muli %select_n3A_257, %mul3A_258 : i32
      %dma_start3A_260 = arith.constant 0 : i32
      %dma_start3A_261 = arith.constant 0 : i32
      %dma_start3A_262 = tpu.memref_slice %arg4[%select_n3A_241, %dma_start3A_260, %mul3A_259, %dma_start3A_261] : memref<200x8x32x1024xf32, #tpu.memory_space<hbm>> -> memref<1x8x2x1024xf32, #tpu.memory_space<hbm>>
      %dma_start3A_263 = tpu.memref_squeeze %dma_start3A_262 : memref<1x8x2x1024xf32, #tpu.memory_space<hbm>> -> memref<8x2x1024xf32, #tpu.memory_space<hbm>>
      %dma_start3A_264 = arith.constant 0 : i32
      %dma_start3A_265 = arith.constant 0 : i32
      %dma_start3A_266 = tpu.memref_slice %arg4[%select_n3A_241, %dma_start3A_264, %mul3A_259, %dma_start3A_265] : memref<200x8x32x1024xf32, #tpu.memory_space<hbm>> -> memref<1x8x2x1024xf32, #tpu.memory_space<hbm>>
      %dma_start3A_267 = tpu.memref_squeeze %dma_start3A_266 : memref<1x8x2x1024xf32, #tpu.memory_space<hbm>> -> memref<8x2x1024xf32, #tpu.memory_space<hbm>>
      tpu.enqueue_dma source(%arg9 : memref<8x2x1024xf32, #tpu.memory_space<vmem>>) target(%dma_start3A_267 : memref<8x2x1024xf32, #tpu.memory_space<hbm>>) target_semaphore(%arg16 : memref<!tpu.dma_semaphore, #tpu.memory_space<semaphore_mem>>)
      %lt3A_268 = arith.constant 49 : i32
      %lt3A_269 = arith.cmpi slt, %scan3A_121, %lt3A_268 : i32
      %convert_element_type3A_270 = arith.extui %lt3A_269 : i1 to i32
      %cond3A_271 = arith.constant 0 : i32
      %cond3A_272 = arith.cmpi ne, %convert_element_type3A_270, %cond3A_271 : i32
      scf.if %cond3A_272 {
        %add3A_273 = arith.constant 2 : i32
        %add3A_274 = arith.addi %add3A_199, %add3A_273 : i32
        %mul3A_275 = arith.constant 256 : i32
        %mul3A_276 = arith.muli %add3A_274, %mul3A_275 : i32
        %dma_start3A_277 = tpu.memref_slice %arg5[%mul3A_276] : memref<25600xi32, #tpu.memory_space<vmem>> -> memref<256xi32, #tpu.memory_space<vmem>>
        %dma_start3A_278 = arith.constant 0 : i32
        %dma_start3A_279 = arith.constant 0 : i32
        %dma_start3A_280 = tpu.memref_slice %arg2[%dma_start3A_278, %dma_start3A_279] : memref<100000x64xf32, #tpu.memory_space<hbm>> -> memref<100000x64xf32, #tpu.memory_space<hbm>>
        tpu.enqueue_indirect_dma source(%dma_start3A_280 : memref<100000x64xf32, #tpu.memory_space<hbm>>) target(%arg7 : memref<256x64xf32, #tpu.memory_space<vmem>>) offsets(%dma_start3A_277 : memref<256xi32, #tpu.memory_space<vmem>>) semaphore(%arg14 : memref<!tpu.dma_semaphore, #tpu.memory_space<semaphore_mem>>)
      } else {
      }
    }
    %scan3A_27 = arith.constant 50 : i32
    %add3A_28 = arith.constant 98 : i32
    %add3A_29 = arith.addi %mul3A_2, %add3A_28 : i32
    %jit3A = arith.constant 16 : i32
    %div3A = arith.divsi %add3A_29, %jit3A : i32
    %sign3A = arith.constant 0 : i32
    %sign3A_30 = arith.cmpi sgt, %add3A_29, %sign3A : i32
    %sign3A_31 = arith.extui %sign3A_30 : i1 to i32
    %sign3A_32 = arith.constant 0 : i32
    %sign3A_33 = arith.cmpi slt, %add3A_29, %sign3A_32 : i32
    %sign3A_34 = arith.extui %sign3A_33 : i1 to i32
    %sign3A_35 = arith.subi %sign3A_31, %sign3A_34 : i32
    %sign3A_36 = arith.constant 0 : i32
    %sign3A_37 = arith.cmpi sgt, %jit3A, %sign3A_36 : i32
    %sign3A_38 = arith.extui %sign3A_37 : i1 to i32
    %sign3A_39 = arith.constant 0 : i32
    %sign3A_40 = arith.cmpi slt, %jit3A, %sign3A_39 : i32
    %sign3A_41 = arith.extui %sign3A_40 : i1 to i32
    %sign3A_42 = arith.subi %sign3A_38, %sign3A_41 : i32
    %ne3A = arith.cmpi ne, %sign3A_35, %sign3A_42 : i32
    %rem3A = arith.remsi %add3A_29, %jit3A : i32
    %ne3A_43 = arith.constant 0 : i32
    %ne3A_44 = arith.cmpi ne, %rem3A, %ne3A_43 : i32
    %and3A = arith.andi %ne3A, %ne3A_44 : i1
    %sub3A = arith.constant 1 : i32
    %sub3A_45 = arith.subi %div3A, %sub3A : i32
    %select_n3A = arith.select %and3A, %sub3A_45, %div3A : i32
    %jit3A_46 = arith.constant 16 : i32
    %eq3A = arith.constant 0 : i32
    %eq3A_47 = arith.cmpi eq, %jit3A_46, %eq3A : i32
    %jit3A_48 = arith.constant 1 : i32
    %select_n3A_49 = arith.select %eq3A_47, %jit3A_48, %jit3A_46 : i32
    %rem3A_50 = arith.remsi %add3A_29, %select_n3A_49 : i32
    %ne3A_51 = arith.constant 0 : i32
    %ne3A_52 = arith.cmpi ne, %rem3A_50, %ne3A_51 : i32
    %lt3A = arith.constant 0 : i32
    %lt3A_53 = arith.cmpi slt, %rem3A_50, %lt3A : i32
    %lt3A_54 = arith.constant 0 : i32
    %lt3A_55 = arith.cmpi slt, %select_n3A_49, %lt3A_54 : i32
    %ne3A_56 = arith.xori %lt3A_53, %lt3A_55 : i1
    %and3A_57 = arith.andi %ne3A_56, %ne3A_52 : i1
    %add3A_58 = arith.addi %rem3A_50, %select_n3A_49 : i32
    %select_n3A_59 = arith.select %and3A_57, %add3A_58, %rem3A_50 : i32
    %mul3A_60 = arith.constant 2 : i32
    %mul3A_61 = arith.muli %select_n3A_59, %mul3A_60 : i32
    %dma_wait3A = arith.constant 0 : i32
    %dma_wait3A_62 = arith.constant 0 : i32
    %dma_wait3A_63 = tpu.memref_slice %arg4[%select_n3A, %dma_wait3A, %mul3A_61, %dma_wait3A_62] : memref<200x8x32x1024xf32, #tpu.memory_space<hbm>> -> memref<1x8x2x1024xf32, #tpu.memory_space<hbm>>
    %dma_wait3A_64 = tpu.memref_squeeze %dma_wait3A_63 : memref<1x8x2x1024xf32, #tpu.memory_space<hbm>> -> memref<8x2x1024xf32, #tpu.memory_space<hbm>>
    %dma_wait3A_65 = arith.constant 0 : i32
    %dma_wait3A_66 = arith.constant 0 : i32
    %dma_wait3A_67 = tpu.memref_slice %arg4[%select_n3A, %dma_wait3A_65, %mul3A_61, %dma_wait3A_66] : memref<200x8x32x1024xf32, #tpu.memory_space<hbm>> -> memref<1x8x2x1024xf32, #tpu.memory_space<hbm>>
    %dma_wait3A_68 = tpu.memref_squeeze %dma_wait3A_67 : memref<1x8x2x1024xf32, #tpu.memory_space<hbm>> -> memref<8x2x1024xf32, #tpu.memory_space<hbm>>
    tpu.wait_dma2 semaphore(%arg15 : memref<!tpu.dma_semaphore, #tpu.memory_space<semaphore_mem>>) src(%arg8 : memref<8x2x1024xf32, #tpu.memory_space<vmem>>) dst(%dma_wait3A_68 : memref<8x2x1024xf32, #tpu.memory_space<hbm>>)
    %add3A_69 = arith.constant 99 : i32
    %add3A_70 = arith.addi %mul3A_2, %add3A_69 : i32
    %jit3A_71 = arith.constant 16 : i32
    %div3A_72 = arith.divsi %add3A_70, %jit3A_71 : i32
    %sign3A_73 = arith.constant 0 : i32
    %sign3A_74 = arith.cmpi sgt, %add3A_70, %sign3A_73 : i32
    %sign3A_75 = arith.extui %sign3A_74 : i1 to i32
    %sign3A_76 = arith.constant 0 : i32
    %sign3A_77 = arith.cmpi slt, %add3A_70, %sign3A_76 : i32
    %sign3A_78 = arith.extui %sign3A_77 : i1 to i32
    %sign3A_79 = arith.subi %sign3A_75, %sign3A_78 : i32
    %sign3A_80 = arith.constant 0 : i32
    %sign3A_81 = arith.cmpi sgt, %jit3A_71, %sign3A_80 : i32
    %sign3A_82 = arith.extui %sign3A_81 : i1 to i32
    %sign3A_83 = arith.constant 0 : i32
    %sign3A_84 = arith.cmpi slt, %jit3A_71, %sign3A_83 : i32
    %sign3A_85 = arith.extui %sign3A_84 : i1 to i32
    %sign3A_86 = arith.subi %sign3A_82, %sign3A_85 : i32
    %ne3A_87 = arith.cmpi ne, %sign3A_79, %sign3A_86 : i32
    %rem3A_88 = arith.remsi %add3A_70, %jit3A_71 : i32
    %ne3A_89 = arith.constant 0 : i32
    %ne3A_90 = arith.cmpi ne, %rem3A_88, %ne3A_89 : i32
    %and3A_91 = arith.andi %ne3A_87, %ne3A_90 : i1
    %sub3A_92 = arith.constant 1 : i32
    %sub3A_93 = arith.subi %div3A_72, %sub3A_92 : i32
    %select_n3A_94 = arith.select %and3A_91, %sub3A_93, %div3A_72 : i32
    %jit3A_95 = arith.constant 16 : i32
    %eq3A_96 = arith.constant 0 : i32
    %eq3A_97 = arith.cmpi eq, %jit3A_95, %eq3A_96 : i32
    %jit3A_98 = arith.constant 1 : i32
    %select_n3A_99 = arith.select %eq3A_97, %jit3A_98, %jit3A_95 : i32
    %rem3A_100 = arith.remsi %add3A_70, %select_n3A_99 : i32
    %ne3A_101 = arith.constant 0 : i32
    %ne3A_102 = arith.cmpi ne, %rem3A_100, %ne3A_101 : i32
    %lt3A_103 = arith.constant 0 : i32
    %lt3A_104 = arith.cmpi slt, %rem3A_100, %lt3A_103 : i32
    %lt3A_105 = arith.constant 0 : i32
    %lt3A_106 = arith.cmpi slt, %select_n3A_99, %lt3A_105 : i32
    %ne3A_107 = arith.xori %lt3A_104, %lt3A_106 : i1
    %and3A_108 = arith.andi %ne3A_107, %ne3A_102 : i1
    %add3A_109 = arith.addi %rem3A_100, %select_n3A_99 : i32
    %select_n3A_110 = arith.select %and3A_108, %add3A_109, %rem3A_100 : i32
    %mul3A_111 = arith.constant 2 : i32
    %mul3A_112 = arith.muli %select_n3A_110, %mul3A_111 : i32
    %dma_wait3A_113 = arith.constant 0 : i32
    %dma_wait3A_114 = arith.constant 0 : i32
    %dma_wait3A_115 = tpu.memref_slice %arg4[%select_n3A_94, %dma_wait3A_113, %mul3A_112, %dma_wait3A_114] : memref<200x8x32x1024xf32, #tpu.memory_space<hbm>> -> memref<1x8x2x1024xf32, #tpu.memory_space<hbm>>
    %dma_wait3A_116 = tpu.memref_squeeze %dma_wait3A_115 : memref<1x8x2x1024xf32, #tpu.memory_space<hbm>> -> memref<8x2x1024xf32, #tpu.memory_space<hbm>>
    %dma_wait3A_117 = arith.constant 0 : i32
    %dma_wait3A_118 = arith.constant 0 : i32
    %dma_wait3A_119 = tpu.memref_slice %arg4[%select_n3A_94, %dma_wait3A_117, %mul3A_112, %dma_wait3A_118] : memref<200x8x32x1024xf32, #tpu.memory_space<hbm>> -> memref<1x8x2x1024xf32, #tpu.memory_space<hbm>>
    %dma_wait3A_120 = tpu.memref_squeeze %dma_wait3A_119 : memref<1x8x2x1024xf32, #tpu.memory_space<hbm>> -> memref<8x2x1024xf32, #tpu.memory_space<hbm>>
    tpu.wait_dma2 semaphore(%arg16 : memref<!tpu.dma_semaphore, #tpu.memory_space<semaphore_mem>>) src(%arg9 : memref<8x2x1024xf32, #tpu.memory_space<vmem>>) dst(%dma_wait3A_120 : memref<8x2x1024xf32, #tpu.memory_space<hbm>>)
    return
  }
}

</mosaic_0001>

<sc_bundles>
// kernel: kernel.3.cloned.1.call-start
scs
__scs_entry_jumppad:
0x0: {  	(pc) =	sbr.rel $0x88, $3  }
0x1: {  	(tag) =	ssettag $0x0;
	lr =	simm.s32 $0x1  }
0x2: {  	[smem:$0x3F9F] =	sst lr;
	_ =	strace $0xD0000000  }
0x3: {  	_ = 	snop  }
0x4: {  	_ = 	snop  }
0x5: {  	_ = 	snop  }
0x6: {  	_ = 	snop  }
0x7: {  	_ = 	snop  }
__scs_overlays_trampoline_lowered:
0x8: {  	[smem:$0x3FAE] =	sst s0  }
0x9: {  	[smem:$0x3FAF] =	sst s1  }
0xa: {  	[smem:$0x3FB0] =	sst s2  }
0xb: {  	[smem:$0x3FB1] =	sst s3  }
0xc: {  	[smem:$0x3FB2] =	sst s4  }
0xd: {  	[smem:$0x3FB3] =	sst s5  }
0xe: {  	[smem:$0x3FB4] =	sst s6  }
0xf: {  	[smem:$0x3FB5] =	sst s7  }
0x10: {  	[smem:$0x3FB6] =	sst s8  }
0x11: {  	[smem:$0x3FB7] =	sst s9;
	s0 =	simm.s32 @!p0 $0x0  }
0x12: {  	s1 =	sld [smem:$0x3F9D];
	s0 =	simm.s32 @p0 $0x1  }
0x13: {  	[smem:$0x3FB8] =	sst s0;
	s0 =	simm.s32 @!p1 $0x0  }
0x14: {  	s2 =	sld [smem:$0x3F9C];
	s0 =	simm.s32 @p1 $0x1  }
0x15: {  	[smem:$0x3FB9] =	sst s0;
	s0 =	simm.s32 @!p2 $0x0  }
0x16: {  	s3 =	sld [smem:$0x3FDB];
	s0 =	simm.s32 @p2 $0x1  }
0x17: {  	s4 =	simm.s32 $0x1BF5;
	[smem:$0x3FBB] =	sst s0  }
0x18: {  	s0 =	sld [smem:$0x3F9E];
	_ =	swait.ge [sflag:s4], $0x0  }
0x19: {  	s7 =	sld [smem:$0x3F9F]  }
0x1a: {  	s8 =	sadd.s32 $0xFFFFE003, lr  }
0x1b: {  	s9 =	sadd.s32 $0xFFFFFEF7, lr;
	s5 =	simm.s32 $0xFFFFFFFF;
	p2 =	slt.u32 s8, $0xFFFFF086  }
0x1c: {  	p1 =	slt.u32 s9, $0xF7A;
	s5 =	simm.s32 @!p2 $0x0  }
0x1d: {  	s5 =	simm.s32 @p1 $0x1;
	p0 =	seq.s32 s7, s2  }
0x1e: {  	s7 =	smul.u32 @!p0 $0xF7A, s2;
	p2 =	seq.s32 @!p0 s5, $0x0  }
0x1f: {  	s9 =	smul.u32 $0xF7A, s1;
	s8 =	simm.s32 @!p0 $0x1BF5;
	p2 =	por !p2, p0  }
0x20: {  	[sflag:s8] =	ssyncset.s32 @!p0 $0xFFFFF086;
	s6 =	sadd.s32 @!p0 s3, s7;
	s7 =	simm.s32 @!p0 $0x108  }
0x21: {  	s3 =	sadd.s32 s3, s9;
	s6 =	sadd.s32 @!p0 $0x88, s6;
	s7 =	simm.s32 @p2 $0x1082  }
0x22: {  	[simem:s7], [sflag:s8] =	dma.local @!p0 [hbm:s6], $0xF7A  }
0x23: {  	s9 =	sor.u32 $0xD0000000, s2;
	s6 =	simm.s32 $0x108;
	_ =	swait.ge @!p0 [sflag:s8], $0x0  }
0x24: {  	s3 =	sadd.s32 $0x88, s3;
	s6 =	simm.s32 @!p1 $0x1082;
	[sflag:s4] =	ssyncset.s32 $0xFFFFF086  }
0x25: {  	[simem:s6], [sflag:s4] =	dma.local [hbm:s3], $0xF7A  }
0x26: {  	[smem:$0x3F9F] =	sst s1;
	(tag) =	ssettag s2;
	_ =	strace s9  }
0x27: {  	s1 =	sld [smem:$0x3FAF]  }
0x28: {  	s2 =	sld [smem:$0x3FB0]  }
0x29: {  	s4 =	sld [smem:$0x3FB2]  }
0x2a: {  	p0 =	seq.s32 s5, $0x0;
	s5 =	sld [smem:$0x3FB3]  }
0x2b: {  	s6 =	sld [smem:$0x3FB4]  }
0x2c: {  	s7 =	sld [smem:$0x3FB5]  }
0x2d: {  	s3 =	simm.s32 $0x108;
	s8 =	sld [smem:$0x3FB6]  }
0x2e: {  	s3 =	simm.s32 @!p0 $0x1082;
	s9 =	sld [smem:$0x3FB7]  }
0x2f: {  	lr =	sadd.s32 s0, s3;
	s0 =	sld [smem:$0x3FAE]  }
0x30: {  	s3 =	sld [smem:$0x3FB1]  }
0x31: {  	[smem:$0x3FBA] =	sst s10  }
0x32: {  	s10 =	sld [smem:$0x3FB8];
	_ =	sdelay $0x3  }
0x33: {  	p0 =	seq.s32 s10, $0x1;
	s10 =	sld [smem:$0x3FBA];
	_ =	sdelay $0x3  }
0x34: {  	[smem:$0x3FBA] =	sst s10  }
0x35: {  	s10 =	sld [smem:$0x3FB9];
	_ =	sdelay $0x3  }
0x36: {  	p1 =	seq.s32 s10, $0x1;
	s10 =	sld [smem:$0x3FBA];
	_ =	sdelay $0x3  }
0x37: {  	[smem:$0x3FBA] =	sst s10  }
0x38: {  	s10 =	sld [smem:$0x3FBB]  }
0x39: {  	_ = 	snop;
	(pc) =	sbr.ind lr, $3  }
0x3a: {  	_ = 	snop  }
0x3b: {  	_ = 	snop  }
0x3c: {  	p2 =	seq.s32 s10, $0x1;
	s10 =	sld [smem:$0x3FBA]  }
0x3d: {  	_ =	shalt  }
0x3e: {  	_ =	shalt  }
0x3f: {  	_ =	shalt  }
0x40: {  	_ =	shalt  }
0x41: {  	_ =	shalt  }
0x42: {  	_ =	shalt  }
0x43: {  	_ =	shalt  }
0x44: {  	_ =	shalt  }
0x45: {  	_ =	shalt  }
0x46: {  	_ =	shalt  }
0x47: {  	_ =	shalt  }
0x48: {  	_ =	shalt  }
0x49: {  	_ =	shalt  }
0x4a: {  	_ =	shalt  }
0x4b: {  	_ =	shalt  }
0x4c: {  	_ =	shalt  }
0x4d: {  	_ =	shalt  }
0x4e: {  	_ =	shalt  }
0x4f: {  	_ =	shalt  }
0x50: {  	_ =	shalt  }
0x51: {  	_ =	shalt  }
0x52: {  	_ =	shalt  }
0x53: {  	_ =	shalt  }
0x54: {  	_ =	shalt  }
0x55: {  	_ =	shalt  }
0x56: {  	_ =	shalt  }
0x57: {  	_ =	shalt  }
0x58: {  	_ =	shalt  }
0x59: {  	_ =	shalt  }
0x5a: {  	_ =	shalt  }
0x5b: {  	_ =	shalt  }
0x5c: {  	_ =	shalt  }
0x5d: {  	_ =	shalt  }
0x5e: {  	_ =	shalt  }
0x5f: {  	_ =	shalt  }
0x60: {  	_ =	shalt  }
0x61: {  	_ =	shalt  }
0x62: {  	_ =	shalt  }
0x63: {  	_ =	shalt  }
0x64: {  	_ =	shalt  }
0x65: {  	_ =	shalt  }
0x66: {  	_ =	shalt  }
0x67: {  	_ =	shalt  }
0x68: {  	_ =	shalt  }
0x69: {  	_ =	shalt  }
0x6a: {  	_ =	shalt  }
0x6b: {  	_ =	shalt  }
0x6c: {  	_ =	shalt  }
0x6d: {  	_ =	shalt  }
0x6e: {  	_ =	shalt  }
0x6f: {  	_ =	shalt  }
0x70: {  	_ =	shalt  }
0x71: {  	_ =	shalt  }
0x72: {  	_ =	shalt  }
0x73: {  	_ =	shalt  }
0x74: {  	_ =	shalt  }
0x75: {  	_ =	shalt  }
0x76: {  	_ =	shalt  }
0x77: {  	_ =	shalt  }
0x78: {  	_ =	shalt  }
0x79: {  	_ =	shalt  }
0x7a: {  	_ =	shalt  }
0x7b: {  	_ =	shalt  }
0x7c: {  	_ =	shalt  }
0x7d: {  	_ =	shalt  }
0x7e: {  	_ =	shalt  }
0x7f: {  	_ =	shalt  }
0x80: {  	_ =	shalt  }
0x81: {  	_ =	shalt  }
0x82: {  	_ =	shalt  }
0x83: {  	_ =	shalt  }
0x84: {  	_ =	shalt  }
0x85: {  	_ =	shalt  }
0x86: {  	_ =	shalt  }
0x87: {  	_ =	shalt  }
.Lfunc_end0:
.L_simem_size_0:
called_computation_lowered:
.L_overlay_start_0:
0x88: {  	s2 =	sld [smem:$0x3FD9]  }
0x89: {  	s3 =	sld [smem:$0x3FFE];
	_ =	sdelay $0x1  }
0x8a: {  	s1 =	srdreg.scid  }
0x8b: {  	s0 =	sand.u32 $0x1, s1  }
0x8c: {  	s17 =	sshll.u32 s0, $0xA;
	s2 =	sadd.s32 s3, s2  }
0x8d: {  	s2 =	sadd.s32 s2, s17  }
0x8e: {  	[smem:$0x3FC6] =	sst s2  }
0x8f: {  	_ = 	snop  }
0x90: {  	s2 =	sld [smem:$0x3FD0];
	(tm) =	ssettm $0x1  }
0x91: {  	s18 =	sld [smem:$0x3FFB];
	_ =	sdelay $0x3  }
0x92: {  	_ =	strace s18  }
0x93: {  	s3 =	sld [smem:$0x3FFC];
	_ =	sdelay $0x3  }
0x94: {  	_ =	strace s3  }
0x95: {  	s3 =	sld [smem:$0x3FFD];
	_ =	sdelay $0x3  }
0x96: {  	_ =	strace s3  }
0x97: {  	_ =	strace $0x8FFFFFFF  }
0x98: {  	s19 =	sld [smem:$0x3FDB];
	_ =	sdelay $0x1  }
0x99: {  	s4 =	simm.s32 $_scs_section_size  }
0x9a: {  	s5 =	simm.s32 $_size__tile_overlayer_lowered;
	s6 =	simm.s32 $_tile_overlayer_lowered  }
0x9b: {  	s22 =	simm.s32 $0x1BFF;
	s21 =	sshll.u32 s6, $0x1;
	s3 =	sadd.s32 s4, s19  }
0x9c: {  	s7 =	simm.s32 $0x0;
	s20 =	sshll.u32 s5, $0x1;
	s5 =	sadd.s32 s21, s3  }
0x9d: {  	[timem:s7], [sflag:s22] =	dma.local [hbm:s5], s20  }
0x9e: {  	_ =	swait.ge [sflag:s22], s20  }
0x9f: {  	s4 =	ssub.s32 $0x0, s20;
	[sflag:s22] =	ssyncset.done $0x0  }
0xa0: {  	[sflag:s22] =	ssyncadd.s32 s4;
	_ =	sdelay $0x1  }
0xa1: {  	s23 =	simm.s32 $0x1B8B  }
0xa2: {  	_ =	swait.ge [sflag:s23], $0x1  }
0xa3: {  	[sflag:s23] =	ssyncset.done $0x0  }
0xa4: {  	s25 =	simm.s32 $0x1B8E;
	s24 =	sld [smem:$0x3FFE];
	[sflag:s23] =	ssyncadd.s32 $0xFFFFFFFF  }
0xa5: {  	s26 =	simm.s32 $execute0_lowered;
	[smem:$0x3FD2] =	sst s25  }
0xa6: {  	s5 =	sshll.u32 s26, $0x1;
	_ =	strace $0x80000046;
	[dreg:$0x1] =	wrdreg $0xFFFFFFFF  }
0xa7: {  	s28 =	simm.s32 $_size_execute0_lowered;
	s3 =	sadd.s32 s3, s5;
	[dreg:$0x0] =	wrdreg $0x0  }
0xa8: {  	s5 =	sshll.u32 s28, $0x1;
	[dreg:$0x2] =	wrdreg s3  }
0xa9: {  	[dreg:$0x3] =	wrdreg s5  }
0xaa: {  	[dreg:$0x4] =	wrdreg $0xC0  }
0xab: {  	_ =	task [dreg:s7], $0x5FFFF  }
0xac: {  	[dreg:$0x1] =	wrdreg $0xFFFFFFFF  }
0xad: {  	[dreg:$0x0] =	wrdreg $0x60  }
0xae: {  	[dreg:$0x2] =	wrdreg s24  }
0xaf: {  	[dreg:$0x3] =	wrdreg s2  }
0xb0: {  	[dreg:$0x4] =	wrdreg $0x9  }
0xb1: {  	_ =	task.clear_ibuf [dreg:s7], $0x5FFFF;
	_ =	strace $0x90000046  }
0xb2: {  	s29 =	simm.s32 $0x9;
	_ =	strace $0x80000048  }
0xb3: {  	_ =	swait.ge [sflag:s29], $0x1  }
0xb4: {  	[sflag:s29] =	ssyncadd.s32 $0xFFFFFFFF  }
0xb5: {  	_ =	strace $0x90000048  }
0xb6: {  	_ =	sfence  }
0xb7: {  	s30 =	sld [smem:$0x0];
	_ =	sdelay $0x2  }
0xb8: {  	s31 =	sshll.u32 s1, $0xD;
	s1 =	sshrl.u32 s1, $0x2  }
0xb9: {  	s3 =	sand.u32 $0x4000, s31;
	s1 =	sadd.s32 s1, s30  }
0xba: {  	s0 =	sor.u32 s3, s0;
	s1 =	sshll.u32 s1, $0x11  }
0xbb: {  	s0 =	sor.u32 s1, s0  }
0xbc: {  	s0 =	sadd.s32 $0x8F2B, s0  }
0xbd: {  	[sflag:s0] =	ssyncadd.remote.s32 $0x1  }
0xbe: {  	_ =	sfence.sel $0xFFFF  }
0xbf: {  	[dreg:$0x0] =	wrdreg $0xFFFFFFFF;
	(pc) =	sbr.abs _section_cstart, $3  }
0xc0: {  	[dreg:$0x1] =	wrdreg $0xFFFFFFFF  }
0xc1: {  	_ =	task.clear_ibuf [dreg:s7], $0x2FFFF;
	_ =	strace $0x9FFFFFFF  }
0xc2: {  	(tm) =	ssettm $0x7FFFFFFF  }
0xc3: {  	_ =	shalt  }
tec
execute0_lowered:
.L_overlay_start_1:
0x0: {  	(tag) =	ssettag $0x1  }
0x1: {  	v3 =	vlaneseq.u32  }
0x2: {  	s5 =	rddreg [dreg:$0x0];
	v1 =	vmul.u32 $0x40, v3  }
0x3: {  	s2 =	rddreg [dreg:$0x1];
	s3 =	simm.s32 $0x0  }
0x4: {  	s1 =	srdreg.scid;
	[smem:$0x7FF] =	sst s3;
	v0 =	vor.u32 $0x2C10, v1  }
0x5: {  	s4 =	sand.u32 $0x1, s1;
	s1 =	rddreg [dreg:$0x2];
	_ =	strace $0x80000047;
	v2 =	vor.u32 $0x2C20, v1;
	[tilespmem:$0x1FE00] =	vst v0  }
0x6: {  	v4 =	vor.u32 $0x2C30, v1;
	[tilespmem:$0x1FE10] =	vst v2  }
0x7: {  	v5 =	vor.u32 $0x1000, v1;
	[tilespmem:$0x1FE20] =	vst v4  }
0x8: {  	v6 =	vor.u32 $0x1010, v1;
	[tilespmem:$0x1FE30] =	vst v5  }
0x9: {  	v7 =	vor.u32 $0x1020, v1;
	[tilespmem:$0x1FE40] =	vst v6  }
0xa: {  	v8 =	vor.u32 $0x1030, v1;
	[tilespmem:$0x1FE50] =	vst v7  }
0xb: {  	v9 =	vor.u32 $0x3000, v1;
	[tilespmem:$0x1FE60] =	vst v8  }
0xc: {  	v10 =	vor.u32 $0x3010, v1;
	[tilespmem:$0x1FE70] =	vst v9  }
0xd: {  	v11 =	vor.u32 $0x3020, v1;
	[tilespmem:$0x1FE80] =	vst v10  }
0xe: {  	v12 =	vor.u32 $0x3030, v1;
	[tilespmem:$0x1FE90] =	vst v11  }
0xf: {  	v13 =	vor.u32 $0x1400, v1;
	[tilespmem:$0x1FEA0] =	vst v12  }
0x10: {  	v14 =	vor.u32 $0x1410, v1;
	[tilespmem:$0x1FEB0] =	vst v13  }
0x11: {  	v15 =	vor.u32 $0x1420, v1;
	[tilespmem:$0x1FEC0] =	vst v14  }
0x12: {  	v16 =	vor.u32 $0x1430, v1;
	[tilespmem:$0x1FED0] =	vst v15  }
0x13: {  	v17 =	vor.u32 $0x3400, v1;
	[tilespmem:$0x1FEE0] =	vst v16  }
0x14: {  	v18 =	vor.u32 $0x3410, v1;
	[tilespmem:$0x1FEF0] =	vst v17  }
0x15: {  	v19 =	vor.u32 $0x3420, v1;
	[tilespmem:$0x1FF00] =	vst v18  }
0x16: {  	v20 =	vor.u32 $0x3430, v1;
	[tilespmem:$0x1FF10] =	vst v19  }
0x17: {  	v35 =	vor.u32 $0x10, v1;
	v62 =	vor.u32 $0x1800, v1;
	[tilespmem:$0x1FF20] =	vst v20  }
0x18: {  	v36 =	vor.u32 $0x20, v1;
	v37 =	vor.u32 $0x30, v1;
	v21 =	vor.u32 $0x1810, v1;
	[tilespmem:$0x1FF30] =	vst v62  }
0x19: {  	v38 =	vor.u32 $0x2000, v1;
	v39 =	vor.u32 $0x2010, v1;
	v22 =	vor.u32 $0x1820, v1;
	[tilespmem:$0x1FF40] =	vst v21  }
0x1a: {  	v40 =	vor.u32 $0x2020, v1;
	v41 =	vor.u32 $0x2030, v1;
	v23 =	vor.u32 $0x1830, v1;
	[tilespmem:$0x1FF50] =	vst v22  }
0x1b: {  	v42 =	vor.u32 $0x400, v1;
	v43 =	vor.u32 $0x410, v1;
	v24 =	vor.u32 $0x3800, v1;
	[tilespmem:$0x1FF60] =	vst v23  }
0x1c: {  	s0 =	stileid.u32;
	s10 =	simm.s32 $0x6400;
	v44 =	vor.u32 $0x420, v1;
	v45 =	vor.u32 $0x430, v1;
	v25 =	vor.u32 $0x3810, v1;
	[tilespmem:$0x1FF70] =	vst v24  }
0x1d: {  	s11 =	simm.s32 $0xA400;
	s12 =	simm.s32 $0x1;
	s13 =	simm.s32 $0xE400;
	v46 =	vor.u32 $0x2400, v1;
	v47 =	vor.u32 $0x2410, v1;
	v26 =	vor.u32 $0x3820, v1;
	[tilespmem:$0x1FF80] =	vst v25  }
0x1e: {  	s14 =	simm.s32 $0x800;
	s15 =	simm.s32 $0x8000;
	s16 =	simm.s32 $0x2;
	v48 =	vor.u32 $0x2420, v1;
	v49 =	vor.u32 $0x2430, v1;
	v27 =	vor.u32 $0x3830, v1;
	[tilespmem:$0x1FF90] =	vst v26  }
0x1f: {  	s17 =	simm.s32 $0x12400;
	s18 =	simm.s32 $0x3;
	s6 =	sshll.u32 s0, $0x1;
	v50 =	vor.u32 $0x800, v1;
	v51 =	vor.u32 $0x810, v1;
	v28 =	vor.u32 $0x1C00, v1;
	[tilespmem:$0x1FFA0] =	vst v27  }
.Ltmp0:
0x20: {  	s6 =	sor.u32 s4, s6;
	s8 =	ssub.s32 $0x2, s4;
	v52 =	vor.u32 $0x820, v1;
	v53 =	vor.u32 $0x830, v1;
	v29 =	vor.u32 $0x1C10, v1;
	[tilespmem:$0x1FFB0] =	vst v28;
	(pc) =	sbr.rel .LBB2_1-.Ltmp0, $4  }
0x21: {  	s19 =	simm.s32 $0x4;
	v54 =	vor.u32 $0x2800, v1;
	v55 =	vor.u32 $0x2810, v1;
	s7 =	smul.u32 $0xC80, s6;
	s9 =	sshrl.u32 s8, $0x1;
	v30 =	vor.u32 $0x1C20, v1;
	[tilespmem:$0x1FFC0] =	vst v29  }
0x22: {  	s20 =	simm.s32 $0x0;
	s4 =	sadd.s32 $0x19400, s5;
	v56 =	vor.u32 $0x2820, v1;
	v57 =	vor.u32 $0x2830, v1;
	v31 =	vor.u32 $0x1C30, v1;
	s8 =	ssub.s32 s8, s9;
	[tilespmem:$0x1FFD0] =	vst v30  }
0x23: {  	v58 =	vor.u32 $0xC00, v1;
	v59 =	vor.u32 $0xC10, v1;
	v32 =	vor.u32 $0x3C00, v1;
	s9 =	simm.s32 $0x100;
	[tilespmem:$0x1FFE0] =	vst v31;
	s7 =	sadd.s32 s7, s5;
	s5 =	smul.u32 $0x64, s6  }
0x24: {  	v60 =	vor.u32 $0xC20, v1;
	v61 =	vor.u32 $0xC30, v1;
	v34 =	vor.u32 $0x2C00, v1;
	[tilespmem:$0x1FFF0] =	vst v32;
	s6 =	sadd.s32 $0x400, s7;
	s7 =	smax.u32 s8, $0x1;
	s8 =	simm.s32 $0x5  }
.LBB2_10:
0x25: {  	s20 =	sadd.s32 $0x1, s20  }
0x26: {  	_ =	swait.ge [sflag:s18], $0x4000;
	p0 =	sne.s32 s20, s7  }
.Ltmp1:
0x27: {  	[sflag:s18] =	ssyncset.done $0x0;
	(pc) =	sbr.rel @!p0 .LBB2_11-.Ltmp1, $4  }
0x28: {  	[sflag:s18] =	ssyncadd.s32 $0xFFFFC000  }
0x29: {  	_ =	swait.ge [sflag:s19], $0x4000  }
0x2a: {  	[sflag:s19] =	ssyncset.done $0x0  }
0x2b: {  	v3 =	vlaneseq.u32;
	[sflag:s19] =	ssyncadd.s32 $0xFFFFC000  }
.LBB2_1:
0x2c: {  	v0 =	vadd.s32 s3, v3  }
0x2d: {  	s21 =	simm.s32 $0x16400;
	v2 =	vand.u32 $0xF, v0;
	v0 =	vshll.u32 v0, $0x7  }
0x2e: {  	s22 =	simm.s32 $0x16500;
	[tilespmem:s21+$0x0] =	vst v2;
	v2 =	vshrl.u32 v2, $0x3;
	v0 =	vand.u32 $0x380, v0  }
0x2f: {  	s23 =	simm.s32 $0x16600;
	[tilespmem:s22+$0x0] =	vst v2;
	v0 =	vor.u32 v3, v0  }
0x30: {  	s24 =	simm.s32 $0x1;
	[tilespmem:s23+$0x0] =	vst v0  }
.LBB2_2:
0x31: {  	p0 =	sne.s32 s24, $0xF  }
.Ltmp2:
0x32: {  	v0 =	vadd.s32 s24, v3;
	s24 =	sadd.s32 $0x1, s24;
	(pc) =	sbr.rel @p0 .LBB2_2-.Ltmp2, $4  }
0x33: {  	s21 =	sadd.s32 $0x10, s21;
	v2 =	vand.u32 $0xF, v0;
	v0 =	vshll.u32 v0, $0x7  }
0x34: {  	s22 =	sadd.s32 $0x10, s22;
	[tilespmem:s21+$0x0] =	vst v2;
	v2 =	vshrl.u32 v2, $0x3;
	v0 =	vand.u32 $0x380, v0  }
0x35: {  	s23 =	sadd.s32 $0x10, s23;
	[tilespmem:s22+$0x0] =	vst v2;
	v0 =	vor.u32 v3, v0  }
0x36: {  	[tilespmem:s23+$0x0] =	vst v0  }
0x37: {  	s21 =	simm.s32 $0x0  }
0x38: {  	[tilespmem:s21], [sflag:$0x5] =	stream.linear.gather [hbm4b:s6+s21], $0x6400, $0x38;
	[tilespmem:$0x16700] =	vst v63  }
0x39: {  	_ =	swait.ge [sflag:s8], $0x6400  }
0x3a: {  	[sflag:s8] =	ssyncset.done $0x0  }
0x3b: {  	[sflag:s8] =	ssyncadd.s32 $0xFFFF9C00  }
0x3c: {  	[tilespmem:s10], [sflag:$0x1] =	stream.indirect.gather [hbm4b:s4+s9], $0x40, s21, s9, $0xb8;
	[tilespmem:$0x16700] =	vst v63  }
0x3d: {  	_ = 	snop  }
0x3e: {  	[tilespmem:s11], [sflag:$0x2] =	stream.indirect.gather [hbm4b:s4+s9], $0x40, s9, s9, $0xb8;
	[tilespmem:$0x16700] =	vst v63  }
.LBB2_4:
0x3f: {  	_ =	swait.ge [sflag:s12], $0x4000  }
0x40: {  	p0 =	seq.s32 s21, $0x0;
	[sflag:s12] =	ssyncset.done $0x0  }
0x41: {  	s23 =	simm.s32 @!p0 $0x3;
	[sflag:s12] =	ssyncadd.s32 $0xFFFFC000  }
0x42: {  	_ =	swait.ge @!p0 [sflag:s23], $0x4000  }
0x43: {  	[sflag:s23] =	ssyncset.done @!p0 $0x0  }
0x44: {  	s22 =	sshll.u32 s21, $0x1;
	[sflag:s23] =	ssyncadd.s32 @!p0 $0xFFFFC000;
	s23 =	simm.s32 $0x0  }
.LBB2_5:
0x45: {  	s24 =	sshra.s32 s23, $0x2  }
0x46: {  	v3 =	vld [tilespmem:s24+$0x16400];
	_ =	sdelay $0x4  }
0x47: {  	v0 =	vadd.s32 v1, v3  }
0x48: {  	v2 =	vadd.s32 v35, v3  }
0x49: {  	v4 =	vadd.s32 v36, v3  }
0x4a: {  	v5 =	vld [tilespmem:s24+$0x16500];
	v6 =	vadd.s32 v37, v3  }
0x4b: {  	v7 =	vld [tilespmem:s24+$0x16600];
	v8 =	vadd.s32 v38, v3  }
0x4c: {  	v9 =	vadd.s32 v39, v3;
	v0 =	vld.idx.msk [tilespmem:v0+s10+$0x0], $0xffff  }
0x4d: {  	v10 =	vadd.s32 v40, v3;
	v2 =	vld.idx.msk [tilespmem:v2+s10+$0x0], $0xffff  }
0x4e: {  	v11 =	vadd.s32 v41, v3;
	v4 =	vld.idx.msk [tilespmem:v4+s10+$0x0], $0xffff  }
0x4f: {  	v12 =	vadd.s32 v42, v3;
	v6 =	vld.idx.msk [tilespmem:v6+s10+$0x0], $0xffff  }
0x50: {  	v30 =	vadd.s32 v43, v3;
	v62 =	vld.idx.msk [tilespmem:v8+s10+$0x0], $0xffff  }
0x51: {  	v31 =	vadd.s32 v44, v3;
	v63 =	vld.idx.msk [tilespmem:v9+s10+$0x0], $0xffff  }
0x52: {  	v32 =	vadd.s32 v45, v3;
	v33 =	vadd.s32 v46, v3;
	v13 =	vld.idx.msk [tilespmem:v10+s10+$0x0], $0xffff  }
0x53: {  	v19 =	vadd.s32 v47, v3;
	v20 =	vadd.s32 v48, v3;
	v22 =	vadd.s32 v49, v3;
	v16 =	vld.idx.msk [tilespmem:v11+s10+$0x0], $0xffff  }
0x54: {  	v18 =	vld.idx.msk [tilespmem:v12+s10+$0x0], $0xffff;
	v12 =	vand.u32 $0xFFFFFFF8, v7;
	v0 =	vmul.f32 $8.000000000e+00, v0;
	v14 =	vmul.f32 $8.000000000e+00, v2  }
0x55: {  	v21 =	vld.idx.msk [tilespmem:v30+s10+$0x0], $0xffff;
	v15 =	vmul.f32 $8.000000000e+00, v4;
	v17 =	vmul.f32 $8.000000000e+00, v6;
	v4 =	vshll.u32 v5, $0xB  }
0x56: {  	v23 =	vld.idx.msk [tilespmem:v31+s10+$0x0], $0xffff;
	v2 =	vand.u32 $0x7, v7;
	v28 =	vadd.s32 v4, v12;
	v5 =	vadd.s32 $0x1000, v4  }
0x57: {  	v24 =	vld.idx.msk [tilespmem:v32+s10+$0x0], $0xffff;
	v6 =	vadd.s32 $0x2000, v4;
	v25 =	vor.u32 v2, v28;
	v29 =	vadd.s32 v12, v5  }
0x58: {  	v26 =	vld.idx.msk [tilespmem:v33+s10+$0x0], $0xffff;
	v7 =	vadd.s32 $0x3000, v4;
	v30 =	vadd.s32 v12, v6;
	v27 =	vor.u32 v2, v29  }
0x59: {  	v19 =	vld.idx.msk [tilespmem:v19+s10+$0x0], $0xffff;
	v8 =	vor.u32 $0x400, v4;
	v31 =	vadd.s32 v12, v7;
	v28 =	vor.u32 v2, v30  }
0x5a: {  	v20 =	vld.idx.msk [tilespmem:v20+s10+$0x0], $0xffff;
	v9 =	vadd.s32 $0x1400, v4;
	v32 =	vadd.s32 v12, v8;
	v29 =	vor.u32 v2, v31  }
0x5b: {  	v22 =	vld.idx.msk [tilespmem:v22+s10+$0x0], $0xffff;
	v10 =	vadd.s32 $0x2400, v4;
	v33 =	vadd.s32 v12, v9;
	v30 =	vor.u32 v2, v32  }
0x5c: {  	v11 =	vadd.s32 $0x3400, v4;
	v31 =	vadd.s32 v12, v10;
	[tilespmem:v25+s13+$0x0] =	vst.idx.msk $0xffff, v0;
	v0 =	vor.u32 v2, v33  }
0x5d: {  	v32 =	vadd.s32 v12, v11;
	[tilespmem:v27+s13+$0x0] =	vst.idx.msk $0xffff, v14;
	v14 =	vor.u32 v2, v31;
	v27 =	vadd.s32 $0x10, v12  }
0x5e: {  	v62 =	vmul.f32 $8.000000000e+00, v62;
	[tilespmem:v28+s13+$0x0] =	vst.idx.msk $0xffff, v15;
	v15 =	vor.u32 v2, v32;
	v33 =	vadd.s32 v4, v27  }
0x5f: {  	v63 =	vmul.f32 $8.000000000e+00, v63;
	[tilespmem:v29+s13+$0x0] =	vst.idx.msk $0xffff, v17;
	v32 =	vor.u32 v2, v33;
	v33 =	vadd.s32 v5, v27  }
0x60: {  	v13 =	vmul.f32 $8.000000000e+00, v13;
	[tilespmem:v30+s13+$0x0] =	vst.idx.msk $0xffff, v62;
	v25 =	vor.u32 v2, v33;
	v62 =	vadd.s32 v6, v27  }
0x61: {  	v16 =	vmul.f32 $8.000000000e+00, v16;
	[tilespmem:v0+s13+$0x0] =	vst.idx.msk $0xffff, v63;
	v0 =	vor.u32 v2, v62;
	v63 =	vadd.s32 v7, v27  }
0x62: {  	v18 =	vmul.f32 $8.000000000e+00, v18;
	v28 =	vadd.s32 v8, v27;
	[tilespmem:v14+s13+$0x0] =	vst.idx.msk $0xffff, v13;
	v13 =	vor.u32 v2, v63  }
0x63: {  	v21 =	vmul.f32 $8.000000000e+00, v21;
	v29 =	vadd.s32 v9, v27;
	v14 =	vor.u32 v2, v28;
	[tilespmem:v15+s13+$0x0] =	vst.idx.msk $0xffff, v16  }
0x64: {  	v31 =	vadd.s32 v10, v27;
	v30 =	vmul.f32 $8.000000000e+00, v23;
	v15 =	vor.u32 v2, v29;
	[tilespmem:v32+s13+$0x0] =	vst.idx.msk $0xffff, v18  }
0x65: {  	v17 =	vor.u32 v2, v31;
	v33 =	vadd.s32 v11, v27;
	v32 =	vmul.f32 $8.000000000e+00, v24;
	[tilespmem:v25+s13+$0x0] =	vst.idx.msk $0xffff, v21  }
0x66: {  	v62 =	vmul.f32 $8.000000000e+00, v26;
	[tilespmem:v0+s13+$0x0] =	vst.idx.msk $0xffff, v30;
	v0 =	vor.u32 v2, v33  }
0x67: {  	v63 =	vmul.f32 $8.000000000e+00, v19;
	v21 =	vadd.s32 v50, v3;
	[tilespmem:v13+s13+$0x0] =	vst.idx.msk $0xffff, v32  }
0x68: {  	v24 =	vmul.f32 $8.000000000e+00, v20;
	v25 =	vadd.s32 v51, v3;
	[tilespmem:v14+s13+$0x0] =	vst.idx.msk $0xffff, v62  }
0x69: {  	v26 =	vmul.f32 $8.000000000e+00, v22;
	v27 =	vadd.s32 v52, v3;
	[tilespmem:v15+s13+$0x0] =	vst.idx.msk $0xffff, v63  }
0x6a: {  	v31 =	vadd.s32 v57, v3;
	[tilespmem:v17+s13+$0x0] =	vst.idx.msk $0xffff, v24  }
0x6b: {  	v32 =	vadd.s32 v58, v3;
	[tilespmem:v0+s13+$0x0] =	vst.idx.msk $0xffff, v26  }
0x6c: {  	v13 =	vld.idx.msk [tilespmem:v21+s10+$0x0], $0xffff  }
0x6d: {  	v33 =	vadd.s32 v59, v3;
	v14 =	vld.idx.msk [tilespmem:v25+s10+$0x0], $0xffff  }
0x6e: {  	v15 =	vld.idx.msk [tilespmem:v27+s10+$0x0], $0xffff  }
0x6f: {  	v19 =	vld.idx.msk [tilespmem:v31+s10+$0x0], $0xffff  }
0x70: {  	v28 =	vadd.s32 v53, v3;
	v20 =	vld.idx.msk [tilespmem:v32+s10+$0x0], $0xffff  }
0x71: {  	v29 =	vadd.s32 v55, v3;
	v31 =	vld [tilespmem:$0x1FE00]  }
0x72: {  	v62 =	vadd.s32 v60, v3;
	v21 =	vld.idx.msk [tilespmem:v33+s10+$0x0], $0xffff  }
0x73: {  	v63 =	vadd.s32 v61, v3;
	v32 =	vld [tilespmem:$0x1FE10]  }
0x74: {  	v30 =	vadd.s32 v56, v3;
	v33 =	vld [tilespmem:$0x1FE20]  }
0x75: {  	v24 =	vadd.s32 v34, v3;
	v16 =	vld.idx.msk [tilespmem:v28+s10+$0x0], $0xffff  }
0x76: {  	v0 =	vadd.s32 v54, v3;
	v17 =	vld.idx.msk [tilespmem:v29+s10+$0x0], $0xffff  }
0x77: {  	v27 =	vadd.s32 $0x20, v12;
	v22 =	vld.idx.msk [tilespmem:v62+s10+$0x0], $0xffff;
	v25 =	vadd.s32 v31, v3  }
0x78: {  	v62 =	vadd.s32 v4, v27;
	v23 =	vld.idx.msk [tilespmem:v63+s10+$0x0], $0xffff;
	v63 =	vadd.s32 v5, v27;
	v26 =	vadd.s32 v32, v3  }
0x79: {  	v18 =	vld.idx.msk [tilespmem:v30+s10+$0x0], $0xffff;
	v29 =	vor.u32 v2, v62;
	v30 =	vor.u32 v2, v63;
	v28 =	vadd.s32 v33, v3  }
0x7a: {  	v24 =	vld.idx.msk [tilespmem:v24+s10+$0x0], $0xffff;
	v31 =	vadd.s32 v6, v27;
	v13 =	vmul.f32 $8.000000000e+00, v13;
	v32 =	vadd.s32 v7, v27  }
0x7b: {  	v0 =	vld.idx.msk [tilespmem:v0+s10+$0x0], $0xffff;
	v14 =	vmul.f32 $8.000000000e+00, v14;
	v15 =	vmul.f32 $8.000000000e+00, v15;
	v62 =	vor.u32 v2, v31  }
0x7c: {  	v33 =	vadd.s32 v10, v27;
	v63 =	vor.u32 v2, v32;
	v31 =	vadd.s32 v8, v27;
	v25 =	vld.idx.msk [tilespmem:v25+s10+$0x0], $0xffff  }
0x7d: {  	v32 =	vadd.s32 v9, v27;
	v27 =	vadd.s32 v11, v27;
	v31 =	vor.u32 v2, v31;
	v26 =	vld.idx.msk [tilespmem:v26+s10+$0x0], $0xffff  }
0x7e: {  	v16 =	vmul.f32 $8.000000000e+00, v16;
	v28 =	vld.idx.msk [tilespmem:v28+s10+$0x0], $0xffff;
	[tilespmem:v29+s13+$0x0] =	vst.idx.msk $0xffff, v13;
	v13 =	vor.u32 v2, v32;
	v29 =	vadd.s32 $0x30, v12  }
0x7f: {  	v17 =	vmul.f32 $8.000000000e+00, v17;
	v32 =	vor.u32 v2, v33;
	[tilespmem:v30+s13+$0x0] =	vst.idx.msk $0xffff, v14;
	v33 =	vadd.s32 v4, v29  }
0x80: {  	v0 =	vmul.f32 $8.000000000e+00, v0;
	v30 =	vadd.s32 v7, v29;
	[tilespmem:v62+s13+$0x0] =	vst.idx.msk $0xffff, v15;
	v15 =	vor.u32 v2, v27  }
0x81: {  	v62 =	vadd.s32 v5, v29;
	v14 =	vor.u32 v2, v30;
	v30 =	vadd.s32 v11, v29  }
0x82: {  	v18 =	vmul.f32 $8.000000000e+00, v18;
	[tilespmem:v63+s13+$0x0] =	vst.idx.msk $0xffff, v16;
	v16 =	vor.u32 v2, v33;
	v63 =	vadd.s32 v6, v29  }
0x83: {  	v27 =	vmul.f32 $8.000000000e+00, v23;
	v23 =	vld [tilespmem:$0x1FE50];
	v33 =	vadd.s32 v9, v29;
	[tilespmem:v31+s13+$0x0] =	vst.idx.msk $0xffff, v0;
	v0 =	vor.u32 v2, v62  }
0x84: {  	v31 =	vadd.s32 v8, v29;
	v62 =	vmul.f32 $8.000000000e+00, v22;
	v22 =	vmul.f32 $8.000000000e+00, v28;
	v28 =	vld [tilespmem:$0x1FEB0]  }
0x85: {  	v19 =	vmul.f32 $8.000000000e+00, v19;
	[tilespmem:v13+s13+$0x0] =	vst.idx.msk $0xffff, v17;
	v13 =	vor.u32 v2, v63;
	v63 =	vadd.s32 v10, v29;
	v29 =	vld [tilespmem:$0x1FEC0]  }
0x86: {  	v20 =	vmul.f32 $8.000000000e+00, v20;
	[tilespmem:v32+s13+$0x0] =	vst.idx.msk $0xffff, v18;
	v32 =	vmul.f32 $8.000000000e+00, v21;
	v21 =	vld [tilespmem:$0x1FE40]  }
0x87: {  	[tilespmem:v15+s13+$0x0] =	vst.idx.msk $0xffff, v19;
	v15 =	vor.u32 v2, v31;
	v31 =	vmul.f32 $8.000000000e+00, v24;
	v24 =	vld [tilespmem:$0x1FE70]  }
0x88: {  	[tilespmem:v16+s13+$0x0] =	vst.idx.msk $0xffff, v20;
	v16 =	vor.u32 v2, v33;
	v33 =	vmul.f32 $8.000000000e+00, v25;
	v25 =	vld [tilespmem:$0x1FE80]  }
0x89: {  	[tilespmem:v0+s13+$0x0] =	vst.idx.msk $0xffff, v32;
	v0 =	vor.u32 v2, v63;
	v63 =	vmul.f32 $8.000000000e+00, v26;
	v26 =	vld [tilespmem:$0x1FE90]  }
0x8a: {  	v32 =	vor.u32 v2, v30;
	v30 =	vld [tilespmem:$0x1FED0]  }
0x8b: {  	[tilespmem:v13+s13+$0x0] =	vst.idx.msk $0xffff, v62;
	v62 =	vld [tilespmem:$0x1FE30]  }
0x8c: {  	[tilespmem:v14+s13+$0x0] =	vst.idx.msk $0xffff, v27;
	v27 =	vld [tilespmem:$0x1FEA0]  }
0x8d: {  	[tilespmem:v15+s13+$0x0] =	vst.idx.msk $0xffff, v31;
	v31 =	vld [tilespmem:$0x1FEE0]  }
0x8e: {  	v20 =	vadd.s32 v28, v3;
	[tilespmem:v16+s13+$0x0] =	vst.idx.msk $0xffff, v33;
	v33 =	vld [tilespmem:$0x1FF00]  }
0x8f: {  	v15 =	vadd.s32 v21, v3;
	[tilespmem:v0+s13+$0x0] =	vst.idx.msk $0xffff, v63;
	v0 =	vld [tilespmem:$0x1FE60]  }
0x90: {  	v13 =	vadd.s32 v24, v3;
	v63 =	vld [tilespmem:$0x1FF20]  }
0x91: {  	v21 =	vadd.s32 v29, v3;
	[tilespmem:v32+s13+$0x0] =	vst.idx.msk $0xffff, v22;
	v32 =	vld [tilespmem:$0x1FEF0]  }
0x92: {  	v16 =	vadd.s32 v23, v3;
	v14 =	vadd.s32 v62, v3;
	v62 =	vld [tilespmem:$0x1FF10]  }
0x93: {  	v17 =	vadd.s32 v25, v3;
	v20 =	vld.idx.msk [tilespmem:v20+s10+$0x0], $0xffff  }
0x94: {  	v18 =	vadd.s32 v26, v3;
	v15 =	vld.idx.msk [tilespmem:v15+s10+$0x0], $0xffff  }
0x95: {  	v13 =	vld.idx.msk [tilespmem:v13+s10+$0x0], $0xffff  }
0x96: {  	v22 =	vadd.s32 v30, v3;
	v21 =	vld.idx.msk [tilespmem:v21+s10+$0x0], $0xffff  }
0x97: {  	v19 =	vadd.s32 v27, v3;
	v16 =	vld.idx.msk [tilespmem:v16+s10+$0x0], $0xffff  }
0x98: {  	v23 =	vadd.s32 v31, v3;
	v17 =	vld.idx.msk [tilespmem:v17+s10+$0x0], $0xffff  }
0x99: {  	v0 =	vadd.s32 v0, v3;
	v18 =	vld.idx.msk [tilespmem:v18+s10+$0x0], $0xffff  }
0x9a: {  	v25 =	vadd.s32 v33, v3;
	v14 =	vld.idx.msk [tilespmem:v14+s10+$0x0], $0xffff  }
0x9b: {  	v27 =	vadd.s32 $0x40, v12;
	v28 =	vadd.s32 v63, v3;
	v22 =	vld.idx.msk [tilespmem:v22+s10+$0x0], $0xffff  }
0x9c: {  	v24 =	vadd.s32 v32, v3;
	v32 =	vadd.s32 v4, v27;
	v19 =	vld.idx.msk [tilespmem:v19+s10+$0x0], $0xffff  }
0x9d: {  	v33 =	vadd.s32 v5, v27;
	v26 =	vadd.s32 v62, v3;
	v29 =	vor.u32 v2, v32;
	v23 =	vld.idx.msk [tilespmem:v23+s10+$0x0], $0xffff  }
0x9e: {  	v30 =	vor.u32 v2, v33;
	v63 =	vadd.s32 v7, v27;
	v62 =	vadd.s32 v6, v27;
	v0 =	vld.idx.msk [tilespmem:v0+s10+$0x0], $0xffff  }
0x9f: {  	v33 =	vadd.s32 v8, v27;
	v31 =	vor.u32 v2, v62;
	v32 =	vor.u32 v2, v63;
	v25 =	vld.idx.msk [tilespmem:v25+s10+$0x0], $0xffff  }
0xa0: {  	v62 =	vor.u32 v2, v33;
	v33 =	vadd.s32 v9, v27;
	v28 =	vld.idx.msk [tilespmem:v28+s10+$0x0], $0xffff;
	v14 =	vmul.f32 $8.000000000e+00, v14  }
0xa1: {  	v63 =	vadd.s32 v10, v27;
	v27 =	vadd.s32 v11, v27;
	v15 =	vmul.f32 $8.000000000e+00, v15;
	v24 =	vld.idx.msk [tilespmem:v24+s10+$0x0], $0xffff  }
0xa2: {  	v16 =	vmul.f32 $8.000000000e+00, v16;
	v26 =	vld.idx.msk [tilespmem:v26+s10+$0x0], $0xffff;
	[tilespmem:v29+s13+$0x0] =	vst.idx.msk $0xffff, v14;
	v14 =	vor.u32 v2, v33  }
0xa3: {  	v29 =	vadd.s32 $0x50, v12;
	[tilespmem:v30+s13+$0x0] =	vst.idx.msk $0xffff, v15;
	v15 =	vor.u32 v2, v63;
	v0 =	vmul.f32 $8.000000000e+00, v0  }
0xa4: {  	v13 =	vmul.f32 $8.000000000e+00, v13;
	[tilespmem:v31+s13+$0x0] =	vst.idx.msk $0xffff, v16;
	v16 =	vor.u32 v2, v27;
	v31 =	vadd.s32 v4, v29  }
0xa5: {  	v17 =	vmul.f32 $8.000000000e+00, v17;
	v33 =	vadd.s32 v5, v29;
	[tilespmem:v32+s13+$0x0] =	vst.idx.msk $0xffff, v0;
	v0 =	vor.u32 v2, v31  }
0xa6: {  	v18 =	vmul.f32 $8.000000000e+00, v18;
	v63 =	vadd.s32 v6, v29;
	[tilespmem:v62+s13+$0x0] =	vst.idx.msk $0xffff, v13;
	v13 =	vor.u32 v2, v33  }
0xa7: {  	v19 =	vmul.f32 $8.000000000e+00, v19;
	v30 =	vadd.s32 v7, v29;
	[tilespmem:v14+s13+$0x0] =	vst.idx.msk $0xffff, v17;
	v14 =	vor.u32 v2, v63  }
0xa8: {  	v20 =	vmul.f32 $8.000000000e+00, v20;
	v31 =	vadd.s32 v8, v29;
	[tilespmem:v15+s13+$0x0] =	vst.idx.msk $0xffff, v18;
	v15 =	vor.u32 v2, v30  }
0xa9: {  	v32 =	vmul.f32 $8.000000000e+00, v21;
	v33 =	vadd.s32 v9, v29;
	[tilespmem:v16+s13+$0x0] =	vst.idx.msk $0xffff, v19;
	v16 =	vor.u32 v2, v31  }
0xaa: {  	v63 =	vmul.f32 $8.000000000e+00, v22;
	[tilespmem:v0+s13+$0x0] =	vst.idx.msk $0xffff, v20;
	v0 =	vor.u32 v2, v33  }
0xab: {  	v30 =	vmul.f32 $8.000000000e+00, v23;
	[tilespmem:v13+s13+$0x0] =	vst.idx.msk $0xffff, v32  }
0xac: {  	v33 =	vmul.f32 $8.000000000e+00, v24;
	[tilespmem:v14+s13+$0x0] =	vst.idx.msk $0xffff, v63  }
0xad: {  	v21 =	vmul.f32 $8.000000000e+00, v25;
	[tilespmem:v15+s13+$0x0] =	vst.idx.msk $0xffff, v30  }
0xae: {  	[tilespmem:v16+s13+$0x0] =	vst.idx.msk $0xffff, v33  }
0xaf: {  	[tilespmem:v0+s13+$0x0] =	vst.idx.msk $0xffff, v21;
	v0 =	vld [tilespmem:$0x1FF50];
	_ =	sdelay $0x1  }
0xb0: {  	v27 =	vadd.s32 v10, v29  }
0xb1: {  	v31 =	vor.u32 v2, v27;
	v32 =	vadd.s32 v11, v29  }
0xb2: {  	v63 =	vor.u32 v2, v32  }
0xb3: {  	v0 =	vadd.s32 v0, v3  }
0xb4: {  	v23 =	vmul.f32 $8.000000000e+00, v26  }
0xb5: {  	v25 =	vmul.f32 $8.000000000e+00, v28  }
0xb6: {  	[tilespmem:v31+s13+$0x0] =	vst.idx.msk $0xffff, v23  }
0xb7: {  	v28 =	vld [tilespmem:$0x1FF80];
	[tilespmem:v63+s13+$0x0] =	vst.idx.msk $0xffff, v25  }
0xb8: {  	v19 =	vld.idx.msk [tilespmem:v0+s10+$0x0], $0xffff  }
0xb9: {  	v0 =	vld [tilespmem:$0x1FFA0]  }
0xba: {  	v62 =	vld [tilespmem:$0x1FF30]  }
0xbb: {  	v26 =	vld [tilespmem:$0x1FF60]  }
0xbc: {  	v27 =	vld [tilespmem:$0x1FF70]  }
0xbd: {  	v24 =	vld [tilespmem:$0x1FF40]  }
0xbe: {  	v29 =	vld [tilespmem:$0x1FF90];
	v0 =	vadd.s32 v0, v3  }
0xbf: {  	v32 =	vld [tilespmem:$0x1FFD0]  }
0xc0: {  	v22 =	vadd.s32 v62, v3;
	v30 =	vld [tilespmem:$0x1FFB0]  }
0xc1: {  	v13 =	vadd.s32 v26, v3;
	v33 =	vld [tilespmem:$0x1FFE0]  }
0xc2: {  	v17 =	vadd.s32 v28, v3;
	v31 =	vld [tilespmem:$0x1FFC0]  }
0xc3: {  	v14 =	vadd.s32 v27, v3;
	v16 =	vadd.s32 v24, v3;
	v24 =	vld.idx.msk [tilespmem:v0+s10+$0x0], $0xffff  }
0xc4: {  	v0 =	vld [tilespmem:$0x1FFF0]  }
0xc5: {  	v18 =	vadd.s32 v29, v3;
	v15 =	vld.idx.msk [tilespmem:v22+s10+$0x0], $0xffff  }
0xc6: {  	v13 =	vld.idx.msk [tilespmem:v13+s10+$0x0], $0xffff;
	v20 =	vadd.s32 v30, v3  }
0xc7: {  	v17 =	vld.idx.msk [tilespmem:v17+s10+$0x0], $0xffff;
	v22 =	vadd.s32 v32, v3  }
0xc8: {  	v14 =	vld.idx.msk [tilespmem:v14+s10+$0x0], $0xffff;
	v23 =	vadd.s32 v33, v3  }
0xc9: {  	v16 =	vld.idx.msk [tilespmem:v16+s10+$0x0], $0xffff;
	v62 =	vadd.s32 v0, v3;
	v0 =	vor.u32 $0x3C10, v1  }
0xca: {  	v18 =	vld.idx.msk [tilespmem:v18+s10+$0x0], $0xffff;
	v63 =	vadd.s32 v0, v3  }
0xcb: {  	v28 =	vadd.s32 $0x60, v12;
	v21 =	vadd.s32 v31, v3;
	v20 =	vld.idx.msk [tilespmem:v20+s10+$0x0], $0xffff;
	[tilespmem:$0x1FDE0] =	vst v0;
	v0 =	vor.u32 $0x3C20, v1  }
0xcc: {  	v32 =	vadd.s32 v4, v28;
	v22 =	vld.idx.msk [tilespmem:v22+s10+$0x0], $0xffff;
	[tilespmem:$0x1FDF0] =	vst v0;
	v27 =	vadd.s32 v0, v3;
	v0 =	vor.u32 $0x3C30, v1  }
0xcd: {  	v29 =	vor.u32 v2, v32;
	v33 =	vadd.s32 v5, v28;
	v23 =	vld.idx.msk [tilespmem:v23+s10+$0x0], $0xffff;
	v3 =	vadd.s32 v0, v3  }
0xce: {  	v12 =	vadd.s32 $0x70, v12;
	v30 =	vor.u32 v2, v33;
	v25 =	vld.idx.msk [tilespmem:v62+s10+$0x0], $0xffff;
	v62 =	vadd.s32 v6, v28  }
0xcf: {  	v33 =	vadd.s32 v8, v28;
	v26 =	vld.idx.msk [tilespmem:v63+s10+$0x0], $0xffff;
	v31 =	vor.u32 v2, v62;
	v63 =	vadd.s32 v7, v28  }
0xd0: {  	v33 =	vor.u32 v2, v33;
	v15 =	vmul.f32 $8.000000000e+00, v15;
	v21 =	vld.idx.msk [tilespmem:v21+s10+$0x0], $0xffff;
	v32 =	vor.u32 v2, v63  }
0xd1: {  	v16 =	vmul.f32 $8.000000000e+00, v16;
	v19 =	vmul.f32 $8.000000000e+00, v19;
	v62 =	vadd.s32 v9, v28;
	v27 =	vld.idx.msk [tilespmem:v27+s10+$0x0], $0xffff  }
0xd2: {  	v3 =	vld.idx.msk [tilespmem:v3+s10+$0x0], $0xffff;
	[tilespmem:v29+s13+$0x0] =	vst.idx.msk $0xffff, v15;
	v15 =	vor.u32 v2, v62;
	v62 =	vadd.s32 v10, v28  }
0xd3: {  	v13 =	vmul.f32 $8.000000000e+00, v13;
	v28 =	vadd.s32 v11, v28;
	[tilespmem:v30+s13+$0x0] =	vst.idx.msk $0xffff, v16;
	v16 =	vor.u32 v2, v62  }
0xd4: {  	v4 =	vadd.s32 v4, v12;
	v14 =	vmul.f32 $8.000000000e+00, v14;
	[tilespmem:v31+s13+$0x0] =	vst.idx.msk $0xffff, v19;
	v31 =	vor.u32 v2, v28  }
0xd5: {  	v4 =	vor.u32 v2, v4;
	v5 =	vadd.s32 v5, v12;
	v62 =	vmul.f32 $8.000000000e+00, v17;
	[tilespmem:v32+s13+$0x0] =	vst.idx.msk $0xffff, v13  }
0xd6: {  	v5 =	vor.u32 v2, v5;
	v6 =	vadd.s32 v6, v12;
	v17 =	vmul.f32 $8.000000000e+00, v18;
	[tilespmem:v33+s13+$0x0] =	vst.idx.msk $0xffff, v14  }
0xd7: {  	v6 =	vor.u32 v2, v6;
	v7 =	vadd.s32 v7, v12;
	v18 =	vmul.f32 $8.000000000e+00, v24;
	[tilespmem:v15+s13+$0x0] =	vst.idx.msk $0xffff, v62  }
0xd8: {  	v8 =	vadd.s32 v8, v12;
	v7 =	vor.u32 v2, v7;
	v24 =	vmul.f32 $8.000000000e+00, v20;
	[tilespmem:v16+s13+$0x0] =	vst.idx.msk $0xffff, v17  }
0xd9: {  	v8 =	vor.u32 v2, v8;
	v9 =	vadd.s32 v9, v12;
	v28 =	vmul.f32 $8.000000000e+00, v21;
	[tilespmem:v31+s13+$0x0] =	vst.idx.msk $0xffff, v18  }
0xda: {  	v9 =	vor.u32 v2, v9;
	v29 =	vmul.f32 $8.000000000e+00, v22;
	v10 =	vadd.s32 v10, v12;
	[tilespmem:v4+s13+$0x0] =	vst.idx.msk $0xffff, v24  }
0xdb: {  	v30 =	vadd.s32 v11, v12;
	v10 =	vor.u32 v2, v10;
	v31 =	vmul.f32 $8.000000000e+00, v23;
	[tilespmem:v5+s13+$0x0] =	vst.idx.msk $0xffff, v28  }
0xdc: {  	p1 =	sne.s32 s23, $0x3C0;
	v2 =	vor.u32 v2, v30;
	v32 =	vmul.f32 $8.000000000e+00, v25;
	[tilespmem:v6+s13+$0x0] =	vst.idx.msk $0xffff, v29  }
.Ltmp3:
0xdd: {  	v33 =	vmul.f32 $8.000000000e+00, v26;
	[tilespmem:v7+s13+$0x0] =	vst.idx.msk $0xffff, v31;
	(pc) =	sbr.rel @p1 .LBB2_5-.Ltmp3, $4  }
0xde: {  	v62 =	vmul.f32 $8.000000000e+00, v27;
	[tilespmem:v8+s13+$0x0] =	vst.idx.msk $0xffff, v32  }
0xdf: {  	v3 =	vmul.f32 $8.000000000e+00, v3;
	[tilespmem:v9+s13+$0x0] =	vst.idx.msk $0xffff, v33  }
0xe0: {  	v63 =	vmov v34;
	[tilespmem:v10+s13+$0x0] =	vst.idx.msk $0xffff, v62  }
0xe1: {  	s23 =	sadd.s32 $0x40, s23;
	v34 =	vmov v63;
	[tilespmem:v2+s13+$0x0] =	vst.idx.msk $0xffff, v3  }
0xe2: {  	s23 =	sadd.s32 s5, s22  }
0xe3: {  	s24 =	sshll.u32 s23, $0x8  }
0xe4: {  	s23 =	sshll.u32 s23, $0xB;
	s24 =	sand.u32 $0xE00, s24  }
0xe5: {  	s23 =	sand.u32 $0xFFF8000, s23;
	s24 =	sadd.s32 s2, s24  }
0xe6: {  	p1 =	seq.s32 s21, $0x31;
	s23 =	sadd.s32 s23, s24  }
0xe7: {  	[hbm4b:s23+s14] =	stream.strided.scatter [tilespmem:s13], [sflag:$0x3], $0x4000, s15, s14, $0x38;
	[tilespmem:$0x16700] =	vst v63  }
0xe8: {  	s23 =	sshll.u32 @!p1 s21, $0x9  }
0xe9: {  	s23 =	sand.u32 @!p1 $0x3FFFFE00, s23  }
0xea: {  	s25 =	simm.s32 @!p1 $0x6400;
	s24 =	simm.s32 @!p1 $0x100;
	s23 =	sadd.s32 @!p1 $0x200, s23  }
0xeb: {  	[tilespmem:s25], [sflag:$0x1] =	stream.indirect.gather @!p1 [hbm4b:s4+s24], $0x40, s23, s24, $0xb8;
	[tilespmem:$0x16700] =	vst v63  }
0xec: {  	_ =	swait.ge [sflag:s16], $0x4000  }
0xed: {  	[sflag:s16] =	ssyncset.done $0x0  }
0xee: {  	s23 =	simm.s32 @!p0 $0x4;
	[sflag:s16] =	ssyncadd.s32 $0xFFFFC000  }
0xef: {  	_ =	swait.ge @!p0 [sflag:s23], $0x4000  }
0xf0: {  	[sflag:s23] =	ssyncset.done @!p0 $0x0  }
0xf1: {  	s22 =	sor.u32 $0x1, s22;
	[sflag:s23] =	ssyncadd.s32 @!p0 $0xFFFFC000;
	s23 =	simm.s32 $0x0  }
.LBB2_7:
0xf2: {  	s24 =	sshra.s32 s23, $0x2  }
0xf3: {  	v3 =	vld [tilespmem:s24+$0x16400];
	_ =	sdelay $0x4  }
0xf4: {  	v2 =	vadd.s32 v1, v3  }
0xf5: {  	v4 =	vadd.s32 v35, v3  }
0xf6: {  	v5 =	vadd.s32 v36, v3  }
0xf7: {  	v6 =	vld [tilespmem:s24+$0x16500];
	v7 =	vadd.s32 v37, v3  }
0xf8: {  	v8 =	vld [tilespmem:s24+$0x16600];
	v9 =	vadd.s32 v38, v3  }
0xf9: {  	v10 =	vadd.s32 v39, v3;
	v2 =	vld.idx.msk [tilespmem:v2+s11+$0x0], $0xffff  }
0xfa: {  	v11 =	vadd.s32 v40, v3;
	v4 =	vld.idx.msk [tilespmem:v4+s11+$0x0], $0xffff  }
0xfb: {  	v12 =	vadd.s32 v41, v3;
	v5 =	vld.idx.msk [tilespmem:v5+s11+$0x0], $0xffff  }
0xfc: {  	v13 =	vadd.s32 v42, v3;
	v7 =	vld.idx.msk [tilespmem:v7+s11+$0x0], $0xffff  }
0xfd: {  	v31 =	vadd.s32 v43, v3;
	v14 =	vld.idx.msk [tilespmem:v9+s11+$0x0], $0xffff  }
0xfe: {  	v32 =	vadd.s32 v44, v3;
	v15 =	vld.idx.msk [tilespmem:v10+s11+$0x0], $0xffff  }
0xff: {  	v33 =	vadd.s32 v45, v3;
	v21 =	vadd.s32 v46, v3;
	v17 =	vld.idx.msk [tilespmem:v11+s11+$0x0], $0xffff  }
0x100: {  	v23 =	vadd.s32 v47, v3;
	v24 =	vadd.s32 v48, v3;
	v26 =	vadd.s32 v49, v3;
	v20 =	vld.idx.msk [tilespmem:v12+s11+$0x0], $0xffff  }
0x101: {  	v13 =	vld.idx.msk [tilespmem:v13+s11+$0x0], $0xffff;
	v12 =	vand.u32 $0xFFFFFFF8, v8;
	v16 =	vmul.f32 $8.000000000e+00, v2;
	v18 =	vmul.f32 $8.000000000e+00, v4  }
0x102: {  	v25 =	vld.idx.msk [tilespmem:v31+s11+$0x0], $0xffff;
	v19 =	vmul.f32 $8.000000000e+00, v5;
	v22 =	vmul.f32 $8.000000000e+00, v7;
	v4 =	vshll.u32 v6, $0xB  }
0x103: {  	v27 =	vld.idx.msk [tilespmem:v32+s11+$0x0], $0xffff;
	v2 =	vand.u32 $0x7, v8;
	v6 =	vadd.s32 v4, v12;
	v5 =	vadd.s32 $0x1000, v4  }
0x104: {  	v28 =	vld.idx.msk [tilespmem:v33+s11+$0x0], $0xffff;
	v62 =	vor.u32 v2, v6;
	v30 =	vadd.s32 v12, v5;
	v6 =	vadd.s32 $0x2000, v4  }
0x105: {  	v21 =	vld.idx.msk [tilespmem:v21+s11+$0x0], $0xffff;
	v7 =	vadd.s32 $0x3000, v4;
	v29 =	vor.u32 v2, v30;
	v31 =	vadd.s32 v12, v6  }
0x106: {  	v23 =	vld.idx.msk [tilespmem:v23+s11+$0x0], $0xffff;
	v8 =	vor.u32 $0x400, v4;
	v32 =	vadd.s32 v12, v7;
	v30 =	vor.u32 v2, v31  }
0x107: {  	v24 =	vld.idx.msk [tilespmem:v24+s11+$0x0], $0xffff;
	v9 =	vadd.s32 $0x1400, v4;
	v33 =	vadd.s32 v12, v8;
	v31 =	vor.u32 v2, v32  }
0x108: {  	v26 =	vld.idx.msk [tilespmem:v26+s11+$0x0], $0xffff;
	v10 =	vadd.s32 $0x2400, v4;
	v32 =	vor.u32 v2, v33;
	v33 =	vadd.s32 v12, v9  }
0x109: {  	v11 =	vadd.s32 $0x3400, v4;
	[tilespmem:v62+s17+$0x0] =	vst.idx.msk $0xffff, v16;
	v16 =	vor.u32 v2, v33;
	v62 =	vadd.s32 v12, v10  }
0x10a: {  	v33 =	vadd.s32 $0x10, v12;
	[tilespmem:v29+s17+$0x0] =	vst.idx.msk $0xffff, v18;
	v18 =	vor.u32 v2, v62;
	v62 =	vadd.s32 v12, v11  }
0x10b: {  	v14 =	vmul.f32 $8.000000000e+00, v14;
	[tilespmem:v30+s17+$0x0] =	vst.idx.msk $0xffff, v19;
	v19 =	vor.u32 v2, v62;
	v62 =	vadd.s32 v4, v33  }
0x10c: {  	v15 =	vmul.f32 $8.000000000e+00, v15;
	[tilespmem:v31+s17+$0x0] =	vst.idx.msk $0xffff, v22;
	v22 =	vor.u32 v2, v62;
	v62 =	vadd.s32 v5, v33  }
0x10d: {  	v17 =	vmul.f32 $8.000000000e+00, v17;
	[tilespmem:v32+s17+$0x0] =	vst.idx.msk $0xffff, v14;
	v14 =	vor.u32 v2, v62;
	v62 =	vadd.s32 v6, v33  }
0x10e: {  	v20 =	vmul.f32 $8.000000000e+00, v20;
	v29 =	vadd.s32 v7, v33;
	[tilespmem:v16+s17+$0x0] =	vst.idx.msk $0xffff, v15;
	v15 =	vor.u32 v2, v62  }
0x10f: {  	v13 =	vmul.f32 $8.000000000e+00, v13;
	v30 =	vadd.s32 v8, v33;
	v16 =	vor.u32 v2, v29;
	[tilespmem:v18+s17+$0x0] =	vst.idx.msk $0xffff, v17  }
0x110: {  	v31 =	vmul.f32 $8.000000000e+00, v25;
	v32 =	vadd.s32 v9, v33;
	v17 =	vor.u32 v2, v30;
	[tilespmem:v19+s17+$0x0] =	vst.idx.msk $0xffff, v20  }
0x111: {  	v25 =	vadd.s32 v10, v33;
	v62 =	vmul.f32 $8.000000000e+00, v27;
	[tilespmem:v22+s17+$0x0] =	vst.idx.msk $0xffff, v13;
	v13 =	vor.u32 v2, v32  }
0x112: {  	v27 =	vmul.f32 $8.000000000e+00, v28;
	v28 =	vor.u32 v2, v25;
	v29 =	vadd.s32 v11, v33;
	[tilespmem:v14+s17+$0x0] =	vst.idx.msk $0xffff, v31  }
0x113: {  	v30 =	vmul.f32 $8.000000000e+00, v21;
	v31 =	vor.u32 v2, v29;
	[tilespmem:v15+s17+$0x0] =	vst.idx.msk $0xffff, v62  }
0x114: {  	v33 =	vadd.s32 v50, v3;
	v32 =	vmul.f32 $8.000000000e+00, v23;
	[tilespmem:v16+s17+$0x0] =	vst.idx.msk $0xffff, v27  }
0x115: {  	v23 =	vadd.s32 v51, v3;
	v62 =	vmul.f32 $8.000000000e+00, v24;
	[tilespmem:v17+s17+$0x0] =	vst.idx.msk $0xffff, v30  }
0x116: {  	v25 =	vadd.s32 v52, v3;
	v24 =	vmul.f32 $8.000000000e+00, v26;
	[tilespmem:v13+s17+$0x0] =	vst.idx.msk $0xffff, v32  }
0x117: {  	v26 =	vadd.s32 v53, v3;
	[tilespmem:v28+s17+$0x0] =	vst.idx.msk $0xffff, v62  }
0x118: {  	v30 =	vadd.s32 v57, v3;
	[tilespmem:v31+s17+$0x0] =	vst.idx.msk $0xffff, v24  }
0x119: {  	v16 =	vld.idx.msk [tilespmem:v33+s11+$0x0], $0xffff  }
0x11a: {  	v32 =	vadd.s32 v59, v3;
	v17 =	vld.idx.msk [tilespmem:v23+s11+$0x0], $0xffff  }
0x11b: {  	v13 =	vld.idx.msk [tilespmem:v25+s11+$0x0], $0xffff  }
0x11c: {  	v28 =	vadd.s32 v55, v3;
	v14 =	vld.idx.msk [tilespmem:v26+s11+$0x0], $0xffff  }
0x11d: {  	v62 =	vadd.s32 v34, v3;
	v20 =	vld.idx.msk [tilespmem:v30+s11+$0x0], $0xffff  }
0x11e: {  	v31 =	vadd.s32 v58, v3;
	v30 =	vld [tilespmem:$0x1FE00]  }
0x11f: {  	v22 =	vld.idx.msk [tilespmem:v32+s11+$0x0], $0xffff  }
0x120: {  	v33 =	vadd.s32 v60, v3;
	v32 =	vld [tilespmem:$0x1FE20]  }
0x121: {  	v29 =	vadd.s32 v56, v3;
	v18 =	vld.idx.msk [tilespmem:v28+s11+$0x0], $0xffff  }
0x122: {  	v25 =	vld.idx.msk [tilespmem:v62+s11+$0x0], $0xffff  }
0x123: {  	v28 =	vadd.s32 $0x20, v12;
	v21 =	vld.idx.msk [tilespmem:v31+s11+$0x0], $0xffff  }
0x124: {  	v27 =	vadd.s32 v54, v3;
	v24 =	vadd.s32 v61, v3;
	v31 =	vld [tilespmem:$0x1FE10];
	v62 =	vadd.s32 v6, v28  }
0x125: {  	v23 =	vld.idx.msk [tilespmem:v33+s11+$0x0], $0xffff;
	v33 =	vadd.s32 v4, v28;
	v16 =	vmul.f32 $8.000000000e+00, v16;
	v26 =	vadd.s32 v30, v3  }
0x126: {  	v19 =	vld.idx.msk [tilespmem:v29+s11+$0x0], $0xffff;
	v29 =	vadd.s32 v32, v3;
	v32 =	vor.u32 v2, v62;
	v62 =	vadd.s32 v7, v28  }
0x127: {  	v30 =	vor.u32 v2, v33;
	v33 =	vor.u32 v2, v62;
	v62 =	vadd.s32 v8, v28  }
0x128: {  	v34 =	vadd.s32 v5, v28;
	v17 =	vmul.f32 $8.000000000e+00, v17;
	v13 =	vmul.f32 $8.000000000e+00, v13  }
0x129: {  	v15 =	vld.idx.msk [tilespmem:v27+s11+$0x0], $0xffff;
	v14 =	vmul.f32 $8.000000000e+00, v14;
	v27 =	vadd.s32 v31, v3;
	v31 =	vor.u32 v2, v34  }
0x12a: {  	v34 =	vor.u32 v2, v62;
	v62 =	vmovc v1;
	v1 =	vmovc v61;
	v61 =	vmov v60;
	v60 =	vmov v59  }
0x12b: {  	v59 =	vmovc v58;
	v58 =	vmovc v57;
	v57 =	vmov v56;
	v56 =	vmov v55;
	v55 =	vmov v54  }
0x12c: {  	v54 =	vmovc v53;
	v53 =	vmovc v52;
	v52 =	vmov v51;
	v51 =	vmov v50;
	v50 =	vmov v49  }
0x12d: {  	v24 =	vld.idx.msk [tilespmem:v24+s11+$0x0], $0xffff;
	v49 =	vmovc v48;
	v48 =	vmovc v47;
	v47 =	vmov v46;
	v46 =	vmov v45;
	v45 =	vmov v44  }
0x12e: {  	v26 =	vld.idx.msk [tilespmem:v26+s11+$0x0], $0xffff;
	v44 =	vmovc v43;
	v43 =	vmovc v42;
	v42 =	vmov v41;
	v41 =	vmov v40;
	v40 =	vmov v39  }
0x12f: {  	v39 =	vmovc v38;
	v38 =	vmovc v37;
	v37 =	vmov v36;
	v36 =	vmov v35;
	v35 =	vadd.s32 v9, v28;
	v29 =	vld.idx.msk [tilespmem:v29+s11+$0x0], $0xffff  }
0x130: {  	v15 =	vmul.f32 $8.000000000e+00, v15;
	v19 =	vmul.f32 $8.000000000e+00, v19;
	v27 =	vld.idx.msk [tilespmem:v27+s11+$0x0], $0xffff;
	[tilespmem:v30+s17+$0x0] =	vst.idx.msk $0xffff, v16;
	v16 =	vor.u32 v2, v35  }
0x131: {  	v35 =	vadd.s32 v10, v28;
	v28 =	vadd.s32 v11, v28;
	v30 =	vadd.s32 $0x30, v12  }
0x132: {  	v20 =	vmul.f32 $8.000000000e+00, v20;
	[tilespmem:v31+s17+$0x0] =	vst.idx.msk $0xffff, v17;
	v17 =	vor.u32 v2, v35;
	v35 =	vadd.s32 v7, v30  }
0x133: {  	v18 =	vmul.f32 $8.000000000e+00, v18;
	[tilespmem:v32+s17+$0x0] =	vst.idx.msk $0xffff, v13;
	v13 =	vor.u32 v2, v28;
	v32 =	vadd.s32 v4, v30  }
0x134: {  	v21 =	vmul.f32 $8.000000000e+00, v21;
	v28 =	vadd.s32 v8, v30;
	[tilespmem:v33+s17+$0x0] =	vst.idx.msk $0xffff, v14;
	v14 =	vor.u32 v2, v32  }
0x135: {  	v31 =	vmul.f32 $8.000000000e+00, v22;
	v22 =	vld [tilespmem:$0x1FE70];
	v33 =	vadd.s32 v5, v30;
	v32 =	vadd.s32 v9, v30;
	[tilespmem:v34+s17+$0x0] =	vst.idx.msk $0xffff, v15  }
0x136: {  	v15 =	vor.u32 v2, v33;
	v34 =	vadd.s32 v6, v30;
	v33 =	vmul.f32 $8.000000000e+00, v23;
	v23 =	vld [tilespmem:$0x1FE80];
	[tilespmem:v16+s17+$0x0] =	vst.idx.msk $0xffff, v18  }
0x137: {  	v18 =	vld [tilespmem:$0x1FE50];
	[tilespmem:v17+s17+$0x0] =	vst.idx.msk $0xffff, v19;
	v17 =	vor.u32 v2, v35;
	v35 =	vmul.f32 $8.000000000e+00, v24;
	v24 =	vadd.s32 v11, v30  }
0x138: {  	v16 =	vor.u32 v2, v34;
	v34 =	vadd.s32 v10, v30;
	v30 =	vor.u32 v2, v24;
	v24 =	vld [tilespmem:$0x1FE90]  }
0x139: {  	[tilespmem:v13+s17+$0x0] =	vst.idx.msk $0xffff, v20;
	v13 =	vor.u32 v2, v28;
	v28 =	vmul.f32 $8.000000000e+00, v25;
	v25 =	vld [tilespmem:$0x1FEA0]  }
0x13a: {  	[tilespmem:v14+s17+$0x0] =	vst.idx.msk $0xffff, v21;
	v14 =	vor.u32 v2, v32;
	v32 =	vld [tilespmem:$0x1FE30]  }
0x13b: {  	v21 =	vld [tilespmem:$0x1FE60]  }
0x13c: {  	[tilespmem:v15+s17+$0x0] =	vst.idx.msk $0xffff, v31;
	v15 =	vor.u32 v2, v34;
	v34 =	vld [tilespmem:$0x1FE40]  }
0x13d: {  	v31 =	vmul.f32 $8.000000000e+00, v26;
	v26 =	vld [tilespmem:$0x1FEB0]  }
0x13e: {  	[tilespmem:v16+s17+$0x0] =	vst.idx.msk $0xffff, v33;
	v33 =	vmul.f32 $8.000000000e+00, v27;
	v27 =	vld [tilespmem:$0x1FEC0]  }
0x13f: {  	[tilespmem:v17+s17+$0x0] =	vst.idx.msk $0xffff, v35;
	v35 =	vmul.f32 $8.000000000e+00, v29;
	v29 =	vld [tilespmem:$0x1FEE0]  }
0x140: {  	v16 =	vadd.s32 v22, v3;
	[tilespmem:v13+s17+$0x0] =	vst.idx.msk $0xffff, v28;
	v28 =	vld [tilespmem:$0x1FED0]  }
0x141: {  	v19 =	vadd.s32 v24, v3;
	[tilespmem:v14+s17+$0x0] =	vst.idx.msk $0xffff, v31;
	v31 =	vld [tilespmem:$0x1FF00]  }
0x142: {  	v20 =	vadd.s32 v25, v3;
	v17 =	vadd.s32 v32, v3;
	v32 =	vld [tilespmem:$0x1FF10]  }
0x143: {  	[tilespmem:v15+s17+$0x0] =	vst.idx.msk $0xffff, v33;
	v33 =	vld [tilespmem:$0x1FF20]  }
0x144: {  	v14 =	vadd.s32 v18, v3;
	[tilespmem:v30+s17+$0x0] =	vst.idx.msk $0xffff, v35;
	v30 =	vld [tilespmem:$0x1FEF0]  }
0x145: {  	v18 =	vadd.s32 v23, v3;
	v16 =	vld.idx.msk [tilespmem:v16+s11+$0x0], $0xffff  }
0x146: {  	v13 =	vadd.s32 v34, v3;
	v19 =	vld.idx.msk [tilespmem:v19+s11+$0x0], $0xffff  }
0x147: {  	v15 =	vadd.s32 v21, v3;
	v20 =	vld.idx.msk [tilespmem:v20+s11+$0x0], $0xffff  }
0x148: {  	v21 =	vadd.s32 v26, v3;
	v17 =	vld.idx.msk [tilespmem:v17+s11+$0x0], $0xffff  }
0x149: {  	v22 =	vadd.s32 v27, v3;
	v14 =	vld.idx.msk [tilespmem:v14+s11+$0x0], $0xffff  }
0x14a: {  	v24 =	vadd.s32 v29, v3;
	v18 =	vld.idx.msk [tilespmem:v18+s11+$0x0], $0xffff  }
0x14b: {  	v23 =	vadd.s32 v28, v3;
	v13 =	vld.idx.msk [tilespmem:v13+s11+$0x0], $0xffff  }
0x14c: {  	v26 =	vadd.s32 v31, v3;
	v15 =	vld.idx.msk [tilespmem:v15+s11+$0x0], $0xffff  }
0x14d: {  	v28 =	vadd.s32 $0x40, v12;
	v27 =	vadd.s32 v32, v3;
	v21 =	vld.idx.msk [tilespmem:v21+s11+$0x0], $0xffff  }
0x14e: {  	v34 =	vadd.s32 v4, v28;
	v35 =	vadd.s32 v5, v28;
	v29 =	vadd.s32 v33, v3;
	v22 =	vld.idx.msk [tilespmem:v22+s11+$0x0], $0xffff  }
0x14f: {  	v32 =	vadd.s32 v6, v28;
	v25 =	vadd.s32 v30, v3;
	v30 =	vor.u32 v2, v34;
	v24 =	vld.idx.msk [tilespmem:v24+s11+$0x0], $0xffff  }
0x150: {  	v31 =	vor.u32 v2, v35;
	v32 =	vor.u32 v2, v32;
	v33 =	vadd.s32 v7, v28;
	v23 =	vld.idx.msk [tilespmem:v23+s11+$0x0], $0xffff  }
0x151: {  	v35 =	vadd.s32 v9, v28;
	v33 =	vor.u32 v2, v33;
	v16 =	vmul.f32 $8.000000000e+00, v16;
	v26 =	vld.idx.msk [tilespmem:v26+s11+$0x0], $0xffff  }
0x152: {  	v34 =	vadd.s32 v8, v28;
	v19 =	vmul.f32 $8.000000000e+00, v19;
	v17 =	vmul.f32 $8.000000000e+00, v17;
	v27 =	vld.idx.msk [tilespmem:v27+s11+$0x0], $0xffff  }
0x153: {  	v34 =	vor.u32 v2, v34;
	v14 =	vmul.f32 $8.000000000e+00, v14;
	v18 =	vmul.f32 $8.000000000e+00, v18;
	v29 =	vld.idx.msk [tilespmem:v29+s11+$0x0], $0xffff  }
0x154: {  	v13 =	vmul.f32 $8.000000000e+00, v13;
	v15 =	vmul.f32 $8.000000000e+00, v15;
	v25 =	vld.idx.msk [tilespmem:v25+s11+$0x0], $0xffff;
	[tilespmem:v30+s17+$0x0] =	vst.idx.msk $0xffff, v17;
	v17 =	vor.u32 v2, v35  }
0x155: {  	v35 =	vmovc v36;
	v36 =	vmovc v37;
	v37 =	vmov v38;
	v38 =	vmov v39;
	v39 =	vmov v40  }
0x156: {  	v40 =	vmovc v41;
	v41 =	vmovc v42;
	v42 =	vmov v43;
	v43 =	vmov v44;
	v44 =	vmov v45  }
0x157: {  	v45 =	vmovc v46;
	v46 =	vmovc v47;
	v47 =	vmov v48;
	v48 =	vmov v49;
	v49 =	vmov v50  }
0x158: {  	v50 =	vmovc v51;
	v51 =	vmovc v52;
	v52 =	vmov v53;
	v53 =	vmov v54;
	v54 =	vmov v55  }
0x159: {  	v55 =	vmovc v56;
	v56 =	vmovc v57;
	v57 =	vmov v58;
	v58 =	vmov v59;
	v30 =	vadd.s32 v10, v28  }
0x15a: {  	v28 =	vadd.s32 v11, v28;
	[tilespmem:v31+s17+$0x0] =	vst.idx.msk $0xffff, v13;
	v13 =	vor.u32 v2, v30;
	v30 =	vadd.s32 $0x50, v12  }
0x15b: {  	v59 =	vmov v60;
	[tilespmem:v32+s17+$0x0] =	vst.idx.msk $0xffff, v14;
	v14 =	vor.u32 v2, v28;
	v32 =	vadd.s32 v4, v30  }
0x15c: {  	v60 =	vmovc v61;
	v61 =	vmov v1;
	v1 =	vmov v62;
	v62 =	vld [tilespmem:$0x1FF30];
	[tilespmem:v33+s17+$0x0] =	vst.idx.msk $0xffff, v15;
	v15 =	vor.u32 v2, v32  }
0x15d: {  	v20 =	vmul.f32 $8.000000000e+00, v20;
	v28 =	vmul.f32 $8.000000000e+00, v22;
	v22 =	vld [tilespmem:$0x1FF80];
	v33 =	vadd.s32 v5, v30;
	[tilespmem:v34+s17+$0x0] =	vst.idx.msk $0xffff, v16  }
0x15e: {  	v21 =	vmul.f32 $8.000000000e+00, v21;
	v32 =	vadd.s32 v6, v30;
	v16 =	vor.u32 v2, v33;
	[tilespmem:v17+s17+$0x0] =	vst.idx.msk $0xffff, v18;
	v18 =	vld [tilespmem:$0x1FF50]  }
0x15f: {  	v33 =	vadd.s32 v7, v30;
	v17 =	vor.u32 v2, v32;
	v32 =	vmul.f32 $8.000000000e+00, v23;
	v23 =	vld [tilespmem:$0x1FF90];
	[tilespmem:v13+s17+$0x0] =	vst.idx.msk $0xffff, v19  }
0x160: {  	v34 =	vadd.s32 v8, v30;
	v13 =	vor.u32 v2, v33;
	[tilespmem:v14+s17+$0x0] =	vst.idx.msk $0xffff, v20;
	v20 =	vld [tilespmem:$0x1FF60]  }
0x161: {  	v14 =	vor.u32 v2, v34;
	v34 =	vmul.f32 $8.000000000e+00, v24;
	v24 =	vadd.s32 v11, v30;
	[tilespmem:v15+s17+$0x0] =	vst.idx.msk $0xffff, v21;
	v21 =	vld [tilespmem:$0x1FF70]  }
0x162: {  	v31 =	vadd.s32 v9, v30;
	v33 =	vadd.s32 v10, v30;
	v30 =	vor.u32 v2, v24;
	v24 =	vld [tilespmem:$0x1FFA0]  }
0x163: {  	v15 =	vor.u32 v2, v31;
	v31 =	vmul.f32 $8.000000000e+00, v26;
	v26 =	vld [tilespmem:$0x1FFC0]  }
0x164: {  	[tilespmem:v16+s17+$0x0] =	vst.idx.msk $0xffff, v28;
	v16 =	vor.u32 v2, v33;
	v28 =	vmul.f32 $8.000000000e+00, v25;
	v25 =	vld [tilespmem:$0x1FFB0]  }
0x165: {  	v33 =	vmul.f32 $8.000000000e+00, v27;
	v27 =	vld [tilespmem:$0x1FFD0];
	[tilespmem:v17+s17+$0x0] =	vst.idx.msk $0xffff, v32  }
0x166: {  	v32 =	vadd.s32 v62, v3;
	v62 =	vmul.f32 $8.000000000e+00, v29;
	v29 =	vld [tilespmem:$0x1FFF0];
	[tilespmem:v13+s17+$0x0] =	vst.idx.msk $0xffff, v34  }
0x167: {  	v19 =	vadd.s32 v23, v3;
	v34 =	vld [tilespmem:$0x1FF40];
	[tilespmem:v14+s17+$0x0] =	vst.idx.msk $0xffff, v28  }
0x168: {  	v28 =	vld [tilespmem:$0x1FFE0];
	[tilespmem:v15+s17+$0x0] =	vst.idx.msk $0xffff, v31;
	v15 =	vadd.s32 v18, v3  }
0x169: {  	v17 =	vadd.s32 v21, v3;
	v31 =	vld [tilespmem:$0x1FDF0];
	[tilespmem:v16+s17+$0x0] =	vst.idx.msk $0xffff, v33  }
0x16a: {  	v18 =	vadd.s32 v22, v3;
	[tilespmem:v30+s17+$0x0] =	vst.idx.msk $0xffff, v62;
	v30 =	vld [tilespmem:$0x1FDE0]  }
0x16b: {  	v22 =	vadd.s32 v26, v3;
	v13 =	vld.idx.msk [tilespmem:v32+s11+$0x0], $0xffff  }
0x16c: {  	v16 =	vadd.s32 v20, v3;
	v19 =	vld.idx.msk [tilespmem:v19+s11+$0x0], $0xffff  }
0x16d: {  	v20 =	vadd.s32 v24, v3;
	v15 =	vld.idx.msk [tilespmem:v15+s11+$0x0], $0xffff  }
0x16e: {  	v21 =	vadd.s32 v25, v3;
	v17 =	vld.idx.msk [tilespmem:v17+s11+$0x0], $0xffff  }
0x16f: {  	v23 =	vadd.s32 v27, v3;
	v18 =	vld.idx.msk [tilespmem:v18+s11+$0x0], $0xffff  }
0x170: {  	v14 =	vadd.s32 v34, v3;
	v22 =	vld.idx.msk [tilespmem:v22+s11+$0x0], $0xffff  }
0x171: {  	v25 =	vadd.s32 v29, v3;
	v16 =	vld.idx.msk [tilespmem:v16+s11+$0x0], $0xffff  }
0x172: {  	v24 =	vadd.s32 v28, v3;
	v20 =	vld.idx.msk [tilespmem:v20+s11+$0x0], $0xffff  }
0x173: {  	v27 =	vadd.s32 v31, v3;
	v21 =	vld.idx.msk [tilespmem:v21+s11+$0x0], $0xffff  }
0x174: {  	v28 =	vadd.s32 $0x60, v12;
	v23 =	vld.idx.msk [tilespmem:v23+s11+$0x0], $0xffff;
	v26 =	vadd.s32 v30, v3  }
0x175: {  	v32 =	vadd.s32 v4, v28;
	v3 =	vadd.s32 v0, v3;
	v14 =	vld.idx.msk [tilespmem:v14+s11+$0x0], $0xffff  }
0x176: {  	v33 =	vadd.s32 v5, v28;
	v29 =	vor.u32 v2, v32;
	v25 =	vld.idx.msk [tilespmem:v25+s11+$0x0], $0xffff  }
0x177: {  	v34 =	vadd.s32 v6, v28;
	v62 =	vadd.s32 v7, v28;
	v30 =	vor.u32 v2, v33;
	v24 =	vld.idx.msk [tilespmem:v24+s11+$0x0], $0xffff  }
0x178: {  	v31 =	vor.u32 v2, v34;
	v32 =	vor.u32 v2, v62;
	v62 =	vadd.s32 v8, v28;
	v27 =	vld.idx.msk [tilespmem:v27+s11+$0x0], $0xffff  }
0x179: {  	v33 =	vor.u32 v2, v62;
	v13 =	vmul.f32 $8.000000000e+00, v13;
	v26 =	vld.idx.msk [tilespmem:v26+s11+$0x0], $0xffff  }
0x17a: {  	v62 =	vadd.s32 v9, v28;
	v15 =	vmul.f32 $8.000000000e+00, v15;
	v3 =	vld.idx.msk [tilespmem:v3+s11+$0x0], $0xffff;
	v14 =	vmul.f32 $8.000000000e+00, v14  }
0x17b: {  	[tilespmem:v29+s17+$0x0] =	vst.idx.msk $0xffff, v13;
	v13 =	vmul.f32 $8.000000000e+00, v16;
	v16 =	vor.u32 v2, v62;
	v62 =	vadd.s32 v10, v28  }
0x17c: {  	v12 =	vadd.s32 $0x70, v12;
	v28 =	vadd.s32 v11, v28;
	[tilespmem:v30+s17+$0x0] =	vst.idx.msk $0xffff, v14;
	v14 =	vor.u32 v2, v62  }
0x17d: {  	v4 =	vadd.s32 v4, v12;
	v62 =	vor.u32 v2, v28;
	[tilespmem:v31+s17+$0x0] =	vst.idx.msk $0xffff, v15;
	v31 =	vmul.f32 $8.000000000e+00, v17  }
0x17e: {  	v5 =	vadd.s32 v5, v12;
	v4 =	vor.u32 v2, v4;
	v18 =	vmul.f32 $8.000000000e+00, v18;
	[tilespmem:v32+s17+$0x0] =	vst.idx.msk $0xffff, v13  }
0x17f: {  	v6 =	vadd.s32 v6, v12;
	v5 =	vor.u32 v2, v5;
	v19 =	vmul.f32 $8.000000000e+00, v19;
	[tilespmem:v33+s17+$0x0] =	vst.idx.msk $0xffff, v31  }
0x180: {  	v7 =	vadd.s32 v7, v12;
	v6 =	vor.u32 v2, v6;
	v20 =	vmul.f32 $8.000000000e+00, v20;
	[tilespmem:v16+s17+$0x0] =	vst.idx.msk $0xffff, v18  }
0x181: {  	v7 =	vor.u32 v2, v7;
	v8 =	vadd.s32 v8, v12;
	v21 =	vmul.f32 $8.000000000e+00, v21;
	[tilespmem:v14+s17+$0x0] =	vst.idx.msk $0xffff, v19  }
0x182: {  	v8 =	vor.u32 v2, v8;
	v9 =	vadd.s32 v9, v12;
	v28 =	vmul.f32 $8.000000000e+00, v22;
	[tilespmem:v62+s17+$0x0] =	vst.idx.msk $0xffff, v20  }
0x183: {  	v9 =	vor.u32 v2, v9;
	v29 =	vmul.f32 $8.000000000e+00, v23;
	v10 =	vadd.s32 v10, v12;
	[tilespmem:v4+s17+$0x0] =	vst.idx.msk $0xffff, v21  }
0x184: {  	v10 =	vor.u32 v2, v10;
	v30 =	vadd.s32 v11, v12;
	v31 =	vmul.f32 $8.000000000e+00, v24;
	[tilespmem:v5+s17+$0x0] =	vst.idx.msk $0xffff, v28  }
0x185: {  	p0 =	sne.s32 s23, $0x3C0;
	v2 =	vor.u32 v2, v30;
	v32 =	vmul.f32 $8.000000000e+00, v25;
	[tilespmem:v6+s17+$0x0] =	vst.idx.msk $0xffff, v29  }
.Ltmp4:
0x186: {  	v33 =	vmul.f32 $8.000000000e+00, v26;
	[tilespmem:v7+s17+$0x0] =	vst.idx.msk $0xffff, v31;
	(pc) =	sbr.rel @p0 .LBB2_7-.Ltmp4, $4  }
0x187: {  	v62 =	vmul.f32 $8.000000000e+00, v27;
	[tilespmem:v8+s17+$0x0] =	vst.idx.msk $0xffff, v32  }
0x188: {  	v3 =	vmul.f32 $8.000000000e+00, v3;
	[tilespmem:v9+s17+$0x0] =	vst.idx.msk $0xffff, v33  }
0x189: {  	[tilespmem:v10+s17+$0x0] =	vst.idx.msk $0xffff, v62  }
0x18a: {  	s23 =	sadd.s32 $0x40, s23;
	v34 =	vmov v63;
	[tilespmem:v2+s17+$0x0] =	vst.idx.msk $0xffff, v3  }
0x18b: {  	s22 =	sadd.s32 s5, s22  }
.Ltmp5:
0x18c: {  	s23 =	sshll.u32 s22, $0x8;
	(pc) =	sbr.rel @p1 .LBB2_10-.Ltmp5, $4  }
0x18d: {  	s22 =	sshll.u32 s22, $0xB;
	s23 =	sand.u32 $0xF00, s23  }
0x18e: {  	s22 =	sand.u32 $0xFFF8000, s22;
	s23 =	sadd.s32 s2, s23  }
0x18f: {  	s22 =	sadd.s32 s22, s23  }
0x190: {  	[hbm4b:s22+s14] =	stream.strided.scatter [tilespmem:s17], [sflag:$0x4], $0x4000, s15, s14, $0x38;
	[tilespmem:$0x16700] =	vst v63  }
.Ltmp6:
0x191: {  	(pc) =	sbr.rel .LBB2_4-.Ltmp6, $4  }
0x192: {  	s22 =	sshll.u32 s21, $0x9  }
0x193: {  	s22 =	sand.u32 $0x3FFFFE00, s22  }
0x194: {  	s21 =	sadd.s32 $0x1, s21;
	s22 =	sadd.s32 $0x300, s22  }
0x195: {  	[tilespmem:s11], [sflag:$0x2] =	stream.indirect.gather [hbm4b:s4+s9], $0x40, s22, s9, $0xb8;
	[tilespmem:$0x16700] =	vst v63  }
.LBB2_11:
0x196: {  	_ =	sfence.sel $0x180000  }
0x197: {  	[bflag:$0x0] =	sbarrier.arrive $0xFFFF  }
0x198: {  	p0 =	sne.s32 s0, $0x0;
	_ =	strace $0x90000047  }
0x199: {  	s0 =	sadd.s32 @!p0 $0x100000, s1;
	[bflag:$0x2] =	sbarrier.arrive $0xFFFF  }
0x19a: {  	[sflag:s0] =	ssyncadd.tile.s32 @!p0 $0x1;
	_ =	shalt  }
.Lfunc_end2:
_tile_overlayer_lowered:
.L_overlay_start_2:
0x19b: {  	(tag) =	ssettag $0x2  }
0x19c: {  	s0 =	rddreg [dreg:$0x0];
	s2 =	stileid.u32  }
0x19d: {  	s1 =	rddreg [dreg:$0x1];
	p0 =	sne.s32 s2, $0x0  }
0x19e: {  	s3 =	rddreg [dreg:$0x2];
	[bflag:$0x3] =	sbarrier.arrive $0xFFFF;
	s2 =	simm.s32 @!p0 $0x1C05  }
0x19f: {  	[timem:s3], [sflag:s2] =	dma.local @!p0 [hbm:s0], s1  }
0x1a0: {  	s0 =	simm.s32 @!p0 $0x5  }
0x1a1: {  	_ =	swait.ge @!p0 [sflag:s0], s1  }
0x1a2: {  	s1 =	ssub.s32 @!p0 $0x0, s1;
	[sflag:s0] =	ssyncset.done @!p0 $0x0  }
0x1a3: {  	[sflag:s0] =	ssyncadd.s32 @!p0 s1  }
0x1a4: {  	[bflag:$0x3] =	sbarrier.arrive $0xFFFF  }
0x1a5: {  	_ =	shalt  }

</sc_bundles>
